<compile_context>
chip_gen: v7x
topology: tpu7x:2x2x1
jax: 0.10.2.dev20260603
libtpu: 0.0.44.dev20260713+nightly
codegen_flags: <defaults>
</compile_context>

<pallas_src>
import functools

import jax
import jax.numpy as jnp
from jax import lax
from jax.experimental import pallas as pl
from jax.experimental.pallas import tpu as pltpu
from jax.experimental.pallas import tpu_sc as plsc

NC = 2
NS = 16
NW = NC * NS
L = 16
NBUF = 3
CH = 16


@functools.lru_cache(maxsize=None)
def _make_sc_add(B, S, D):
    rows = S // NW
    ch = CH
    nch = rows // ch
    T = B * nch

    mesh = plsc.VectorSubcoreMesh(core_axis_name="c", subcore_axis_name="s")

    @functools.partial(
        pl.kernel,
        out_type=jax.ShapeDtypeStruct((B, S, D), jnp.float32),
        mesh=mesh,
        scratch_types=(
            [pltpu.VMEM((rows, D), jnp.float32)]
            + [pltpu.VMEM((ch, D), jnp.float32) for _ in range(NBUF)]
            + [pltpu.SemaphoreType.DMA for _ in range(2 * NBUF + rows // CH)]
        ),
    )
    def sc_add(x_hbm, pos_hbm, out_hbm, pos_buf, *bufs_and_sems):
        xbufs = bufs_and_sems[:NBUF]
        ld_sems = bufs_and_sems[NBUF:2 * NBUF]
        st_sems = bufs_and_sems[2 * NBUF:3 * NBUF]
        pos_sems = bufs_and_sems[3 * NBUF:]

        wid = lax.axis_index("s") * NC + lax.axis_index("c")
        row0 = wid * rows
        pos_loads = [
            pltpu.async_copy(
                pos_hbm.at[pl.ds(row0 + c * ch, ch), :],
                pos_buf.at[pl.ds(c * ch, ch), :],
                pos_sems[c],
            )
            for c in range(nch)
        ]

        loads, stores = {}, {}

        def start_load(t):
            i = t % NBUF
            b, c = divmod(t, nch)
            loads[t] = pltpu.async_copy(
                x_hbm.at[b, pl.ds(row0 + c * ch, ch), :], xbufs[i], ld_sems[i])

        def start_store(t):
            i = t % NBUF
            b, c = divmod(t, nch)
            stores[t] = pltpu.async_copy(
                xbufs[i], out_hbm.at[b, pl.ds(row0 + c * ch, ch), :], st_sems[i])

        for t in range(min(NBUF - 1, T)):
            start_load(t)

        for t in range(T):
            if t < nch:
                pos_loads[t].wait()
            loads[t].wait()
            buf = xbufs[t % NBUF]
            base = (t % nch) * ch

            @plsc.parallel_loop(0, ch * D, L, unroll=8)
            def _(o, buf=buf, base=base):
                r = o // D
                d0 = o - r * D
                plsc.addupdate(
                    buf.at[r, pl.ds(d0, L)], pos_buf[base + r, pl.ds(d0, L)]
                )

            start_store(t)

            if t + NBUF - 1 < T:
                if t - 1 >= 0:
                    stores[t - 1].wait()
                start_load(t + NBUF - 1)

        for t in range(max(0, T - NBUF), T):
            stores[t].wait()

    return sc_add


def kernel(x, pos_table):
    B, S, D = x.shape
    return _make_sc_add(B, S, D)(x, pos_table[:S])

# --- scband reference (transcript-rebuilt; emitter-appended) ---
"""Pipeline reference for scband-learnable-positional-encoding-10230612099080 (READ-ONLY COPY).

The authoritative reference and input builder live on the scoring server;
editing this copy changes nothing except your own understanding.
"""

import jax, jax.numpy as jnp
import numpy as np

D_MODEL = 1024
MAX_POS = 2048
BATCH = 4
SEQ = 2048

def setup_inputs(seed: int = 0) -> dict:
    key = jax.random.key(seed)
    k1, k2 = jax.random.split(key)
    x = jax.random.normal(k1, (BATCH, SEQ, D_MODEL), dtype=jnp.float32)
    pos_table = jax.random.normal(k2, (MAX_POS, D_MODEL), dtype=jnp.float32)
    return {"x": x, "pos_table": pos_table}

def reference(x, pos_table):
    # pos_ids buffer: arange(MAX_POS)[None, :], sliced to seq length
    seq_len = x.shape[1]
    pos_ids = jnp.arange(MAX_POS)[None, :seq_len]  # [1, S]
    pos = jnp.take(pos_table, pos_ids, axis=0)     # [1, S, d_model] embedding lookup
    return x + pos

if __name__ == "__main__":
    import jax
    _d = setup_inputs()
    print(jax.jit(kernel)(*tuple(_d.values())))

</pallas_src>

<mosaic_0001>
#map = affine_map<(d0, d1) -> (0, 0, 0)>
#map1 = affine_map<(d0, d1) -> (0, 0)>
module attributes {stable_mosaic.version = 14 : i64} {
  func.func @sc_add(%arg0: i32, %arg1: i32, %arg2: memref<4x2048x1024xf32, #tpu.memory_space<hbm>>, %arg3: memref<2048x1024xf32, #tpu.memory_space<hbm>>, %arg4: memref<4x2048x1024xf32, #tpu.memory_space<hbm>>, %arg5: memref<64x1024xf32, #tpu.memory_space<vmem>>, %arg6: memref<16x1024xf32, #tpu.memory_space<vmem>>, %arg7: memref<16x1024xf32, #tpu.memory_space<vmem>>, %arg8: memref<16x1024xf32, #tpu.memory_space<vmem>>, %arg9: memref<!tpu.dma_semaphore, #tpu.memory_space<semaphore_mem>>, %arg10: memref<!tpu.dma_semaphore, #tpu.memory_space<semaphore_mem>>, %arg11: memref<!tpu.dma_semaphore, #tpu.memory_space<semaphore_mem>>, %arg12: memref<!tpu.dma_semaphore, #tpu.memory_space<semaphore_mem>>, %arg13: memref<!tpu.dma_semaphore, #tpu.memory_space<semaphore_mem>>, %arg14: memref<!tpu.dma_semaphore, #tpu.memory_space<semaphore_mem>>, %arg15: memref<!tpu.dma_semaphore, #tpu.memory_space<semaphore_mem>>, %arg16: memref<!tpu.dma_semaphore, #tpu.memory_space<semaphore_mem>>, %arg17: memref<!tpu.dma_semaphore, #tpu.memory_space<semaphore_mem>>, %arg18: memref<!tpu.dma_semaphore, #tpu.memory_space<semaphore_mem>>) attributes {dimension_semantics = [#tpu.dimension_semantics<core_parallel>, #tpu.dimension_semantics<subcore_parallel>], iteration_bounds = array<i64: 2, 16>, scalar_prefetch = 0 : i64, scratch_operands = 14 : i64, tpu.core_type = #tpu.core_type<sc_vector_subcore>, window_params = [{transform_indices = #map}, {transform_indices = #map1}, {transform_indices = #map}]} {
    %mul3A = arith.constant 2 : i32
    %mul3A_0 = arith.muli %arg1, %mul3A : i32
    %add3A = arith.addi %mul3A_0, %arg0 : i32
    %mul3A_1 = arith.constant 64 : i32
    %mul3A_2 = arith.muli %add3A, %mul3A_1 : i32
    %add3A_3 = arith.constant 0 : i32
    %add3A_4 = arith.addi %mul3A_2, %add3A_3 : i32
    %dma_start3A = arith.constant 0 : i32
    %dma_start3A_5 = arith.constant 0 : i32
    %dma_start3A_6 = tpu.memref_slice %arg5[%dma_start3A, %dma_start3A_5] : memref<64x1024xf32, #tpu.memory_space<vmem>> -> memref<16x1024xf32, #tpu.memory_space<vmem>>
    %dma_start3A_7 = arith.constant 0 : i32
    %dma_start3A_8 = tpu.memref_slice %arg3[%add3A_4, %dma_start3A_7] : memref<2048x1024xf32, #tpu.memory_space<hbm>> -> memref<16x1024xf32, #tpu.memory_space<hbm>>
    %dma_start3A_9 = arith.constant 0 : i32
    %dma_start3A_10 = arith.constant 0 : i32
    %dma_start3A_11 = tpu.memref_slice %arg5[%dma_start3A_9, %dma_start3A_10] : memref<64x1024xf32, #tpu.memory_space<vmem>> -> memref<16x1024xf32, #tpu.memory_space<vmem>>
    %dma_start3A_12 = arith.constant 0 : i32
    %dma_start3A_13 = tpu.memref_slice %arg3[%add3A_4, %dma_start3A_12] : memref<2048x1024xf32, #tpu.memory_space<hbm>> -> memref<16x1024xf32, #tpu.memory_space<hbm>>
    tpu.enqueue_dma source(%dma_start3A_13 : memref<16x1024xf32, #tpu.memory_space<hbm>>) target(%dma_start3A_11 : memref<16x1024xf32, #tpu.memory_space<vmem>>) target_semaphore(%arg15 : memref<!tpu.dma_semaphore, #tpu.memory_space<semaphore_mem>>)
    %add3A_14 = arith.constant 16 : i32
    %add3A_15 = arith.addi %mul3A_2, %add3A_14 : i32
    %dma_start3A_16 = arith.constant 16 : i32
    %dma_start3A_17 = arith.constant 0 : i32
    %dma_start3A_18 = tpu.memref_slice %arg5[%dma_start3A_16, %dma_start3A_17] : memref<64x1024xf32, #tpu.memory_space<vmem>> -> memref<16x1024xf32, #tpu.memory_space<vmem>>
    %dma_start3A_19 = arith.constant 0 : i32
    %dma_start3A_20 = tpu.memref_slice %arg3[%add3A_15, %dma_start3A_19] : memref<2048x1024xf32, #tpu.memory_space<hbm>> -> memref<16x1024xf32, #tpu.memory_space<hbm>>
    %dma_start3A_21 = arith.constant 16 : i32
    %dma_start3A_22 = arith.constant 0 : i32
    %dma_start3A_23 = tpu.memref_slice %arg5[%dma_start3A_21, %dma_start3A_22] : memref<64x1024xf32, #tpu.memory_space<vmem>> -> memref<16x1024xf32, #tpu.memory_space<vmem>>
    %dma_start3A_24 = arith.constant 0 : i32
    %dma_start3A_25 = tpu.memref_slice %arg3[%add3A_15, %dma_start3A_24] : memref<2048x1024xf32, #tpu.memory_space<hbm>> -> memref<16x1024xf32, #tpu.memory_space<hbm>>
    tpu.enqueue_dma source(%dma_start3A_25 : memref<16x1024xf32, #tpu.memory_space<hbm>>) target(%dma_start3A_23 : memref<16x1024xf32, #tpu.memory_space<vmem>>) target_semaphore(%arg16 : memref<!tpu.dma_semaphore, #tpu.memory_space<semaphore_mem>>)
    %add3A_26 = arith.constant 32 : i32
    %add3A_27 = arith.addi %mul3A_2, %add3A_26 : i32
    %dma_start3A_28 = arith.constant 32 : i32
    %dma_start3A_29 = arith.constant 0 : i32
    %dma_start3A_30 = tpu.memref_slice %arg5[%dma_start3A_28, %dma_start3A_29] : memref<64x1024xf32, #tpu.memory_space<vmem>> -> memref<16x1024xf32, #tpu.memory_space<vmem>>
    %dma_start3A_31 = arith.constant 0 : i32
    %dma_start3A_32 = tpu.memref_slice %arg3[%add3A_27, %dma_start3A_31] : memref<2048x1024xf32, #tpu.memory_space<hbm>> -> memref<16x1024xf32, #tpu.memory_space<hbm>>
    %dma_start3A_33 = arith.constant 32 : i32
    %dma_start3A_34 = arith.constant 0 : i32
    %dma_start3A_35 = tpu.memref_slice %arg5[%dma_start3A_33, %dma_start3A_34] : memref<64x1024xf32, #tpu.memory_space<vmem>> -> memref<16x1024xf32, #tpu.memory_space<vmem>>
    %dma_start3A_36 = arith.constant 0 : i32
    %dma_start3A_37 = tpu.memref_slice %arg3[%add3A_27, %dma_start3A_36] : memref<2048x1024xf32, #tpu.memory_space<hbm>> -> memref<16x1024xf32, #tpu.memory_space<hbm>>
    tpu.enqueue_dma source(%dma_start3A_37 : memref<16x1024xf32, #tpu.memory_space<hbm>>) target(%dma_start3A_35 : memref<16x1024xf32, #tpu.memory_space<vmem>>) target_semaphore(%arg17 : memref<!tpu.dma_semaphore, #tpu.memory_space<semaphore_mem>>)
    %add3A_38 = arith.constant 48 : i32
    %add3A_39 = arith.addi %mul3A_2, %add3A_38 : i32
    %dma_start3A_40 = arith.constant 48 : i32
    %dma_start3A_41 = arith.constant 0 : i32
    %dma_start3A_42 = tpu.memref_slice %arg5[%dma_start3A_40, %dma_start3A_41] : memref<64x1024xf32, #tpu.memory_space<vmem>> -> memref<16x1024xf32, #tpu.memory_space<vmem>>
    %dma_start3A_43 = arith.constant 0 : i32
    %dma_start3A_44 = tpu.memref_slice %arg3[%add3A_39, %dma_start3A_43] : memref<2048x1024xf32, #tpu.memory_space<hbm>> -> memref<16x1024xf32, #tpu.memory_space<hbm>>
    %dma_start3A_45 = arith.constant 48 : i32
    %dma_start3A_46 = arith.constant 0 : i32
    %dma_start3A_47 = tpu.memref_slice %arg5[%dma_start3A_45, %dma_start3A_46] : memref<64x1024xf32, #tpu.memory_space<vmem>> -> memref<16x1024xf32, #tpu.memory_space<vmem>>
    %dma_start3A_48 = arith.constant 0 : i32
    %dma_start3A_49 = tpu.memref_slice %arg3[%add3A_39, %dma_start3A_48] : memref<2048x1024xf32, #tpu.memory_space<hbm>> -> memref<16x1024xf32, #tpu.memory_space<hbm>>
    tpu.enqueue_dma source(%dma_start3A_49 : memref<16x1024xf32, #tpu.memory_space<hbm>>) target(%dma_start3A_47 : memref<16x1024xf32, #tpu.memory_space<vmem>>) target_semaphore(%arg18 : memref<!tpu.dma_semaphore, #tpu.memory_space<semaphore_mem>>)
    %add3A_50 = arith.constant 0 : i32
    %add3A_51 = arith.addi %mul3A_2, %add3A_50 : i32
    %dma_start3A_52 = arith.constant 0 : i32
    %dma_start3A_53 = arith.constant 0 : i32
    %dma_start3A_54 = tpu.memref_slice %arg2[%dma_start3A_52, %add3A_51, %dma_start3A_53] : memref<4x2048x1024xf32, #tpu.memory_space<hbm>> -> memref<1x16x1024xf32, #tpu.memory_space<hbm>>
    %dma_start3A_55 = tpu.memref_squeeze %dma_start3A_54 : memref<1x16x1024xf32, #tpu.memory_space<hbm>> -> memref<16x1024xf32, #tpu.memory_space<hbm>>
    %dma_start3A_56 = arith.constant 0 : i32
    %dma_start3A_57 = tpu.memref_slice %arg2[%dma_start3A_52, %add3A_51, %dma_start3A_56] : memref<4x2048x1024xf32, #tpu.memory_space<hbm>> -> memref<1x16x1024xf32, #tpu.memory_space<hbm>>
    %dma_start3A_58 = tpu.memref_squeeze %dma_start3A_57 : memref<1x16x1024xf32, #tpu.memory_space<hbm>> -> memref<16x1024xf32, #tpu.memory_space<hbm>>
    tpu.enqueue_dma source(%dma_start3A_58 : memref<16x1024xf32, #tpu.memory_space<hbm>>) target(%arg6 : memref<16x1024xf32, #tpu.memory_space<vmem>>) target_semaphore(%arg9 : memref<!tpu.dma_semaphore, #tpu.memory_space<semaphore_mem>>)
    %add3A_59 = arith.constant 16 : i32
    %add3A_60 = arith.addi %mul3A_2, %add3A_59 : i32
    %dma_start3A_61 = arith.constant 0 : i32
    %dma_start3A_62 = arith.constant 0 : i32
    %dma_start3A_63 = tpu.memref_slice %arg2[%dma_start3A_61, %add3A_60, %dma_start3A_62] : memref<4x2048x1024xf32, #tpu.memory_space<hbm>> -> memref<1x16x1024xf32, #tpu.memory_space<hbm>>
    %dma_start3A_64 = tpu.memref_squeeze %dma_start3A_63 : memref<1x16x1024xf32, #tpu.memory_space<hbm>> -> memref<16x1024xf32, #tpu.memory_space<hbm>>
    %dma_start3A_65 = arith.constant 0 : i32
    %dma_start3A_66 = tpu.memref_slice %arg2[%dma_start3A_61, %add3A_60, %dma_start3A_65] : memref<4x2048x1024xf32, #tpu.memory_space<hbm>> -> memref<1x16x1024xf32, #tpu.memory_space<hbm>>
    %dma_start3A_67 = tpu.memref_squeeze %dma_start3A_66 : memref<1x16x1024xf32, #tpu.memory_space<hbm>> -> memref<16x1024xf32, #tpu.memory_space<hbm>>
    tpu.enqueue_dma source(%dma_start3A_67 : memref<16x1024xf32, #tpu.memory_space<hbm>>) target(%arg7 : memref<16x1024xf32, #tpu.memory_space<vmem>>) target_semaphore(%arg10 : memref<!tpu.dma_semaphore, #tpu.memory_space<semaphore_mem>>)
    %dma_wait3A = arith.constant 0 : i32
    %dma_wait3A_68 = arith.constant 0 : i32
    %dma_wait3A_69 = tpu.memref_slice %arg5[%dma_wait3A, %dma_wait3A_68] : memref<64x1024xf32, #tpu.memory_space<vmem>> -> memref<16x1024xf32, #tpu.memory_space<vmem>>
    %dma_wait3A_70 = arith.constant 0 : i32
    %dma_wait3A_71 = tpu.memref_slice %arg3[%add3A_4, %dma_wait3A_70] : memref<2048x1024xf32, #tpu.memory_space<hbm>> -> memref<16x1024xf32, #tpu.memory_space<hbm>>
    %dma_wait3A_72 = arith.constant 0 : i32
    %dma_wait3A_73 = arith.constant 0 : i32
    %dma_wait3A_74 = tpu.memref_slice %arg5[%dma_wait3A_72, %dma_wait3A_73] : memref<64x1024xf32, #tpu.memory_space<vmem>> -> memref<16x1024xf32, #tpu.memory_space<vmem>>
    %dma_wait3A_75 = arith.constant 0 : i32
    %dma_wait3A_76 = tpu.memref_slice %arg3[%add3A_4, %dma_wait3A_75] : memref<2048x1024xf32, #tpu.memory_space<hbm>> -> memref<16x1024xf32, #tpu.memory_space<hbm>>
    tpu.wait_dma2 semaphore(%arg15 : memref<!tpu.dma_semaphore, #tpu.memory_space<semaphore_mem>>) src(%dma_wait3A_76 : memref<16x1024xf32, #tpu.memory_space<hbm>>) dst(%dma_wait3A_74 : memref<16x1024xf32, #tpu.memory_space<vmem>>)
    %dma_wait3A_77 = arith.constant 0 : i32
    %dma_wait3A_78 = arith.constant 0 : i32
    %dma_wait3A_79 = tpu.memref_slice %arg2[%dma_wait3A_77, %add3A_51, %dma_wait3A_78] : memref<4x2048x1024xf32, #tpu.memory_space<hbm>> -> memref<1x16x1024xf32, #tpu.memory_space<hbm>>
    %dma_wait3A_80 = tpu.memref_squeeze %dma_wait3A_79 : memref<1x16x1024xf32, #tpu.memory_space<hbm>> -> memref<16x1024xf32, #tpu.memory_space<hbm>>
    %dma_wait3A_81 = arith.constant 0 : i32
    %dma_wait3A_82 = tpu.memref_slice %arg2[%dma_wait3A_77, %add3A_51, %dma_wait3A_81] : memref<4x2048x1024xf32, #tpu.memory_space<hbm>> -> memref<1x16x1024xf32, #tpu.memory_space<hbm>>
    %dma_wait3A_83 = tpu.memref_squeeze %dma_wait3A_82 : memref<1x16x1024xf32, #tpu.memory_space<hbm>> -> memref<16x1024xf32, #tpu.memory_space<hbm>>
    tpu.wait_dma2 semaphore(%arg9 : memref<!tpu.dma_semaphore, #tpu.memory_space<semaphore_mem>>) src(%dma_wait3A_83 : memref<16x1024xf32, #tpu.memory_space<hbm>>) dst(%arg6 : memref<16x1024xf32, #tpu.memory_space<vmem>>)
    %parallel_loop3A = arith.constant 0 : i32
    %parallel_loop3A_84 = arith.constant 16384 : i32
    %parallel_loop3A_85 = arith.constant 16 : i32
    scf.for %parallel_loop3A_648 = %parallel_loop3A to %parallel_loop3A_84 step %parallel_loop3A_85  : i32 {
      %parallel_loop3A_649 = arith.constant 1024 : i32
      %parallel_loop3A_650 = arith.divsi %parallel_loop3A_648, %parallel_loop3A_649 : i32
      %parallel_loop3A_651 = arith.constant 0 : i32
      %parallel_loop3A_652 = arith.cmpi sgt, %parallel_loop3A_648, %parallel_loop3A_651 : i32
      %parallel_loop3A_653 = arith.extui %parallel_loop3A_652 : i1 to i32
      %parallel_loop3A_654 = arith.constant 0 : i32
      %parallel_loop3A_655 = arith.cmpi slt, %parallel_loop3A_648, %parallel_loop3A_654 : i32
      %parallel_loop3A_656 = arith.extui %parallel_loop3A_655 : i1 to i32
      %parallel_loop3A_657 = arith.subi %parallel_loop3A_653, %parallel_loop3A_656 : i32
      %parallel_loop3A_658 = arith.constant 0 : i32
      %parallel_loop3A_659 = arith.cmpi sgt, %parallel_loop3A_649, %parallel_loop3A_658 : i32
      %parallel_loop3A_660 = arith.extui %parallel_loop3A_659 : i1 to i32
      %parallel_loop3A_661 = arith.constant 0 : i32
      %parallel_loop3A_662 = arith.cmpi slt, %parallel_loop3A_649, %parallel_loop3A_661 : i32
      %parallel_loop3A_663 = arith.extui %parallel_loop3A_662 : i1 to i32
      %parallel_loop3A_664 = arith.subi %parallel_loop3A_660, %parallel_loop3A_663 : i32
      %parallel_loop3A_665 = arith.cmpi ne, %parallel_loop3A_657, %parallel_loop3A_664 : i32
      %parallel_loop3A_666 = arith.remsi %parallel_loop3A_648, %parallel_loop3A_649 : i32
      %parallel_loop3A_667 = arith.constant 0 : i32
      %parallel_loop3A_668 = arith.cmpi ne, %parallel_loop3A_666, %parallel_loop3A_667 : i32
      %parallel_loop3A_669 = arith.andi %parallel_loop3A_665, %parallel_loop3A_668 : i1
      %parallel_loop3A_670 = arith.constant 1 : i32
      %parallel_loop3A_671 = arith.subi %parallel_loop3A_650, %parallel_loop3A_670 : i32
      %parallel_loop3A_672 = arith.select %parallel_loop3A_669, %parallel_loop3A_671, %parallel_loop3A_650 : i32
      %parallel_loop3A_673 = arith.constant 1024 : i32
      %parallel_loop3A_674 = arith.muli %parallel_loop3A_672, %parallel_loop3A_673 : i32
      %parallel_loop3A_675 = arith.subi %parallel_loop3A_648, %parallel_loop3A_674 : i32
      %parallel_loop3A_676 = arith.constant 0 : i32
      %parallel_loop3A_677 = arith.addi %parallel_loop3A_676, %parallel_loop3A_672 : i32
      %parallel_loop3A_678 = arith.index_cast %parallel_loop3A_677 : i32 to index
      %parallel_loop3A_679 = arith.index_cast %parallel_loop3A_675 : i32 to index
      %parallel_loop3A_680 = tpu.vector_load %arg5[%parallel_loop3A_678, %parallel_loop3A_679] {strides = array<i32>} : memref<64x1024xf32, #tpu.memory_space<vmem>>, vector<1x16xf32>,
      %parallel_loop3A_681 = vector.shape_cast %parallel_loop3A_680 : vector<1x16xf32> to vector<16xf32>
      %parallel_loop3A_682 = arith.index_cast %parallel_loop3A_672 : i32 to index
      %parallel_loop3A_683 = arith.index_cast %parallel_loop3A_675 : i32 to index
      %parallel_loop3A_684 = tpu.vector_load %arg6[%parallel_loop3A_682, %parallel_loop3A_683] {strides = array<i32>} : memref<16x1024xf32, #tpu.memory_space<vmem>>, vector<1x16xf32>,
      %parallel_loop3A_685 = vector.shape_cast %parallel_loop3A_684 : vector<1x16xf32> to vector<16xf32>
      %parallel_loop3A_686 = vector.shape_cast %parallel_loop3A_681 : vector<16xf32> to vector<1x16xf32>
      tpu.vector_store %arg6[%parallel_loop3A_682, %parallel_loop3A_683], %parallel_loop3A_686 {add = true, strides = array<i32>} : memref<16x1024xf32, #tpu.memory_space<vmem>>, vector<1x16xf32>,
    } {sc.loop_unroll_factor = 8 : i64, sc.parallel_access}
    %add3A_86 = arith.constant 0 : i32
    %add3A_87 = arith.addi %mul3A_2, %add3A_86 : i32
    %dma_start3A_88 = arith.constant 0 : i32
    %dma_start3A_89 = arith.constant 0 : i32
    %dma_start3A_90 = tpu.memref_slice %arg4[%dma_start3A_88, %add3A_87, %dma_start3A_89] : memref<4x2048x1024xf32, #tpu.memory_space<hbm>> -> memref<1x16x1024xf32, #tpu.memory_space<hbm>>
    %dma_start3A_91 = tpu.memref_squeeze %dma_start3A_90 : memref<1x16x1024xf32, #tpu.memory_space<hbm>> -> memref<16x1024xf32, #tpu.memory_space<hbm>>
    %dma_start3A_92 = arith.constant 0 : i32
    %dma_start3A_93 = tpu.memref_slice %arg4[%dma_start3A_88, %add3A_87, %dma_start3A_92] : memref<4x2048x1024xf32, #tpu.memory_space<hbm>> -> memref<1x16x1024xf32, #tpu.memory_space<hbm>>
    %dma_start3A_94 = tpu.memref_squeeze %dma_start3A_93 : memref<1x16x1024xf32, #tpu.memory_space<hbm>> -> memref<16x1024xf32, #tpu.memory_space<hbm>>
    tpu.enqueue_dma source(%arg6 : memref<16x1024xf32, #tpu.memory_space<vmem>>) target(%dma_start3A_94 : memref<16x1024xf32, #tpu.memory_space<hbm>>) target_semaphore(%arg12 : memref<!tpu.dma_semaphore, #tpu.memory_space<semaphore_mem>>)
    %add3A_95 = arith.constant 32 : i32
    %add3A_96 = arith.addi %mul3A_2, %add3A_95 : i32
    %dma_start3A_97 = arith.constant 0 : i32
    %dma_start3A_98 = arith.constant 0 : i32
    %dma_start3A_99 = tpu.memref_slice %arg2[%dma_start3A_97, %add3A_96, %dma_start3A_98] : memref<4x2048x1024xf32, #tpu.memory_space<hbm>> -> memref<1x16x1024xf32, #tpu.memory_space<hbm>>
    %dma_start3A_100 = tpu.memref_squeeze %dma_start3A_99 : memref<1x16x1024xf32, #tpu.memory_space<hbm>> -> memref<16x1024xf32, #tpu.memory_space<hbm>>
    %dma_start3A_101 = arith.constant 0 : i32
    %dma_start3A_102 = tpu.memref_slice %arg2[%dma_start3A_97, %add3A_96, %dma_start3A_101] : memref<4x2048x1024xf32, #tpu.memory_space<hbm>> -> memref<1x16x1024xf32, #tpu.memory_space<hbm>>
    %dma_start3A_103 = tpu.memref_squeeze %dma_start3A_102 : memref<1x16x1024xf32, #tpu.memory_space<hbm>> -> memref<16x1024xf32, #tpu.memory_space<hbm>>
    tpu.enqueue_dma source(%dma_start3A_103 : memref<16x1024xf32, #tpu.memory_space<hbm>>) target(%arg8 : memref<16x1024xf32, #tpu.memory_space<vmem>>) target_semaphore(%arg11 : memref<!tpu.dma_semaphore, #tpu.memory_space<semaphore_mem>>)
    %dma_wait3A_104 = arith.constant 16 : i32
    %dma_wait3A_105 = arith.constant 0 : i32
    %dma_wait3A_106 = tpu.memref_slice %arg5[%dma_wait3A_104, %dma_wait3A_105] : memref<64x1024xf32, #tpu.memory_space<vmem>> -> memref<16x1024xf32, #tpu.memory_space<vmem>>
    %dma_wait3A_107 = arith.constant 0 : i32
    %dma_wait3A_108 = tpu.memref_slice %arg3[%add3A_15, %dma_wait3A_107] : memref<2048x1024xf32, #tpu.memory_space<hbm>> -> memref<16x1024xf32, #tpu.memory_space<hbm>>
    %dma_wait3A_109 = arith.constant 16 : i32
    %dma_wait3A_110 = arith.constant 0 : i32
    %dma_wait3A_111 = tpu.memref_slice %arg5[%dma_wait3A_109, %dma_wait3A_110] : memref<64x1024xf32, #tpu.memory_space<vmem>> -> memref<16x1024xf32, #tpu.memory_space<vmem>>
    %dma_wait3A_112 = arith.constant 0 : i32
    %dma_wait3A_113 = tpu.memref_slice %arg3[%add3A_15, %dma_wait3A_112] : memref<2048x1024xf32, #tpu.memory_space<hbm>> -> memref<16x1024xf32, #tpu.memory_space<hbm>>
    tpu.wait_dma2 semaphore(%arg16 : memref<!tpu.dma_semaphore, #tpu.memory_space<semaphore_mem>>) src(%dma_wait3A_113 : memref<16x1024xf32, #tpu.memory_space<hbm>>) dst(%dma_wait3A_111 : memref<16x1024xf32, #tpu.memory_space<vmem>>)
    %dma_wait3A_114 = arith.constant 0 : i32
    %dma_wait3A_115 = arith.constant 0 : i32
    %dma_wait3A_116 = tpu.memref_slice %arg2[%dma_wait3A_114, %add3A_60, %dma_wait3A_115] : memref<4x2048x1024xf32, #tpu.memory_space<hbm>> -> memref<1x16x1024xf32, #tpu.memory_space<hbm>>
    %dma_wait3A_117 = tpu.memref_squeeze %dma_wait3A_116 : memref<1x16x1024xf32, #tpu.memory_space<hbm>> -> memref<16x1024xf32, #tpu.memory_space<hbm>>
    %dma_wait3A_118 = arith.constant 0 : i32
    %dma_wait3A_119 = tpu.memref_slice %arg2[%dma_wait3A_114, %add3A_60, %dma_wait3A_118] : memref<4x2048x1024xf32, #tpu.memory_space<hbm>> -> memref<1x16x1024xf32, #tpu.memory_space<hbm>>
    %dma_wait3A_120 = tpu.memref_squeeze %dma_wait3A_119 : memref<1x16x1024xf32, #tpu.memory_space<hbm>> -> memref<16x1024xf32, #tpu.memory_space<hbm>>
    tpu.wait_dma2 semaphore(%arg10 : memref<!tpu.dma_semaphore, #tpu.memory_space<semaphore_mem>>) src(%dma_wait3A_120 : memref<16x1024xf32, #tpu.memory_space<hbm>>) dst(%arg7 : memref<16x1024xf32, #tpu.memory_space<vmem>>)
    %parallel_loop3A_121 = arith.constant 0 : i32
    %parallel_loop3A_122 = arith.constant 16384 : i32
    %parallel_loop3A_123 = arith.constant 16 : i32
    scf.for %parallel_loop3A_648 = %parallel_loop3A_121 to %parallel_loop3A_122 step %parallel_loop3A_123  : i32 {
      %parallel_loop3A_649 = arith.constant 1024 : i32
      %parallel_loop3A_650 = arith.divsi %parallel_loop3A_648, %parallel_loop3A_649 : i32
      %parallel_loop3A_651 = arith.constant 0 : i32
      %parallel_loop3A_652 = arith.cmpi sgt, %parallel_loop3A_648, %parallel_loop3A_651 : i32
      %parallel_loop3A_653 = arith.extui %parallel_loop3A_652 : i1 to i32
      %parallel_loop3A_654 = arith.constant 0 : i32
      %parallel_loop3A_655 = arith.cmpi slt, %parallel_loop3A_648, %parallel_loop3A_654 : i32
      %parallel_loop3A_656 = arith.extui %parallel_loop3A_655 : i1 to i32
      %parallel_loop3A_657 = arith.subi %parallel_loop3A_653, %parallel_loop3A_656 : i32
      %parallel_loop3A_658 = arith.constant 0 : i32
      %parallel_loop3A_659 = arith.cmpi sgt, %parallel_loop3A_649, %parallel_loop3A_658 : i32
      %parallel_loop3A_660 = arith.extui %parallel_loop3A_659 : i1 to i32
      %parallel_loop3A_661 = arith.constant 0 : i32
      %parallel_loop3A_662 = arith.cmpi slt, %parallel_loop3A_649, %parallel_loop3A_661 : i32
      %parallel_loop3A_663 = arith.extui %parallel_loop3A_662 : i1 to i32
      %parallel_loop3A_664 = arith.subi %parallel_loop3A_660, %parallel_loop3A_663 : i32
      %parallel_loop3A_665 = arith.cmpi ne, %parallel_loop3A_657, %parallel_loop3A_664 : i32
      %parallel_loop3A_666 = arith.remsi %parallel_loop3A_648, %parallel_loop3A_649 : i32
      %parallel_loop3A_667 = arith.constant 0 : i32
      %parallel_loop3A_668 = arith.cmpi ne, %parallel_loop3A_666, %parallel_loop3A_667 : i32
      %parallel_loop3A_669 = arith.andi %parallel_loop3A_665, %parallel_loop3A_668 : i1
      %parallel_loop3A_670 = arith.constant 1 : i32
      %parallel_loop3A_671 = arith.subi %parallel_loop3A_650, %parallel_loop3A_670 : i32
      %parallel_loop3A_672 = arith.select %parallel_loop3A_669, %parallel_loop3A_671, %parallel_loop3A_650 : i32
      %parallel_loop3A_673 = arith.constant 1024 : i32
      %parallel_loop3A_674 = arith.muli %parallel_loop3A_672, %parallel_loop3A_673 : i32
      %parallel_loop3A_675 = arith.subi %parallel_loop3A_648, %parallel_loop3A_674 : i32
      %parallel_loop3A_676 = arith.constant 16 : i32
      %parallel_loop3A_677 = arith.addi %parallel_loop3A_676, %parallel_loop3A_672 : i32
      %parallel_loop3A_678 = arith.index_cast %parallel_loop3A_677 : i32 to index
      %parallel_loop3A_679 = arith.index_cast %parallel_loop3A_675 : i32 to index
      %parallel_loop3A_680 = tpu.vector_load %arg5[%parallel_loop3A_678, %parallel_loop3A_679] {strides = array<i32>} : memref<64x1024xf32, #tpu.memory_space<vmem>>, vector<1x16xf32>,
      %parallel_loop3A_681 = vector.shape_cast %parallel_loop3A_680 : vector<1x16xf32> to vector<16xf32>
      %parallel_loop3A_682 = arith.index_cast %parallel_loop3A_672 : i32 to index
      %parallel_loop3A_683 = arith.index_cast %parallel_loop3A_675 : i32 to index
      %parallel_loop3A_684 = tpu.vector_load %arg7[%parallel_loop3A_682, %parallel_loop3A_683] {strides = array<i32>} : memref<16x1024xf32, #tpu.memory_space<vmem>>, vector<1x16xf32>,
      %parallel_loop3A_685 = vector.shape_cast %parallel_loop3A_684 : vector<1x16xf32> to vector<16xf32>
      %parallel_loop3A_686 = vector.shape_cast %parallel_loop3A_681 : vector<16xf32> to vector<1x16xf32>
      tpu.vector_store %arg7[%parallel_loop3A_682, %parallel_loop3A_683], %parallel_loop3A_686 {add = true, strides = array<i32>} : memref<16x1024xf32, #tpu.memory_space<vmem>>, vector<1x16xf32>,
    } {sc.loop_unroll_factor = 8 : i64, sc.parallel_access}
    %add3A_124 = arith.constant 16 : i32
    %add3A_125 = arith.addi %mul3A_2, %add3A_124 : i32
    %dma_start3A_126 = arith.constant 0 : i32
    %dma_start3A_127 = arith.constant 0 : i32
    %dma_start3A_128 = tpu.memref_slice %arg4[%dma_start3A_126, %add3A_125, %dma_start3A_127] : memref<4x2048x1024xf32, #tpu.memory_space<hbm>> -> memref<1x16x1024xf32, #tpu.memory_space<hbm>>
    %dma_start3A_129 = tpu.memref_squeeze %dma_start3A_128 : memref<1x16x1024xf32, #tpu.memory_space<hbm>> -> memref<16x1024xf32, #tpu.memory_space<hbm>>
    %dma_start3A_130 = arith.constant 0 : i32
    %dma_start3A_131 = tpu.memref_slice %arg4[%dma_start3A_126, %add3A_125, %dma_start3A_130] : memref<4x2048x1024xf32, #tpu.memory_space<hbm>> -> memref<1x16x1024xf32, #tpu.memory_space<hbm>>
    %dma_start3A_132 = tpu.memref_squeeze %dma_start3A_131 : memref<1x16x1024xf32, #tpu.memory_space<hbm>> -> memref<16x1024xf32, #tpu.memory_space<hbm>>
    tpu.enqueue_dma source(%arg7 : memref<16x1024xf32, #tpu.memory_space<vmem>>) target(%dma_start3A_132 : memref<16x1024xf32, #tpu.memory_space<hbm>>) target_semaphore(%arg13 : memref<!tpu.dma_semaphore, #tpu.memory_space<semaphore_mem>>)
    %dma_wait3A_133 = arith.constant 0 : i32
    %dma_wait3A_134 = arith.constant 0 : i32
    %dma_wait3A_135 = tpu.memref_slice %arg4[%dma_wait3A_133, %add3A_87, %dma_wait3A_134] : memref<4x2048x1024xf32, #tpu.memory_space<hbm>> -> memref<1x16x1024xf32, #tpu.memory_space<hbm>>
    %dma_wait3A_136 = tpu.memref_squeeze %dma_wait3A_135 : memref<1x16x1024xf32, #tpu.memory_space<hbm>> -> memref<16x1024xf32, #tpu.memory_space<hbm>>
    %dma_wait3A_137 = arith.constant 0 : i32
    %dma_wait3A_138 = tpu.memref_slice %arg4[%dma_wait3A_133, %add3A_87, %dma_wait3A_137] : memref<4x2048x1024xf32, #tpu.memory_space<hbm>> -> memref<1x16x1024xf32, #tpu.memory_space<hbm>>
    %dma_wait3A_139 = tpu.memref_squeeze %dma_wait3A_138 : memref<1x16x1024xf32, #tpu.memory_space<hbm>> -> memref<16x1024xf32, #tpu.memory_space<hbm>>
    tpu.wait_dma2 semaphore(%arg12 : memref<!tpu.dma_semaphore, #tpu.memory_space<semaphore_mem>>) src(%arg6 : memref<16x1024xf32, #tpu.memory_space<vmem>>) dst(%dma_wait3A_139 : memref<16x1024xf32, #tpu.memory_space<hbm>>)
    %add3A_140 = arith.constant 48 : i32
    %add3A_141 = arith.addi %mul3A_2, %add3A_140 : i32
    %dma_start3A_142 = arith.constant 0 : i32
    %dma_start3A_143 = arith.constant 0 : i32
    %dma_start3A_144 = tpu.memref_slice %arg2[%dma_start3A_142, %add3A_141, %dma_start3A_143] : memref<4x2048x1024xf32, #tpu.memory_space<hbm>> -> memref<1x16x1024xf32, #tpu.memory_space<hbm>>
    %dma_start3A_145 = tpu.memref_squeeze %dma_start3A_144 : memref<1x16x1024xf32, #tpu.memory_space<hbm>> -> memref<16x1024xf32, #tpu.memory_space<hbm>>
    %dma_start3A_146 = arith.constant 0 : i32
    %dma_start3A_147 = tpu.memref_slice %arg2[%dma_start3A_142, %add3A_141, %dma_start3A_146] : memref<4x2048x1024xf32, #tpu.memory_space<hbm>> -> memref<1x16x1024xf32, #tpu.memory_space<hbm>>
    %dma_start3A_148 = tpu.memref_squeeze %dma_start3A_147 : memref<1x16x1024xf32, #tpu.memory_space<hbm>> -> memref<16x1024xf32, #tpu.memory_space<hbm>>
    tpu.enqueue_dma source(%dma_start3A_148 : memref<16x1024xf32, #tpu.memory_space<hbm>>) target(%arg6 : memref<16x1024xf32, #tpu.memory_space<vmem>>) target_semaphore(%arg9 : memref<!tpu.dma_semaphore, #tpu.memory_space<semaphore_mem>>)
    %dma_wait3A_149 = arith.constant 32 : i32
    %dma_wait3A_150 = arith.constant 0 : i32
    %dma_wait3A_151 = tpu.memref_slice %arg5[%dma_wait3A_149, %dma_wait3A_150] : memref<64x1024xf32, #tpu.memory_space<vmem>> -> memref<16x1024xf32, #tpu.memory_space<vmem>>
    %dma_wait3A_152 = arith.constant 0 : i32
    %dma_wait3A_153 = tpu.memref_slice %arg3[%add3A_27, %dma_wait3A_152] : memref<2048x1024xf32, #tpu.memory_space<hbm>> -> memref<16x1024xf32, #tpu.memory_space<hbm>>
    %dma_wait3A_154 = arith.constant 32 : i32
    %dma_wait3A_155 = arith.constant 0 : i32
    %dma_wait3A_156 = tpu.memref_slice %arg5[%dma_wait3A_154, %dma_wait3A_155] : memref<64x1024xf32, #tpu.memory_space<vmem>> -> memref<16x1024xf32, #tpu.memory_space<vmem>>
    %dma_wait3A_157 = arith.constant 0 : i32
    %dma_wait3A_158 = tpu.memref_slice %arg3[%add3A_27, %dma_wait3A_157] : memref<2048x1024xf32, #tpu.memory_space<hbm>> -> memref<16x1024xf32, #tpu.memory_space<hbm>>
    tpu.wait_dma2 semaphore(%arg17 : memref<!tpu.dma_semaphore, #tpu.memory_space<semaphore_mem>>) src(%dma_wait3A_158 : memref<16x1024xf32, #tpu.memory_space<hbm>>) dst(%dma_wait3A_156 : memref<16x1024xf32, #tpu.memory_space<vmem>>)
    %dma_wait3A_159 = arith.constant 0 : i32
    %dma_wait3A_160 = arith.constant 0 : i32
    %dma_wait3A_161 = tpu.memref_slice %arg2[%dma_wait3A_159, %add3A_96, %dma_wait3A_160] : memref<4x2048x1024xf32, #tpu.memory_space<hbm>> -> memref<1x16x1024xf32, #tpu.memory_space<hbm>>
    %dma_wait3A_162 = tpu.memref_squeeze %dma_wait3A_161 : memref<1x16x1024xf32, #tpu.memory_space<hbm>> -> memref<16x1024xf32, #tpu.memory_space<hbm>>
    %dma_wait3A_163 = arith.constant 0 : i32
    %dma_wait3A_164 = tpu.memref_slice %arg2[%dma_wait3A_159, %add3A_96, %dma_wait3A_163] : memref<4x2048x1024xf32, #tpu.memory_space<hbm>> -> memref<1x16x1024xf32, #tpu.memory_space<hbm>>
    %dma_wait3A_165 = tpu.memref_squeeze %dma_wait3A_164 : memref<1x16x1024xf32, #tpu.memory_space<hbm>> -> memref<16x1024xf32, #tpu.memory_space<hbm>>
    tpu.wait_dma2 semaphore(%arg11 : memref<!tpu.dma_semaphore, #tpu.memory_space<semaphore_mem>>) src(%dma_wait3A_165 : memref<16x1024xf32, #tpu.memory_space<hbm>>) dst(%arg8 : memref<16x1024xf32, #tpu.memory_space<vmem>>)
    %parallel_loop3A_166 = arith.constant 0 : i32
    %parallel_loop3A_167 = arith.constant 16384 : i32
    %parallel_loop3A_168 = arith.constant 16 : i32
    scf.for %parallel_loop3A_648 = %parallel_loop3A_166 to %parallel_loop3A_167 step %parallel_loop3A_168  : i32 {
      %parallel_loop3A_649 = arith.constant 1024 : i32
      %parallel_loop3A_650 = arith.divsi %parallel_loop3A_648, %parallel_loop3A_649 : i32
      %parallel_loop3A_651 = arith.constant 0 : i32
      %parallel_loop3A_652 = arith.cmpi sgt, %parallel_loop3A_648, %parallel_loop3A_651 : i32
      %parallel_loop3A_653 = arith.extui %parallel_loop3A_652 : i1 to i32
      %parallel_loop3A_654 = arith.constant 0 : i32
      %parallel_loop3A_655 = arith.cmpi slt, %parallel_loop3A_648, %parallel_loop3A_654 : i32
      %parallel_loop3A_656 = arith.extui %parallel_loop3A_655 : i1 to i32
      %parallel_loop3A_657 = arith.subi %parallel_loop3A_653, %parallel_loop3A_656 : i32
      %parallel_loop3A_658 = arith.constant 0 : i32
      %parallel_loop3A_659 = arith.cmpi sgt, %parallel_loop3A_649, %parallel_loop3A_658 : i32
      %parallel_loop3A_660 = arith.extui %parallel_loop3A_659 : i1 to i32
      %parallel_loop3A_661 = arith.constant 0 : i32
      %parallel_loop3A_662 = arith.cmpi slt, %parallel_loop3A_649, %parallel_loop3A_661 : i32
      %parallel_loop3A_663 = arith.extui %parallel_loop3A_662 : i1 to i32
      %parallel_loop3A_664 = arith.subi %parallel_loop3A_660, %parallel_loop3A_663 : i32
      %parallel_loop3A_665 = arith.cmpi ne, %parallel_loop3A_657, %parallel_loop3A_664 : i32
      %parallel_loop3A_666 = arith.remsi %parallel_loop3A_648, %parallel_loop3A_649 : i32
      %parallel_loop3A_667 = arith.constant 0 : i32
      %parallel_loop3A_668 = arith.cmpi ne, %parallel_loop3A_666, %parallel_loop3A_667 : i32
      %parallel_loop3A_669 = arith.andi %parallel_loop3A_665, %parallel_loop3A_668 : i1
      %parallel_loop3A_670 = arith.constant 1 : i32
      %parallel_loop3A_671 = arith.subi %parallel_loop3A_650, %parallel_loop3A_670 : i32
      %parallel_loop3A_672 = arith.select %parallel_loop3A_669, %parallel_loop3A_671, %parallel_loop3A_650 : i32
      %parallel_loop3A_673 = arith.constant 1024 : i32
      %parallel_loop3A_674 = arith.muli %parallel_loop3A_672, %parallel_loop3A_673 : i32
      %parallel_loop3A_675 = arith.subi %parallel_loop3A_648, %parallel_loop3A_674 : i32
      %parallel_loop3A_676 = arith.constant 32 : i32
      %parallel_loop3A_677 = arith.addi %parallel_loop3A_676, %parallel_loop3A_672 : i32
      %parallel_loop3A_678 = arith.index_cast %parallel_loop3A_677 : i32 to index
      %parallel_loop3A_679 = arith.index_cast %parallel_loop3A_675 : i32 to index
      %parallel_loop3A_680 = tpu.vector_load %arg5[%parallel_loop3A_678, %parallel_loop3A_679] {strides = array<i32>} : memref<64x1024xf32, #tpu.memory_space<vmem>>, vector<1x16xf32>,
      %parallel_loop3A_681 = vector.shape_cast %parallel_loop3A_680 : vector<1x16xf32> to vector<16xf32>
      %parallel_loop3A_682 = arith.index_cast %parallel_loop3A_672 : i32 to index
      %parallel_loop3A_683 = arith.index_cast %parallel_loop3A_675 : i32 to index
      %parallel_loop3A_684 = tpu.vector_load %arg8[%parallel_loop3A_682, %parallel_loop3A_683] {strides = array<i32>} : memref<16x1024xf32, #tpu.memory_space<vmem>>, vector<1x16xf32>,
      %parallel_loop3A_685 = vector.shape_cast %parallel_loop3A_684 : vector<1x16xf32> to vector<16xf32>
      %parallel_loop3A_686 = vector.shape_cast %parallel_loop3A_681 : vector<16xf32> to vector<1x16xf32>
      tpu.vector_store %arg8[%parallel_loop3A_682, %parallel_loop3A_683], %parallel_loop3A_686 {add = true, strides = array<i32>} : memref<16x1024xf32, #tpu.memory_space<vmem>>, vector<1x16xf32>,
    } {sc.loop_unroll_factor = 8 : i64, sc.parallel_access}
    %add3A_169 = arith.constant 32 : i32
    %add3A_170 = arith.addi %mul3A_2, %add3A_169 : i32
    %dma_start3A_171 = arith.constant 0 : i32
    %dma_start3A_172 = arith.constant 0 : i32
    %dma_start3A_173 = tpu.memref_slice %arg4[%dma_start3A_171, %add3A_170, %dma_start3A_172] : memref<4x2048x1024xf32, #tpu.memory_space<hbm>> -> memref<1x16x1024xf32, #tpu.memory_space<hbm>>
    %dma_start3A_174 = tpu.memref_squeeze %dma_start3A_173 : memref<1x16x1024xf32, #tpu.memory_space<hbm>> -> memref<16x1024xf32, #tpu.memory_space<hbm>>
    %dma_start3A_175 = arith.constant 0 : i32
    %dma_start3A_176 = tpu.memref_slice %arg4[%dma_start3A_171, %add3A_170, %dma_start3A_175] : memref<4x2048x1024xf32, #tpu.memory_space<hbm>> -> memref<1x16x1024xf32, #tpu.memory_space<hbm>>
    %dma_start3A_177 = tpu.memref_squeeze %dma_start3A_176 : memref<1x16x1024xf32, #tpu.memory_space<hbm>> -> memref<16x1024xf32, #tpu.memory_space<hbm>>
    tpu.enqueue_dma source(%arg8 : memref<16x1024xf32, #tpu.memory_space<vmem>>) target(%dma_start3A_177 : memref<16x1024xf32, #tpu.memory_space<hbm>>) target_semaphore(%arg14 : memref<!tpu.dma_semaphore, #tpu.memory_space<semaphore_mem>>)
    %dma_wait3A_178 = arith.constant 0 : i32
    %dma_wait3A_179 = arith.constant 0 : i32
    %dma_wait3A_180 = tpu.memref_slice %arg4[%dma_wait3A_178, %add3A_125, %dma_wait3A_179] : memref<4x2048x1024xf32, #tpu.memory_space<hbm>> -> memref<1x16x1024xf32, #tpu.memory_space<hbm>>
    %dma_wait3A_181 = tpu.memref_squeeze %dma_wait3A_180 : memref<1x16x1024xf32, #tpu.memory_space<hbm>> -> memref<16x1024xf32, #tpu.memory_space<hbm>>
    %dma_wait3A_182 = arith.constant 0 : i32
    %dma_wait3A_183 = tpu.memref_slice %arg4[%dma_wait3A_178, %add3A_125, %dma_wait3A_182] : memref<4x2048x1024xf32, #tpu.memory_space<hbm>> -> memref<1x16x1024xf32, #tpu.memory_space<hbm>>
    %dma_wait3A_184 = tpu.memref_squeeze %dma_wait3A_183 : memref<1x16x1024xf32, #tpu.memory_space<hbm>> -> memref<16x1024xf32, #tpu.memory_space<hbm>>
    tpu.wait_dma2 semaphore(%arg13 : memref<!tpu.dma_semaphore, #tpu.memory_space<semaphore_mem>>) src(%arg7 : memref<16x1024xf32, #tpu.memory_space<vmem>>) dst(%dma_wait3A_184 : memref<16x1024xf32, #tpu.memory_space<hbm>>)
    %add3A_185 = arith.constant 0 : i32
    %add3A_186 = arith.addi %mul3A_2, %add3A_185 : i32
    %dma_start3A_187 = arith.constant 1 : i32
    %dma_start3A_188 = arith.constant 0 : i32
    %dma_start3A_189 = tpu.memref_slice %arg2[%dma_start3A_187, %add3A_186, %dma_start3A_188] : memref<4x2048x1024xf32, #tpu.memory_space<hbm>> -> memref<1x16x1024xf32, #tpu.memory_space<hbm>>
    %dma_start3A_190 = tpu.memref_squeeze %dma_start3A_189 : memref<1x16x1024xf32, #tpu.memory_space<hbm>> -> memref<16x1024xf32, #tpu.memory_space<hbm>>
    %dma_start3A_191 = arith.constant 0 : i32
    %dma_start3A_192 = tpu.memref_slice %arg2[%dma_start3A_187, %add3A_186, %dma_start3A_191] : memref<4x2048x1024xf32, #tpu.memory_space<hbm>> -> memref<1x16x1024xf32, #tpu.memory_space<hbm>>
    %dma_start3A_193 = tpu.memref_squeeze %dma_start3A_192 : memref<1x16x1024xf32, #tpu.memory_space<hbm>> -> memref<16x1024xf32, #tpu.memory_space<hbm>>
    tpu.enqueue_dma source(%dma_start3A_193 : memref<16x1024xf32, #tpu.memory_space<hbm>>) target(%arg7 : memref<16x1024xf32, #tpu.memory_space<vmem>>) target_semaphore(%arg10 : memref<!tpu.dma_semaphore, #tpu.memory_space<semaphore_mem>>)
    %dma_wait3A_194 = arith.constant 48 : i32
    %dma_wait3A_195 = arith.constant 0 : i32
    %dma_wait3A_196 = tpu.memref_slice %arg5[%dma_wait3A_194, %dma_wait3A_195] : memref<64x1024xf32, #tpu.memory_space<vmem>> -> memref<16x1024xf32, #tpu.memory_space<vmem>>
    %dma_wait3A_197 = arith.constant 0 : i32
    %dma_wait3A_198 = tpu.memref_slice %arg3[%add3A_39, %dma_wait3A_197] : memref<2048x1024xf32, #tpu.memory_space<hbm>> -> memref<16x1024xf32, #tpu.memory_space<hbm>>
    %dma_wait3A_199 = arith.constant 48 : i32
    %dma_wait3A_200 = arith.constant 0 : i32
    %dma_wait3A_201 = tpu.memref_slice %arg5[%dma_wait3A_199, %dma_wait3A_200] : memref<64x1024xf32, #tpu.memory_space<vmem>> -> memref<16x1024xf32, #tpu.memory_space<vmem>>
    %dma_wait3A_202 = arith.constant 0 : i32
    %dma_wait3A_203 = tpu.memref_slice %arg3[%add3A_39, %dma_wait3A_202] : memref<2048x1024xf32, #tpu.memory_space<hbm>> -> memref<16x1024xf32, #tpu.memory_space<hbm>>
    tpu.wait_dma2 semaphore(%arg18 : memref<!tpu.dma_semaphore, #tpu.memory_space<semaphore_mem>>) src(%dma_wait3A_203 : memref<16x1024xf32, #tpu.memory_space<hbm>>) dst(%dma_wait3A_201 : memref<16x1024xf32, #tpu.memory_space<vmem>>)
    %dma_wait3A_204 = arith.constant 0 : i32
    %dma_wait3A_205 = arith.constant 0 : i32
    %dma_wait3A_206 = tpu.memref_slice %arg2[%dma_wait3A_204, %add3A_141, %dma_wait3A_205] : memref<4x2048x1024xf32, #tpu.memory_space<hbm>> -> memref<1x16x1024xf32, #tpu.memory_space<hbm>>
    %dma_wait3A_207 = tpu.memref_squeeze %dma_wait3A_206 : memref<1x16x1024xf32, #tpu.memory_space<hbm>> -> memref<16x1024xf32, #tpu.memory_space<hbm>>
    %dma_wait3A_208 = arith.constant 0 : i32
    %dma_wait3A_209 = tpu.memref_slice %arg2[%dma_wait3A_204, %add3A_141, %dma_wait3A_208] : memref<4x2048x1024xf32, #tpu.memory_space<hbm>> -> memref<1x16x1024xf32, #tpu.memory_space<hbm>>
    %dma_wait3A_210 = tpu.memref_squeeze %dma_wait3A_209 : memref<1x16x1024xf32, #tpu.memory_space<hbm>> -> memref<16x1024xf32, #tpu.memory_space<hbm>>
    tpu.wait_dma2 semaphore(%arg9 : memref<!tpu.dma_semaphore, #tpu.memory_space<semaphore_mem>>) src(%dma_wait3A_210 : memref<16x1024xf32, #tpu.memory_space<hbm>>) dst(%arg6 : memref<16x1024xf32, #tpu.memory_space<vmem>>)
    %parallel_loop3A_211 = arith.constant 0 : i32
    %parallel_loop3A_212 = arith.constant 16384 : i32
    %parallel_loop3A_213 = arith.constant 16 : i32
    scf.for %parallel_loop3A_648 = %parallel_loop3A_211 to %parallel_loop3A_212 step %parallel_loop3A_213  : i32 {
      %parallel_loop3A_649 = arith.constant 1024 : i32
      %parallel_loop3A_650 = arith.divsi %parallel_loop3A_648, %parallel_loop3A_649 : i32
      %parallel_loop3A_651 = arith.constant 0 : i32
      %parallel_loop3A_652 = arith.cmpi sgt, %parallel_loop3A_648, %parallel_loop3A_651 : i32
      %parallel_loop3A_653 = arith.extui %parallel_loop3A_652 : i1 to i32
      %parallel_loop3A_654 = arith.constant 0 : i32
      %parallel_loop3A_655 = arith.cmpi slt, %parallel_loop3A_648, %parallel_loop3A_654 : i32
      %parallel_loop3A_656 = arith.extui %parallel_loop3A_655 : i1 to i32
      %parallel_loop3A_657 = arith.subi %parallel_loop3A_653, %parallel_loop3A_656 : i32
      %parallel_loop3A_658 = arith.constant 0 : i32
      %parallel_loop3A_659 = arith.cmpi sgt, %parallel_loop3A_649, %parallel_loop3A_658 : i32
      %parallel_loop3A_660 = arith.extui %parallel_loop3A_659 : i1 to i32
      %parallel_loop3A_661 = arith.constant 0 : i32
      %parallel_loop3A_662 = arith.cmpi slt, %parallel_loop3A_649, %parallel_loop3A_661 : i32
      %parallel_loop3A_663 = arith.extui %parallel_loop3A_662 : i1 to i32
      %parallel_loop3A_664 = arith.subi %parallel_loop3A_660, %parallel_loop3A_663 : i32
      %parallel_loop3A_665 = arith.cmpi ne, %parallel_loop3A_657, %parallel_loop3A_664 : i32
      %parallel_loop3A_666 = arith.remsi %parallel_loop3A_648, %parallel_loop3A_649 : i32
      %parallel_loop3A_667 = arith.constant 0 : i32
      %parallel_loop3A_668 = arith.cmpi ne, %parallel_loop3A_666, %parallel_loop3A_667 : i32
      %parallel_loop3A_669 = arith.andi %parallel_loop3A_665, %parallel_loop3A_668 : i1
      %parallel_loop3A_670 = arith.constant 1 : i32
      %parallel_loop3A_671 = arith.subi %parallel_loop3A_650, %parallel_loop3A_670 : i32
      %parallel_loop3A_672 = arith.select %parallel_loop3A_669, %parallel_loop3A_671, %parallel_loop3A_650 : i32
      %parallel_loop3A_673 = arith.constant 1024 : i32
      %parallel_loop3A_674 = arith.muli %parallel_loop3A_672, %parallel_loop3A_673 : i32
      %parallel_loop3A_675 = arith.subi %parallel_loop3A_648, %parallel_loop3A_674 : i32
      %parallel_loop3A_676 = arith.constant 48 : i32
      %parallel_loop3A_677 = arith.addi %parallel_loop3A_676, %parallel_loop3A_672 : i32
      %parallel_loop3A_678 = arith.index_cast %parallel_loop3A_677 : i32 to index
      %parallel_loop3A_679 = arith.index_cast %parallel_loop3A_675 : i32 to index
      %parallel_loop3A_680 = tpu.vector_load %arg5[%parallel_loop3A_678, %parallel_loop3A_679] {strides = array<i32>} : memref<64x1024xf32, #tpu.memory_space<vmem>>, vector<1x16xf32>,
      %parallel_loop3A_681 = vector.shape_cast %parallel_loop3A_680 : vector<1x16xf32> to vector<16xf32>
      %parallel_loop3A_682 = arith.index_cast %parallel_loop3A_672 : i32 to index
      %parallel_loop3A_683 = arith.index_cast %parallel_loop3A_675 : i32 to index
      %parallel_loop3A_684 = tpu.vector_load %arg6[%parallel_loop3A_682, %parallel_loop3A_683] {strides = array<i32>} : memref<16x1024xf32, #tpu.memory_space<vmem>>, vector<1x16xf32>,
      %parallel_loop3A_685 = vector.shape_cast %parallel_loop3A_684 : vector<1x16xf32> to vector<16xf32>
      %parallel_loop3A_686 = vector.shape_cast %parallel_loop3A_681 : vector<16xf32> to vector<1x16xf32>
      tpu.vector_store %arg6[%parallel_loop3A_682, %parallel_loop3A_683], %parallel_loop3A_686 {add = true, strides = array<i32>} : memref<16x1024xf32, #tpu.memory_space<vmem>>, vector<1x16xf32>,
    } {sc.loop_unroll_factor = 8 : i64, sc.parallel_access}
    %add3A_214 = arith.constant 48 : i32
    %add3A_215 = arith.addi %mul3A_2, %add3A_214 : i32
    %dma_start3A_216 = arith.constant 0 : i32
    %dma_start3A_217 = arith.constant 0 : i32
    %dma_start3A_218 = tpu.memref_slice %arg4[%dma_start3A_216, %add3A_215, %dma_start3A_217] : memref<4x2048x1024xf32, #tpu.memory_space<hbm>> -> memref<1x16x1024xf32, #tpu.memory_space<hbm>>
    %dma_start3A_219 = tpu.memref_squeeze %dma_start3A_218 : memref<1x16x1024xf32, #tpu.memory_space<hbm>> -> memref<16x1024xf32, #tpu.memory_space<hbm>>
    %dma_start3A_220 = arith.constant 0 : i32
    %dma_start3A_221 = tpu.memref_slice %arg4[%dma_start3A_216, %add3A_215, %dma_start3A_220] : memref<4x2048x1024xf32, #tpu.memory_space<hbm>> -> memref<1x16x1024xf32, #tpu.memory_space<hbm>>
    %dma_start3A_222 = tpu.memref_squeeze %dma_start3A_221 : memref<1x16x1024xf32, #tpu.memory_space<hbm>> -> memref<16x1024xf32, #tpu.memory_space<hbm>>
    tpu.enqueue_dma source(%arg6 : memref<16x1024xf32, #tpu.memory_space<vmem>>) target(%dma_start3A_222 : memref<16x1024xf32, #tpu.memory_space<hbm>>) target_semaphore(%arg12 : memref<!tpu.dma_semaphore, #tpu.memory_space<semaphore_mem>>)
    %dma_wait3A_223 = arith.constant 0 : i32
    %dma_wait3A_224 = arith.constant 0 : i32
    %dma_wait3A_225 = tpu.memref_slice %arg4[%dma_wait3A_223, %add3A_170, %dma_wait3A_224] : memref<4x2048x1024xf32, #tpu.memory_space<hbm>> -> memref<1x16x1024xf32, #tpu.memory_space<hbm>>
    %dma_wait3A_226 = tpu.memref_squeeze %dma_wait3A_225 : memref<1x16x1024xf32, #tpu.memory_space<hbm>> -> memref<16x1024xf32, #tpu.memory_space<hbm>>
    %dma_wait3A_227 = arith.constant 0 : i32
    %dma_wait3A_228 = tpu.memref_slice %arg4[%dma_wait3A_223, %add3A_170, %dma_wait3A_227] : memref<4x2048x1024xf32, #tpu.memory_space<hbm>> -> memref<1x16x1024xf32, #tpu.memory_space<hbm>>
    %dma_wait3A_229 = tpu.memref_squeeze %dma_wait3A_228 : memref<1x16x1024xf32, #tpu.memory_space<hbm>> -> memref<16x1024xf32, #tpu.memory_space<hbm>>
    tpu.wait_dma2 semaphore(%arg14 : memref<!tpu.dma_semaphore, #tpu.memory_space<semaphore_mem>>) src(%arg8 : memref<16x1024xf32, #tpu.memory_space<vmem>>) dst(%dma_wait3A_229 : memref<16x1024xf32, #tpu.memory_space<hbm>>)
    %add3A_230 = arith.constant 16 : i32
    %add3A_231 = arith.addi %mul3A_2, %add3A_230 : i32
    %dma_start3A_232 = arith.constant 1 : i32
    %dma_start3A_233 = arith.constant 0 : i32
    %dma_start3A_234 = tpu.memref_slice %arg2[%dma_start3A_232, %add3A_231, %dma_start3A_233] : memref<4x2048x1024xf32, #tpu.memory_space<hbm>> -> memref<1x16x1024xf32, #tpu.memory_space<hbm>>
    %dma_start3A_235 = tpu.memref_squeeze %dma_start3A_234 : memref<1x16x1024xf32, #tpu.memory_space<hbm>> -> memref<16x1024xf32, #tpu.memory_space<hbm>>
    %dma_start3A_236 = arith.constant 0 : i32
    %dma_start3A_237 = tpu.memref_slice %arg2[%dma_start3A_232, %add3A_231, %dma_start3A_236] : memref<4x2048x1024xf32, #tpu.memory_space<hbm>> -> memref<1x16x1024xf32, #tpu.memory_space<hbm>>
    %dma_start3A_238 = tpu.memref_squeeze %dma_start3A_237 : memref<1x16x1024xf32, #tpu.memory_space<hbm>> -> memref<16x1024xf32, #tpu.memory_space<hbm>>
    tpu.enqueue_dma source(%dma_start3A_238 : memref<16x1024xf32, #tpu.memory_space<hbm>>) target(%arg8 : memref<16x1024xf32, #tpu.memory_space<vmem>>) target_semaphore(%arg11 : memref<!tpu.dma_semaphore, #tpu.memory_space<semaphore_mem>>)
    %dma_wait3A_239 = arith.constant 1 : i32
    %dma_wait3A_240 = arith.constant 0 : i32
    %dma_wait3A_241 = tpu.memref_slice %arg2[%dma_wait3A_239, %add3A_186, %dma_wait3A_240] : memref<4x2048x1024xf32, #tpu.memory_space<hbm>> -> memref<1x16x1024xf32, #tpu.memory_space<hbm>>
    %dma_wait3A_242 = tpu.memref_squeeze %dma_wait3A_241 : memref<1x16x1024xf32, #tpu.memory_space<hbm>> -> memref<16x1024xf32, #tpu.memory_space<hbm>>
    %dma_wait3A_243 = arith.constant 0 : i32
    %dma_wait3A_244 = tpu.memref_slice %arg2[%dma_wait3A_239, %add3A_186, %dma_wait3A_243] : memref<4x2048x1024xf32, #tpu.memory_space<hbm>> -> memref<1x16x1024xf32, #tpu.memory_space<hbm>>
    %dma_wait3A_245 = tpu.memref_squeeze %dma_wait3A_244 : memref<1x16x1024xf32, #tpu.memory_space<hbm>> -> memref<16x1024xf32, #tpu.memory_space<hbm>>
    tpu.wait_dma2 semaphore(%arg10 : memref<!tpu.dma_semaphore, #tpu.memory_space<semaphore_mem>>) src(%dma_wait3A_245 : memref<16x1024xf32, #tpu.memory_space<hbm>>) dst(%arg7 : memref<16x1024xf32, #tpu.memory_space<vmem>>)
    %parallel_loop3A_246 = arith.constant 0 : i32
    %parallel_loop3A_247 = arith.constant 16384 : i32
    %parallel_loop3A_248 = arith.constant 16 : i32
    scf.for %parallel_loop3A_648 = %parallel_loop3A_246 to %parallel_loop3A_247 step %parallel_loop3A_248  : i32 {
      %parallel_loop3A_649 = arith.constant 1024 : i32
      %parallel_loop3A_650 = arith.divsi %parallel_loop3A_648, %parallel_loop3A_649 : i32
      %parallel_loop3A_651 = arith.constant 0 : i32
      %parallel_loop3A_652 = arith.cmpi sgt, %parallel_loop3A_648, %parallel_loop3A_651 : i32
      %parallel_loop3A_653 = arith.extui %parallel_loop3A_652 : i1 to i32
      %parallel_loop3A_654 = arith.constant 0 : i32
      %parallel_loop3A_655 = arith.cmpi slt, %parallel_loop3A_648, %parallel_loop3A_654 : i32
      %parallel_loop3A_656 = arith.extui %parallel_loop3A_655 : i1 to i32
      %parallel_loop3A_657 = arith.subi %parallel_loop3A_653, %parallel_loop3A_656 : i32
      %parallel_loop3A_658 = arith.constant 0 : i32
      %parallel_loop3A_659 = arith.cmpi sgt, %parallel_loop3A_649, %parallel_loop3A_658 : i32
      %parallel_loop3A_660 = arith.extui %parallel_loop3A_659 : i1 to i32
      %parallel_loop3A_661 = arith.constant 0 : i32
      %parallel_loop3A_662 = arith.cmpi slt, %parallel_loop3A_649, %parallel_loop3A_661 : i32
      %parallel_loop3A_663 = arith.extui %parallel_loop3A_662 : i1 to i32
      %parallel_loop3A_664 = arith.subi %parallel_loop3A_660, %parallel_loop3A_663 : i32
      %parallel_loop3A_665 = arith.cmpi ne, %parallel_loop3A_657, %parallel_loop3A_664 : i32
      %parallel_loop3A_666 = arith.remsi %parallel_loop3A_648, %parallel_loop3A_649 : i32
      %parallel_loop3A_667 = arith.constant 0 : i32
      %parallel_loop3A_668 = arith.cmpi ne, %parallel_loop3A_666, %parallel_loop3A_667 : i32
      %parallel_loop3A_669 = arith.andi %parallel_loop3A_665, %parallel_loop3A_668 : i1
      %parallel_loop3A_670 = arith.constant 1 : i32
      %parallel_loop3A_671 = arith.subi %parallel_loop3A_650, %parallel_loop3A_670 : i32
      %parallel_loop3A_672 = arith.select %parallel_loop3A_669, %parallel_loop3A_671, %parallel_loop3A_650 : i32
      %parallel_loop3A_673 = arith.constant 1024 : i32
      %parallel_loop3A_674 = arith.muli %parallel_loop3A_672, %parallel_loop3A_673 : i32
      %parallel_loop3A_675 = arith.subi %parallel_loop3A_648, %parallel_loop3A_674 : i32
      %parallel_loop3A_676 = arith.constant 0 : i32
      %parallel_loop3A_677 = arith.addi %parallel_loop3A_676, %parallel_loop3A_672 : i32
      %parallel_loop3A_678 = arith.index_cast %parallel_loop3A_677 : i32 to index
      %parallel_loop3A_679 = arith.index_cast %parallel_loop3A_675 : i32 to index
      %parallel_loop3A_680 = tpu.vector_load %arg5[%parallel_loop3A_678, %parallel_loop3A_679] {strides = array<i32>} : memref<64x1024xf32, #tpu.memory_space<vmem>>, vector<1x16xf32>,
      %parallel_loop3A_681 = vector.shape_cast %parallel_loop3A_680 : vector<1x16xf32> to vector<16xf32>
      %parallel_loop3A_682 = arith.index_cast %parallel_loop3A_672 : i32 to index
      %parallel_loop3A_683 = arith.index_cast %parallel_loop3A_675 : i32 to index
      %parallel_loop3A_684 = tpu.vector_load %arg7[%parallel_loop3A_682, %parallel_loop3A_683] {strides = array<i32>} : memref<16x1024xf32, #tpu.memory_space<vmem>>, vector<1x16xf32>,
      %parallel_loop3A_685 = vector.shape_cast %parallel_loop3A_684 : vector<1x16xf32> to vector<16xf32>
      %parallel_loop3A_686 = vector.shape_cast %parallel_loop3A_681 : vector<16xf32> to vector<1x16xf32>
      tpu.vector_store %arg7[%parallel_loop3A_682, %parallel_loop3A_683], %parallel_loop3A_686 {add = true, strides = array<i32>} : memref<16x1024xf32, #tpu.memory_space<vmem>>, vector<1x16xf32>,
    } {sc.loop_unroll_factor = 8 : i64, sc.parallel_access}
    %add3A_249 = arith.constant 0 : i32
    %add3A_250 = arith.addi %mul3A_2, %add3A_249 : i32
    %dma_start3A_251 = arith.constant 1 : i32
    %dma_start3A_252 = arith.constant 0 : i32
    %dma_start3A_253 = tpu.memref_slice %arg4[%dma_start3A_251, %add3A_250, %dma_start3A_252] : memref<4x2048x1024xf32, #tpu.memory_space<hbm>> -> memref<1x16x1024xf32, #tpu.memory_space<hbm>>
    %dma_start3A_254 = tpu.memref_squeeze %dma_start3A_253 : memref<1x16x1024xf32, #tpu.memory_space<hbm>> -> memref<16x1024xf32, #tpu.memory_space<hbm>>
    %dma_start3A_255 = arith.constant 0 : i32
    %dma_start3A_256 = tpu.memref_slice %arg4[%dma_start3A_251, %add3A_250, %dma_start3A_255] : memref<4x2048x1024xf32, #tpu.memory_space<hbm>> -> memref<1x16x1024xf32, #tpu.memory_space<hbm>>
    %dma_start3A_257 = tpu.memref_squeeze %dma_start3A_256 : memref<1x16x1024xf32, #tpu.memory_space<hbm>> -> memref<16x1024xf32, #tpu.memory_space<hbm>>
    tpu.enqueue_dma source(%arg7 : memref<16x1024xf32, #tpu.memory_space<vmem>>) target(%dma_start3A_257 : memref<16x1024xf32, #tpu.memory_space<hbm>>) target_semaphore(%arg13 : memref<!tpu.dma_semaphore, #tpu.memory_space<semaphore_mem>>)
    %dma_wait3A_258 = arith.constant 0 : i32
    %dma_wait3A_259 = arith.constant 0 : i32
    %dma_wait3A_260 = tpu.memref_slice %arg4[%dma_wait3A_258, %add3A_215, %dma_wait3A_259] : memref<4x2048x1024xf32, #tpu.memory_space<hbm>> -> memref<1x16x1024xf32, #tpu.memory_space<hbm>>
    %dma_wait3A_261 = tpu.memref_squeeze %dma_wait3A_260 : memref<1x16x1024xf32, #tpu.memory_space<hbm>> -> memref<16x1024xf32, #tpu.memory_space<hbm>>
    %dma_wait3A_262 = arith.constant 0 : i32
    %dma_wait3A_263 = tpu.memref_slice %arg4[%dma_wait3A_258, %add3A_215, %dma_wait3A_262] : memref<4x2048x1024xf32, #tpu.memory_space<hbm>> -> memref<1x16x1024xf32, #tpu.memory_space<hbm>>
    %dma_wait3A_264 = tpu.memref_squeeze %dma_wait3A_263 : memref<1x16x1024xf32, #tpu.memory_space<hbm>> -> memref<16x1024xf32, #tpu.memory_space<hbm>>
    tpu.wait_dma2 semaphore(%arg12 : memref<!tpu.dma_semaphore, #tpu.memory_space<semaphore_mem>>) src(%arg6 : memref<16x1024xf32, #tpu.memory_space<vmem>>) dst(%dma_wait3A_264 : memref<16x1024xf32, #tpu.memory_space<hbm>>)
    %add3A_265 = arith.constant 32 : i32
    %add3A_266 = arith.addi %mul3A_2, %add3A_265 : i32
    %dma_start3A_267 = arith.constant 1 : i32
    %dma_start3A_268 = arith.constant 0 : i32
    %dma_start3A_269 = tpu.memref_slice %arg2[%dma_start3A_267, %add3A_266, %dma_start3A_268] : memref<4x2048x1024xf32, #tpu.memory_space<hbm>> -> memref<1x16x1024xf32, #tpu.memory_space<hbm>>
    %dma_start3A_270 = tpu.memref_squeeze %dma_start3A_269 : memref<1x16x1024xf32, #tpu.memory_space<hbm>> -> memref<16x1024xf32, #tpu.memory_space<hbm>>
    %dma_start3A_271 = arith.constant 0 : i32
    %dma_start3A_272 = tpu.memref_slice %arg2[%dma_start3A_267, %add3A_266, %dma_start3A_271] : memref<4x2048x1024xf32, #tpu.memory_space<hbm>> -> memref<1x16x1024xf32, #tpu.memory_space<hbm>>
    %dma_start3A_273 = tpu.memref_squeeze %dma_start3A_272 : memref<1x16x1024xf32, #tpu.memory_space<hbm>> -> memref<16x1024xf32, #tpu.memory_space<hbm>>
    tpu.enqueue_dma source(%dma_start3A_273 : memref<16x1024xf32, #tpu.memory_space<hbm>>) target(%arg6 : memref<16x1024xf32, #tpu.memory_space<vmem>>) target_semaphore(%arg9 : memref<!tpu.dma_semaphore, #tpu.memory_space<semaphore_mem>>)
    %dma_wait3A_274 = arith.constant 1 : i32
    %dma_wait3A_275 = arith.constant 0 : i32
    %dma_wait3A_276 = tpu.memref_slice %arg2[%dma_wait3A_274, %add3A_231, %dma_wait3A_275] : memref<4x2048x1024xf32, #tpu.memory_space<hbm>> -> memref<1x16x1024xf32, #tpu.memory_space<hbm>>
    %dma_wait3A_277 = tpu.memref_squeeze %dma_wait3A_276 : memref<1x16x1024xf32, #tpu.memory_space<hbm>> -> memref<16x1024xf32, #tpu.memory_space<hbm>>
    %dma_wait3A_278 = arith.constant 0 : i32
    %dma_wait3A_279 = tpu.memref_slice %arg2[%dma_wait3A_274, %add3A_231, %dma_wait3A_278] : memref<4x2048x1024xf32, #tpu.memory_space<hbm>> -> memref<1x16x1024xf32, #tpu.memory_space<hbm>>
    %dma_wait3A_280 = tpu.memref_squeeze %dma_wait3A_279 : memref<1x16x1024xf32, #tpu.memory_space<hbm>> -> memref<16x1024xf32, #tpu.memory_space<hbm>>
    tpu.wait_dma2 semaphore(%arg11 : memref<!tpu.dma_semaphore, #tpu.memory_space<semaphore_mem>>) src(%dma_wait3A_280 : memref<16x1024xf32, #tpu.memory_space<hbm>>) dst(%arg8 : memref<16x1024xf32, #tpu.memory_space<vmem>>)
    %parallel_loop3A_281 = arith.constant 0 : i32
    %parallel_loop3A_282 = arith.constant 16384 : i32
    %parallel_loop3A_283 = arith.constant 16 : i32
    scf.for %parallel_loop3A_648 = %parallel_loop3A_281 to %parallel_loop3A_282 step %parallel_loop3A_283  : i32 {
      %parallel_loop3A_649 = arith.constant 1024 : i32
      %parallel_loop3A_650 = arith.divsi %parallel_loop3A_648, %parallel_loop3A_649 : i32
      %parallel_loop3A_651 = arith.constant 0 : i32
      %parallel_loop3A_652 = arith.cmpi sgt, %parallel_loop3A_648, %parallel_loop3A_651 : i32
      %parallel_loop3A_653 = arith.extui %parallel_loop3A_652 : i1 to i32
      %parallel_loop3A_654 = arith.constant 0 : i32
      %parallel_loop3A_655 = arith.cmpi slt, %parallel_loop3A_648, %parallel_loop3A_654 : i32
      %parallel_loop3A_656 = arith.extui %parallel_loop3A_655 : i1 to i32
      %parallel_loop3A_657 = arith.subi %parallel_loop3A_653, %parallel_loop3A_656 : i32
      %parallel_loop3A_658 = arith.constant 0 : i32
      %parallel_loop3A_659 = arith.cmpi sgt, %parallel_loop3A_649, %parallel_loop3A_658 : i32
      %parallel_loop3A_660 = arith.extui %parallel_loop3A_659 : i1 to i32
      %parallel_loop3A_661 = arith.constant 0 : i32
      %parallel_loop3A_662 = arith.cmpi slt, %parallel_loop3A_649, %parallel_loop3A_661 : i32
      %parallel_loop3A_663 = arith.extui %parallel_loop3A_662 : i1 to i32
      %parallel_loop3A_664 = arith.subi %parallel_loop3A_660, %parallel_loop3A_663 : i32
      %parallel_loop3A_665 = arith.cmpi ne, %parallel_loop3A_657, %parallel_loop3A_664 : i32
      %parallel_loop3A_666 = arith.remsi %parallel_loop3A_648, %parallel_loop3A_649 : i32
      %parallel_loop3A_667 = arith.constant 0 : i32
      %parallel_loop3A_668 = arith.cmpi ne, %parallel_loop3A_666, %parallel_loop3A_667 : i32
      %parallel_loop3A_669 = arith.andi %parallel_loop3A_665, %parallel_loop3A_668 : i1
      %parallel_loop3A_670 = arith.constant 1 : i32
      %parallel_loop3A_671 = arith.subi %parallel_loop3A_650, %parallel_loop3A_670 : i32
      %parallel_loop3A_672 = arith.select %parallel_loop3A_669, %parallel_loop3A_671, %parallel_loop3A_650 : i32
      %parallel_loop3A_673 = arith.constant 1024 : i32
      %parallel_loop3A_674 = arith.muli %parallel_loop3A_672, %parallel_loop3A_673 : i32
      %parallel_loop3A_675 = arith.subi %parallel_loop3A_648, %parallel_loop3A_674 : i32
      %parallel_loop3A_676 = arith.constant 16 : i32
      %parallel_loop3A_677 = arith.addi %parallel_loop3A_676, %parallel_loop3A_672 : i32
      %parallel_loop3A_678 = arith.index_cast %parallel_loop3A_677 : i32 to index
      %parallel_loop3A_679 = arith.index_cast %parallel_loop3A_675 : i32 to index
      %parallel_loop3A_680 = tpu.vector_load %arg5[%parallel_loop3A_678, %parallel_loop3A_679] {strides = array<i32>} : memref<64x1024xf32, #tpu.memory_space<vmem>>, vector<1x16xf32>,
      %parallel_loop3A_681 = vector.shape_cast %parallel_loop3A_680 : vector<1x16xf32> to vector<16xf32>
      %parallel_loop3A_682 = arith.index_cast %parallel_loop3A_672 : i32 to index
      %parallel_loop3A_683 = arith.index_cast %parallel_loop3A_675 : i32 to index
      %parallel_loop3A_684 = tpu.vector_load %arg8[%parallel_loop3A_682, %parallel_loop3A_683] {strides = array<i32>} : memref<16x1024xf32, #tpu.memory_space<vmem>>, vector<1x16xf32>,
      %parallel_loop3A_685 = vector.shape_cast %parallel_loop3A_684 : vector<1x16xf32> to vector<16xf32>
      %parallel_loop3A_686 = vector.shape_cast %parallel_loop3A_681 : vector<16xf32> to vector<1x16xf32>
      tpu.vector_store %arg8[%parallel_loop3A_682, %parallel_loop3A_683], %parallel_loop3A_686 {add = true, strides = array<i32>} : memref<16x1024xf32, #tpu.memory_space<vmem>>, vector<1x16xf32>,
    } {sc.loop_unroll_factor = 8 : i64, sc.parallel_access}
    %add3A_284 = arith.constant 16 : i32
    %add3A_285 = arith.addi %mul3A_2, %add3A_284 : i32
    %dma_start3A_286 = arith.constant 1 : i32
    %dma_start3A_287 = arith.constant 0 : i32
    %dma_start3A_288 = tpu.memref_slice %arg4[%dma_start3A_286, %add3A_285, %dma_start3A_287] : memref<4x2048x1024xf32, #tpu.memory_space<hbm>> -> memref<1x16x1024xf32, #tpu.memory_space<hbm>>
    %dma_start3A_289 = tpu.memref_squeeze %dma_start3A_288 : memref<1x16x1024xf32, #tpu.memory_space<hbm>> -> memref<16x1024xf32, #tpu.memory_space<hbm>>
    %dma_start3A_290 = arith.constant 0 : i32
    %dma_start3A_291 = tpu.memref_slice %arg4[%dma_start3A_286, %add3A_285, %dma_start3A_290] : memref<4x2048x1024xf32, #tpu.memory_space<hbm>> -> memref<1x16x1024xf32, #tpu.memory_space<hbm>>
    %dma_start3A_292 = tpu.memref_squeeze %dma_start3A_291 : memref<1x16x1024xf32, #tpu.memory_space<hbm>> -> memref<16x1024xf32, #tpu.memory_space<hbm>>
    tpu.enqueue_dma source(%arg8 : memref<16x1024xf32, #tpu.memory_space<vmem>>) target(%dma_start3A_292 : memref<16x1024xf32, #tpu.memory_space<hbm>>) target_semaphore(%arg14 : memref<!tpu.dma_semaphore, #tpu.memory_space<semaphore_mem>>)
    %dma_wait3A_293 = arith.constant 1 : i32
    %dma_wait3A_294 = arith.constant 0 : i32
    %dma_wait3A_295 = tpu.memref_slice %arg4[%dma_wait3A_293, %add3A_250, %dma_wait3A_294] : memref<4x2048x1024xf32, #tpu.memory_space<hbm>> -> memref<1x16x1024xf32, #tpu.memory_space<hbm>>
    %dma_wait3A_296 = tpu.memref_squeeze %dma_wait3A_295 : memref<1x16x1024xf32, #tpu.memory_space<hbm>> -> memref<16x1024xf32, #tpu.memory_space<hbm>>
    %dma_wait3A_297 = arith.constant 0 : i32
    %dma_wait3A_298 = tpu.memref_slice %arg4[%dma_wait3A_293, %add3A_250, %dma_wait3A_297] : memref<4x2048x1024xf32, #tpu.memory_space<hbm>> -> memref<1x16x1024xf32, #tpu.memory_space<hbm>>
    %dma_wait3A_299 = tpu.memref_squeeze %dma_wait3A_298 : memref<1x16x1024xf32, #tpu.memory_space<hbm>> -> memref<16x1024xf32, #tpu.memory_space<hbm>>
    tpu.wait_dma2 semaphore(%arg13 : memref<!tpu.dma_semaphore, #tpu.memory_space<semaphore_mem>>) src(%arg7 : memref<16x1024xf32, #tpu.memory_space<vmem>>) dst(%dma_wait3A_299 : memref<16x1024xf32, #tpu.memory_space<hbm>>)
    %add3A_300 = arith.constant 48 : i32
    %add3A_301 = arith.addi %mul3A_2, %add3A_300 : i32
    %dma_start3A_302 = arith.constant 1 : i32
    %dma_start3A_303 = arith.constant 0 : i32
    %dma_start3A_304 = tpu.memref_slice %arg2[%dma_start3A_302, %add3A_301, %dma_start3A_303] : memref<4x2048x1024xf32, #tpu.memory_space<hbm>> -> memref<1x16x1024xf32, #tpu.memory_space<hbm>>
    %dma_start3A_305 = tpu.memref_squeeze %dma_start3A_304 : memref<1x16x1024xf32, #tpu.memory_space<hbm>> -> memref<16x1024xf32, #tpu.memory_space<hbm>>
    %dma_start3A_306 = arith.constant 0 : i32
    %dma_start3A_307 = tpu.memref_slice %arg2[%dma_start3A_302, %add3A_301, %dma_start3A_306] : memref<4x2048x1024xf32, #tpu.memory_space<hbm>> -> memref<1x16x1024xf32, #tpu.memory_space<hbm>>
    %dma_start3A_308 = tpu.memref_squeeze %dma_start3A_307 : memref<1x16x1024xf32, #tpu.memory_space<hbm>> -> memref<16x1024xf32, #tpu.memory_space<hbm>>
    tpu.enqueue_dma source(%dma_start3A_308 : memref<16x1024xf32, #tpu.memory_space<hbm>>) target(%arg7 : memref<16x1024xf32, #tpu.memory_space<vmem>>) target_semaphore(%arg10 : memref<!tpu.dma_semaphore, #tpu.memory_space<semaphore_mem>>)
    %dma_wait3A_309 = arith.constant 1 : i32
    %dma_wait3A_310 = arith.constant 0 : i32
    %dma_wait3A_311 = tpu.memref_slice %arg2[%dma_wait3A_309, %add3A_266, %dma_wait3A_310] : memref<4x2048x1024xf32, #tpu.memory_space<hbm>> -> memref<1x16x1024xf32, #tpu.memory_space<hbm>>
    %dma_wait3A_312 = tpu.memref_squeeze %dma_wait3A_311 : memref<1x16x1024xf32, #tpu.memory_space<hbm>> -> memref<16x1024xf32, #tpu.memory_space<hbm>>
    %dma_wait3A_313 = arith.constant 0 : i32
    %dma_wait3A_314 = tpu.memref_slice %arg2[%dma_wait3A_309, %add3A_266, %dma_wait3A_313] : memref<4x2048x1024xf32, #tpu.memory_space<hbm>> -> memref<1x16x1024xf32, #tpu.memory_space<hbm>>
    %dma_wait3A_315 = tpu.memref_squeeze %dma_wait3A_314 : memref<1x16x1024xf32, #tpu.memory_space<hbm>> -> memref<16x1024xf32, #tpu.memory_space<hbm>>
    tpu.wait_dma2 semaphore(%arg9 : memref<!tpu.dma_semaphore, #tpu.memory_space<semaphore_mem>>) src(%dma_wait3A_315 : memref<16x1024xf32, #tpu.memory_space<hbm>>) dst(%arg6 : memref<16x1024xf32, #tpu.memory_space<vmem>>)
    %parallel_loop3A_316 = arith.constant 0 : i32
    %parallel_loop3A_317 = arith.constant 16384 : i32
    %parallel_loop3A_318 = arith.constant 16 : i32
    scf.for %parallel_loop3A_648 = %parallel_loop3A_316 to %parallel_loop3A_317 step %parallel_loop3A_318  : i32 {
      %parallel_loop3A_649 = arith.constant 1024 : i32
      %parallel_loop3A_650 = arith.divsi %parallel_loop3A_648, %parallel_loop3A_649 : i32
      %parallel_loop3A_651 = arith.constant 0 : i32
      %parallel_loop3A_652 = arith.cmpi sgt, %parallel_loop3A_648, %parallel_loop3A_651 : i32
      %parallel_loop3A_653 = arith.extui %parallel_loop3A_652 : i1 to i32
      %parallel_loop3A_654 = arith.constant 0 : i32
      %parallel_loop3A_655 = arith.cmpi slt, %parallel_loop3A_648, %parallel_loop3A_654 : i32
      %parallel_loop3A_656 = arith.extui %parallel_loop3A_655 : i1 to i32
      %parallel_loop3A_657 = arith.subi %parallel_loop3A_653, %parallel_loop3A_656 : i32
      %parallel_loop3A_658 = arith.constant 0 : i32
      %parallel_loop3A_659 = arith.cmpi sgt, %parallel_loop3A_649, %parallel_loop3A_658 : i32
      %parallel_loop3A_660 = arith.extui %parallel_loop3A_659 : i1 to i32
      %parallel_loop3A_661 = arith.constant 0 : i32
      %parallel_loop3A_662 = arith.cmpi slt, %parallel_loop3A_649, %parallel_loop3A_661 : i32
      %parallel_loop3A_663 = arith.extui %parallel_loop3A_662 : i1 to i32
      %parallel_loop3A_664 = arith.subi %parallel_loop3A_660, %parallel_loop3A_663 : i32
      %parallel_loop3A_665 = arith.cmpi ne, %parallel_loop3A_657, %parallel_loop3A_664 : i32
      %parallel_loop3A_666 = arith.remsi %parallel_loop3A_648, %parallel_loop3A_649 : i32
      %parallel_loop3A_667 = arith.constant 0 : i32
      %parallel_loop3A_668 = arith.cmpi ne, %parallel_loop3A_666, %parallel_loop3A_667 : i32
      %parallel_loop3A_669 = arith.andi %parallel_loop3A_665, %parallel_loop3A_668 : i1
      %parallel_loop3A_670 = arith.constant 1 : i32
      %parallel_loop3A_671 = arith.subi %parallel_loop3A_650, %parallel_loop3A_670 : i32
      %parallel_loop3A_672 = arith.select %parallel_loop3A_669, %parallel_loop3A_671, %parallel_loop3A_650 : i32
      %parallel_loop3A_673 = arith.constant 1024 : i32
      %parallel_loop3A_674 = arith.muli %parallel_loop3A_672, %parallel_loop3A_673 : i32
      %parallel_loop3A_675 = arith.subi %parallel_loop3A_648, %parallel_loop3A_674 : i32
      %parallel_loop3A_676 = arith.constant 32 : i32
      %parallel_loop3A_677 = arith.addi %parallel_loop3A_676, %parallel_loop3A_672 : i32
      %parallel_loop3A_678 = arith.index_cast %parallel_loop3A_677 : i32 to index
      %parallel_loop3A_679 = arith.index_cast %parallel_loop3A_675 : i32 to index
      %parallel_loop3A_680 = tpu.vector_load %arg5[%parallel_loop3A_678, %parallel_loop3A_679] {strides = array<i32>} : memref<64x1024xf32, #tpu.memory_space<vmem>>, vector<1x16xf32>,
      %parallel_loop3A_681 = vector.shape_cast %parallel_loop3A_680 : vector<1x16xf32> to vector<16xf32>
      %parallel_loop3A_682 = arith.index_cast %parallel_loop3A_672 : i32 to index
      %parallel_loop3A_683 = arith.index_cast %parallel_loop3A_675 : i32 to index
      %parallel_loop3A_684 = tpu.vector_load %arg6[%parallel_loop3A_682, %parallel_loop3A_683] {strides = array<i32>} : memref<16x1024xf32, #tpu.memory_space<vmem>>, vector<1x16xf32>,
      %parallel_loop3A_685 = vector.shape_cast %parallel_loop3A_684 : vector<1x16xf32> to vector<16xf32>
      %parallel_loop3A_686 = vector.shape_cast %parallel_loop3A_681 : vector<16xf32> to vector<1x16xf32>
      tpu.vector_store %arg6[%parallel_loop3A_682, %parallel_loop3A_683], %parallel_loop3A_686 {add = true, strides = array<i32>} : memref<16x1024xf32, #tpu.memory_space<vmem>>, vector<1x16xf32>,
    } {sc.loop_unroll_factor = 8 : i64, sc.parallel_access}
    %add3A_319 = arith.constant 32 : i32
    %add3A_320 = arith.addi %mul3A_2, %add3A_319 : i32
    %dma_start3A_321 = arith.constant 1 : i32
    %dma_start3A_322 = arith.constant 0 : i32
    %dma_start3A_323 = tpu.memref_slice %arg4[%dma_start3A_321, %add3A_320, %dma_start3A_322] : memref<4x2048x1024xf32, #tpu.memory_space<hbm>> -> memref<1x16x1024xf32, #tpu.memory_space<hbm>>
    %dma_start3A_324 = tpu.memref_squeeze %dma_start3A_323 : memref<1x16x1024xf32, #tpu.memory_space<hbm>> -> memref<16x1024xf32, #tpu.memory_space<hbm>>
    %dma_start3A_325 = arith.constant 0 : i32
    %dma_start3A_326 = tpu.memref_slice %arg4[%dma_start3A_321, %add3A_320, %dma_start3A_325] : memref<4x2048x1024xf32, #tpu.memory_space<hbm>> -> memref<1x16x1024xf32, #tpu.memory_space<hbm>>
    %dma_start3A_327 = tpu.memref_squeeze %dma_start3A_326 : memref<1x16x1024xf32, #tpu.memory_space<hbm>> -> memref<16x1024xf32, #tpu.memory_space<hbm>>
    tpu.enqueue_dma source(%arg6 : memref<16x1024xf32, #tpu.memory_space<vmem>>) target(%dma_start3A_327 : memref<16x1024xf32, #tpu.memory_space<hbm>>) target_semaphore(%arg12 : memref<!tpu.dma_semaphore, #tpu.memory_space<semaphore_mem>>)
    %dma_wait3A_328 = arith.constant 1 : i32
    %dma_wait3A_329 = arith.constant 0 : i32
    %dma_wait3A_330 = tpu.memref_slice %arg4[%dma_wait3A_328, %add3A_285, %dma_wait3A_329] : memref<4x2048x1024xf32, #tpu.memory_space<hbm>> -> memref<1x16x1024xf32, #tpu.memory_space<hbm>>
    %dma_wait3A_331 = tpu.memref_squeeze %dma_wait3A_330 : memref<1x16x1024xf32, #tpu.memory_space<hbm>> -> memref<16x1024xf32, #tpu.memory_space<hbm>>
    %dma_wait3A_332 = arith.constant 0 : i32
    %dma_wait3A_333 = tpu.memref_slice %arg4[%dma_wait3A_328, %add3A_285, %dma_wait3A_332] : memref<4x2048x1024xf32, #tpu.memory_space<hbm>> -> memref<1x16x1024xf32, #tpu.memory_space<hbm>>
    %dma_wait3A_334 = tpu.memref_squeeze %dma_wait3A_333 : memref<1x16x1024xf32, #tpu.memory_space<hbm>> -> memref<16x1024xf32, #tpu.memory_space<hbm>>
    tpu.wait_dma2 semaphore(%arg14 : memref<!tpu.dma_semaphore, #tpu.memory_space<semaphore_mem>>) src(%arg8 : memref<16x1024xf32, #tpu.memory_space<vmem>>) dst(%dma_wait3A_334 : memref<16x1024xf32, #tpu.memory_space<hbm>>)
    %add3A_335 = arith.constant 0 : i32
    %add3A_336 = arith.addi %mul3A_2, %add3A_335 : i32
    %dma_start3A_337 = arith.constant 2 : i32
    %dma_start3A_338 = arith.constant 0 : i32
    %dma_start3A_339 = tpu.memref_slice %arg2[%dma_start3A_337, %add3A_336, %dma_start3A_338] : memref<4x2048x1024xf32, #tpu.memory_space<hbm>> -> memref<1x16x1024xf32, #tpu.memory_space<hbm>>
    %dma_start3A_340 = tpu.memref_squeeze %dma_start3A_339 : memref<1x16x1024xf32, #tpu.memory_space<hbm>> -> memref<16x1024xf32, #tpu.memory_space<hbm>>
    %dma_start3A_341 = arith.constant 0 : i32
    %dma_start3A_342 = tpu.memref_slice %arg2[%dma_start3A_337, %add3A_336, %dma_start3A_341] : memref<4x2048x1024xf32, #tpu.memory_space<hbm>> -> memref<1x16x1024xf32, #tpu.memory_space<hbm>>
    %dma_start3A_343 = tpu.memref_squeeze %dma_start3A_342 : memref<1x16x1024xf32, #tpu.memory_space<hbm>> -> memref<16x1024xf32, #tpu.memory_space<hbm>>
    tpu.enqueue_dma source(%dma_start3A_343 : memref<16x1024xf32, #tpu.memory_space<hbm>>) target(%arg8 : memref<16x1024xf32, #tpu.memory_space<vmem>>) target_semaphore(%arg11 : memref<!tpu.dma_semaphore, #tpu.memory_space<semaphore_mem>>)
    %dma_wait3A_344 = arith.constant 1 : i32
    %dma_wait3A_345 = arith.constant 0 : i32
    %dma_wait3A_346 = tpu.memref_slice %arg2[%dma_wait3A_344, %add3A_301, %dma_wait3A_345] : memref<4x2048x1024xf32, #tpu.memory_space<hbm>> -> memref<1x16x1024xf32, #tpu.memory_space<hbm>>
    %dma_wait3A_347 = tpu.memref_squeeze %dma_wait3A_346 : memref<1x16x1024xf32, #tpu.memory_space<hbm>> -> memref<16x1024xf32, #tpu.memory_space<hbm>>
    %dma_wait3A_348 = arith.constant 0 : i32
    %dma_wait3A_349 = tpu.memref_slice %arg2[%dma_wait3A_344, %add3A_301, %dma_wait3A_348] : memref<4x2048x1024xf32, #tpu.memory_space<hbm>> -> memref<1x16x1024xf32, #tpu.memory_space<hbm>>
    %dma_wait3A_350 = tpu.memref_squeeze %dma_wait3A_349 : memref<1x16x1024xf32, #tpu.memory_space<hbm>> -> memref<16x1024xf32, #tpu.memory_space<hbm>>
    tpu.wait_dma2 semaphore(%arg10 : memref<!tpu.dma_semaphore, #tpu.memory_space<semaphore_mem>>) src(%dma_wait3A_350 : memref<16x1024xf32, #tpu.memory_space<hbm>>) dst(%arg7 : memref<16x1024xf32, #tpu.memory_space<vmem>>)
    %parallel_loop3A_351 = arith.constant 0 : i32
    %parallel_loop3A_352 = arith.constant 16384 : i32
    %parallel_loop3A_353 = arith.constant 16 : i32
    scf.for %parallel_loop3A_648 = %parallel_loop3A_351 to %parallel_loop3A_352 step %parallel_loop3A_353  : i32 {
      %parallel_loop3A_649 = arith.constant 1024 : i32
      %parallel_loop3A_650 = arith.divsi %parallel_loop3A_648, %parallel_loop3A_649 : i32
      %parallel_loop3A_651 = arith.constant 0 : i32
      %parallel_loop3A_652 = arith.cmpi sgt, %parallel_loop3A_648, %parallel_loop3A_651 : i32
      %parallel_loop3A_653 = arith.extui %parallel_loop3A_652 : i1 to i32
      %parallel_loop3A_654 = arith.constant 0 : i32
      %parallel_loop3A_655 = arith.cmpi slt, %parallel_loop3A_648, %parallel_loop3A_654 : i32
      %parallel_loop3A_656 = arith.extui %parallel_loop3A_655 : i1 to i32
      %parallel_loop3A_657 = arith.subi %parallel_loop3A_653, %parallel_loop3A_656 : i32
      %parallel_loop3A_658 = arith.constant 0 : i32
      %parallel_loop3A_659 = arith.cmpi sgt, %parallel_loop3A_649, %parallel_loop3A_658 : i32
      %parallel_loop3A_660 = arith.extui %parallel_loop3A_659 : i1 to i32
      %parallel_loop3A_661 = arith.constant 0 : i32
      %parallel_loop3A_662 = arith.cmpi slt, %parallel_loop3A_649, %parallel_loop3A_661 : i32
      %parallel_loop3A_663 = arith.extui %parallel_loop3A_662 : i1 to i32
      %parallel_loop3A_664 = arith.subi %parallel_loop3A_660, %parallel_loop3A_663 : i32
      %parallel_loop3A_665 = arith.cmpi ne, %parallel_loop3A_657, %parallel_loop3A_664 : i32
      %parallel_loop3A_666 = arith.remsi %parallel_loop3A_648, %parallel_loop3A_649 : i32
      %parallel_loop3A_667 = arith.constant 0 : i32
      %parallel_loop3A_668 = arith.cmpi ne, %parallel_loop3A_666, %parallel_loop3A_667 : i32
      %parallel_loop3A_669 = arith.andi %parallel_loop3A_665, %parallel_loop3A_668 : i1
      %parallel_loop3A_670 = arith.constant 1 : i32
      %parallel_loop3A_671 = arith.subi %parallel_loop3A_650, %parallel_loop3A_670 : i32
      %parallel_loop3A_672 = arith.select %parallel_loop3A_669, %parallel_loop3A_671, %parallel_loop3A_650 : i32
      %parallel_loop3A_673 = arith.constant 1024 : i32
      %parallel_loop3A_674 = arith.muli %parallel_loop3A_672, %parallel_loop3A_673 : i32
      %parallel_loop3A_675 = arith.subi %parallel_loop3A_648, %parallel_loop3A_674 : i32
      %parallel_loop3A_676 = arith.constant 48 : i32
      %parallel_loop3A_677 = arith.addi %parallel_loop3A_676, %parallel_loop3A_672 : i32
      %parallel_loop3A_678 = arith.index_cast %parallel_loop3A_677 : i32 to index
      %parallel_loop3A_679 = arith.index_cast %parallel_loop3A_675 : i32 to index
      %parallel_loop3A_680 = tpu.vector_load %arg5[%parallel_loop3A_678, %parallel_loop3A_679] {strides = array<i32>} : memref<64x1024xf32, #tpu.memory_space<vmem>>, vector<1x16xf32>,
      %parallel_loop3A_681 = vector.shape_cast %parallel_loop3A_680 : vector<1x16xf32> to vector<16xf32>
      %parallel_loop3A_682 = arith.index_cast %parallel_loop3A_672 : i32 to index
      %parallel_loop3A_683 = arith.index_cast %parallel_loop3A_675 : i32 to index
      %parallel_loop3A_684 = tpu.vector_load %arg7[%parallel_loop3A_682, %parallel_loop3A_683] {strides = array<i32>} : memref<16x1024xf32, #tpu.memory_space<vmem>>, vector<1x16xf32>,
      %parallel_loop3A_685 = vector.shape_cast %parallel_loop3A_684 : vector<1x16xf32> to vector<16xf32>
      %parallel_loop3A_686 = vector.shape_cast %parallel_loop3A_681 : vector<16xf32> to vector<1x16xf32>
      tpu.vector_store %arg7[%parallel_loop3A_682, %parallel_loop3A_683], %parallel_loop3A_686 {add = true, strides = array<i32>} : memref<16x1024xf32, #tpu.memory_space<vmem>>, vector<1x16xf32>,
    } {sc.loop_unroll_factor = 8 : i64, sc.parallel_access}
    %add3A_354 = arith.constant 48 : i32
    %add3A_355 = arith.addi %mul3A_2, %add3A_354 : i32
    %dma_start3A_356 = arith.constant 1 : i32
    %dma_start3A_357 = arith.constant 0 : i32
    %dma_start3A_358 = tpu.memref_slice %arg4[%dma_start3A_356, %add3A_355, %dma_start3A_357] : memref<4x2048x1024xf32, #tpu.memory_space<hbm>> -> memref<1x16x1024xf32, #tpu.memory_space<hbm>>
    %dma_start3A_359 = tpu.memref_squeeze %dma_start3A_358 : memref<1x16x1024xf32, #tpu.memory_space<hbm>> -> memref<16x1024xf32, #tpu.memory_space<hbm>>
    %dma_start3A_360 = arith.constant 0 : i32
    %dma_start3A_361 = tpu.memref_slice %arg4[%dma_start3A_356, %add3A_355, %dma_start3A_360] : memref<4x2048x1024xf32, #tpu.memory_space<hbm>> -> memref<1x16x1024xf32, #tpu.memory_space<hbm>>
    %dma_start3A_362 = tpu.memref_squeeze %dma_start3A_361 : memref<1x16x1024xf32, #tpu.memory_space<hbm>> -> memref<16x1024xf32, #tpu.memory_space<hbm>>
    tpu.enqueue_dma source(%arg7 : memref<16x1024xf32, #tpu.memory_space<vmem>>) target(%dma_start3A_362 : memref<16x1024xf32, #tpu.memory_space<hbm>>) target_semaphore(%arg13 : memref<!tpu.dma_semaphore, #tpu.memory_space<semaphore_mem>>)
    %dma_wait3A_363 = arith.constant 1 : i32
    %dma_wait3A_364 = arith.constant 0 : i32
    %dma_wait3A_365 = tpu.memref_slice %arg4[%dma_wait3A_363, %add3A_320, %dma_wait3A_364] : memref<4x2048x1024xf32, #tpu.memory_space<hbm>> -> memref<1x16x1024xf32, #tpu.memory_space<hbm>>
    %dma_wait3A_366 = tpu.memref_squeeze %dma_wait3A_365 : memref<1x16x1024xf32, #tpu.memory_space<hbm>> -> memref<16x1024xf32, #tpu.memory_space<hbm>>
    %dma_wait3A_367 = arith.constant 0 : i32
    %dma_wait3A_368 = tpu.memref_slice %arg4[%dma_wait3A_363, %add3A_320, %dma_wait3A_367] : memref<4x2048x1024xf32, #tpu.memory_space<hbm>> -> memref<1x16x1024xf32, #tpu.memory_space<hbm>>
    %dma_wait3A_369 = tpu.memref_squeeze %dma_wait3A_368 : memref<1x16x1024xf32, #tpu.memory_space<hbm>> -> memref<16x1024xf32, #tpu.memory_space<hbm>>
    tpu.wait_dma2 semaphore(%arg12 : memref<!tpu.dma_semaphore, #tpu.memory_space<semaphore_mem>>) src(%arg6 : memref<16x1024xf32, #tpu.memory_space<vmem>>) dst(%dma_wait3A_369 : memref<16x1024xf32, #tpu.memory_space<hbm>>)
    %add3A_370 = arith.constant 16 : i32
    %add3A_371 = arith.addi %mul3A_2, %add3A_370 : i32
    %dma_start3A_372 = arith.constant 2 : i32
    %dma_start3A_373 = arith.constant 0 : i32
    %dma_start3A_374 = tpu.memref_slice %arg2[%dma_start3A_372, %add3A_371, %dma_start3A_373] : memref<4x2048x1024xf32, #tpu.memory_space<hbm>> -> memref<1x16x1024xf32, #tpu.memory_space<hbm>>
    %dma_start3A_375 = tpu.memref_squeeze %dma_start3A_374 : memref<1x16x1024xf32, #tpu.memory_space<hbm>> -> memref<16x1024xf32, #tpu.memory_space<hbm>>
    %dma_start3A_376 = arith.constant 0 : i32
    %dma_start3A_377 = tpu.memref_slice %arg2[%dma_start3A_372, %add3A_371, %dma_start3A_376] : memref<4x2048x1024xf32, #tpu.memory_space<hbm>> -> memref<1x16x1024xf32, #tpu.memory_space<hbm>>
    %dma_start3A_378 = tpu.memref_squeeze %dma_start3A_377 : memref<1x16x1024xf32, #tpu.memory_space<hbm>> -> memref<16x1024xf32, #tpu.memory_space<hbm>>
    tpu.enqueue_dma source(%dma_start3A_378 : memref<16x1024xf32, #tpu.memory_space<hbm>>) target(%arg6 : memref<16x1024xf32, #tpu.memory_space<vmem>>) target_semaphore(%arg9 : memref<!tpu.dma_semaphore, #tpu.memory_space<semaphore_mem>>)
    %dma_wait3A_379 = arith.constant 2 : i32
    %dma_wait3A_380 = arith.constant 0 : i32
    %dma_wait3A_381 = tpu.memref_slice %arg2[%dma_wait3A_379, %add3A_336, %dma_wait3A_380] : memref<4x2048x1024xf32, #tpu.memory_space<hbm>> -> memref<1x16x1024xf32, #tpu.memory_space<hbm>>
    %dma_wait3A_382 = tpu.memref_squeeze %dma_wait3A_381 : memref<1x16x1024xf32, #tpu.memory_space<hbm>> -> memref<16x1024xf32, #tpu.memory_space<hbm>>
    %dma_wait3A_383 = arith.constant 0 : i32
    %dma_wait3A_384 = tpu.memref_slice %arg2[%dma_wait3A_379, %add3A_336, %dma_wait3A_383] : memref<4x2048x1024xf32, #tpu.memory_space<hbm>> -> memref<1x16x1024xf32, #tpu.memory_space<hbm>>
    %dma_wait3A_385 = tpu.memref_squeeze %dma_wait3A_384 : memref<1x16x1024xf32, #tpu.memory_space<hbm>> -> memref<16x1024xf32, #tpu.memory_space<hbm>>
    tpu.wait_dma2 semaphore(%arg11 : memref<!tpu.dma_semaphore, #tpu.memory_space<semaphore_mem>>) src(%dma_wait3A_385 : memref<16x1024xf32, #tpu.memory_space<hbm>>) dst(%arg8 : memref<16x1024xf32, #tpu.memory_space<vmem>>)
    %parallel_loop3A_386 = arith.constant 0 : i32
    %parallel_loop3A_387 = arith.constant 16384 : i32
    %parallel_loop3A_388 = arith.constant 16 : i32
    scf.for %parallel_loop3A_648 = %parallel_loop3A_386 to %parallel_loop3A_387 step %parallel_loop3A_388  : i32 {
      %parallel_loop3A_649 = arith.constant 1024 : i32
      %parallel_loop3A_650 = arith.divsi %parallel_loop3A_648, %parallel_loop3A_649 : i32
      %parallel_loop3A_651 = arith.constant 0 : i32
      %parallel_loop3A_652 = arith.cmpi sgt, %parallel_loop3A_648, %parallel_loop3A_651 : i32
      %parallel_loop3A_653 = arith.extui %parallel_loop3A_652 : i1 to i32
      %parallel_loop3A_654 = arith.constant 0 : i32
      %parallel_loop3A_655 = arith.cmpi slt, %parallel_loop3A_648, %parallel_loop3A_654 : i32
      %parallel_loop3A_656 = arith.extui %parallel_loop3A_655 : i1 to i32
      %parallel_loop3A_657 = arith.subi %parallel_loop3A_653, %parallel_loop3A_656 : i32
      %parallel_loop3A_658 = arith.constant 0 : i32
      %parallel_loop3A_659 = arith.cmpi sgt, %parallel_loop3A_649, %parallel_loop3A_658 : i32
      %parallel_loop3A_660 = arith.extui %parallel_loop3A_659 : i1 to i32
      %parallel_loop3A_661 = arith.constant 0 : i32
      %parallel_loop3A_662 = arith.cmpi slt, %parallel_loop3A_649, %parallel_loop3A_661 : i32
      %parallel_loop3A_663 = arith.extui %parallel_loop3A_662 : i1 to i32
      %parallel_loop3A_664 = arith.subi %parallel_loop3A_660, %parallel_loop3A_663 : i32
      %parallel_loop3A_665 = arith.cmpi ne, %parallel_loop3A_657, %parallel_loop3A_664 : i32
      %parallel_loop3A_666 = arith.remsi %parallel_loop3A_648, %parallel_loop3A_649 : i32
      %parallel_loop3A_667 = arith.constant 0 : i32
      %parallel_loop3A_668 = arith.cmpi ne, %parallel_loop3A_666, %parallel_loop3A_667 : i32
      %parallel_loop3A_669 = arith.andi %parallel_loop3A_665, %parallel_loop3A_668 : i1
      %parallel_loop3A_670 = arith.constant 1 : i32
      %parallel_loop3A_671 = arith.subi %parallel_loop3A_650, %parallel_loop3A_670 : i32
      %parallel_loop3A_672 = arith.select %parallel_loop3A_669, %parallel_loop3A_671, %parallel_loop3A_650 : i32
      %parallel_loop3A_673 = arith.constant 1024 : i32
      %parallel_loop3A_674 = arith.muli %parallel_loop3A_672, %parallel_loop3A_673 : i32
      %parallel_loop3A_675 = arith.subi %parallel_loop3A_648, %parallel_loop3A_674 : i32
      %parallel_loop3A_676 = arith.constant 0 : i32
      %parallel_loop3A_677 = arith.addi %parallel_loop3A_676, %parallel_loop3A_672 : i32
      %parallel_loop3A_678 = arith.index_cast %parallel_loop3A_677 : i32 to index
      %parallel_loop3A_679 = arith.index_cast %parallel_loop3A_675 : i32 to index
      %parallel_loop3A_680 = tpu.vector_load %arg5[%parallel_loop3A_678, %parallel_loop3A_679] {strides = array<i32>} : memref<64x1024xf32, #tpu.memory_space<vmem>>, vector<1x16xf32>,
      %parallel_loop3A_681 = vector.shape_cast %parallel_loop3A_680 : vector<1x16xf32> to vector<16xf32>
      %parallel_loop3A_682 = arith.index_cast %parallel_loop3A_672 : i32 to index
      %parallel_loop3A_683 = arith.index_cast %parallel_loop3A_675 : i32 to index
      %parallel_loop3A_684 = tpu.vector_load %arg8[%parallel_loop3A_682, %parallel_loop3A_683] {strides = array<i32>} : memref<16x1024xf32, #tpu.memory_space<vmem>>, vector<1x16xf32>,
      %parallel_loop3A_685 = vector.shape_cast %parallel_loop3A_684 : vector<1x16xf32> to vector<16xf32>
      %parallel_loop3A_686 = vector.shape_cast %parallel_loop3A_681 : vector<16xf32> to vector<1x16xf32>
      tpu.vector_store %arg8[%parallel_loop3A_682, %parallel_loop3A_683], %parallel_loop3A_686 {add = true, strides = array<i32>} : memref<16x1024xf32, #tpu.memory_space<vmem>>, vector<1x16xf32>,
    } {sc.loop_unroll_factor = 8 : i64, sc.parallel_access}
    %add3A_389 = arith.constant 0 : i32
    %add3A_390 = arith.addi %mul3A_2, %add3A_389 : i32
    %dma_start3A_391 = arith.constant 2 : i32
    %dma_start3A_392 = arith.constant 0 : i32
    %dma_start3A_393 = tpu.memref_slice %arg4[%dma_start3A_391, %add3A_390, %dma_start3A_392] : memref<4x2048x1024xf32, #tpu.memory_space<hbm>> -> memref<1x16x1024xf32, #tpu.memory_space<hbm>>
    %dma_start3A_394 = tpu.memref_squeeze %dma_start3A_393 : memref<1x16x1024xf32, #tpu.memory_space<hbm>> -> memref<16x1024xf32, #tpu.memory_space<hbm>>
    %dma_start3A_395 = arith.constant 0 : i32
    %dma_start3A_396 = tpu.memref_slice %arg4[%dma_start3A_391, %add3A_390, %dma_start3A_395] : memref<4x2048x1024xf32, #tpu.memory_space<hbm>> -> memref<1x16x1024xf32, #tpu.memory_space<hbm>>
    %dma_start3A_397 = tpu.memref_squeeze %dma_start3A_396 : memref<1x16x1024xf32, #tpu.memory_space<hbm>> -> memref<16x1024xf32, #tpu.memory_space<hbm>>
    tpu.enqueue_dma source(%arg8 : memref<16x1024xf32, #tpu.memory_space<vmem>>) target(%dma_start3A_397 : memref<16x1024xf32, #tpu.memory_space<hbm>>) target_semaphore(%arg14 : memref<!tpu.dma_semaphore, #tpu.memory_space<semaphore_mem>>)
    %dma_wait3A_398 = arith.constant 1 : i32
    %dma_wait3A_399 = arith.constant 0 : i32
    %dma_wait3A_400 = tpu.memref_slice %arg4[%dma_wait3A_398, %add3A_355, %dma_wait3A_399] : memref<4x2048x1024xf32, #tpu.memory_space<hbm>> -> memref<1x16x1024xf32, #tpu.memory_space<hbm>>
    %dma_wait3A_401 = tpu.memref_squeeze %dma_wait3A_400 : memref<1x16x1024xf32, #tpu.memory_space<hbm>> -> memref<16x1024xf32, #tpu.memory_space<hbm>>
    %dma_wait3A_402 = arith.constant 0 : i32
    %dma_wait3A_403 = tpu.memref_slice %arg4[%dma_wait3A_398, %add3A_355, %dma_wait3A_402] : memref<4x2048x1024xf32, #tpu.memory_space<hbm>> -> memref<1x16x1024xf32, #tpu.memory_space<hbm>>
    %dma_wait3A_404 = tpu.memref_squeeze %dma_wait3A_403 : memref<1x16x1024xf32, #tpu.memory_space<hbm>> -> memref<16x1024xf32, #tpu.memory_space<hbm>>
    tpu.wait_dma2 semaphore(%arg13 : memref<!tpu.dma_semaphore, #tpu.memory_space<semaphore_mem>>) src(%arg7 : memref<16x1024xf32, #tpu.memory_space<vmem>>) dst(%dma_wait3A_404 : memref<16x1024xf32, #tpu.memory_space<hbm>>)
    %add3A_405 = arith.constant 32 : i32
    %add3A_406 = arith.addi %mul3A_2, %add3A_405 : i32
    %dma_start3A_407 = arith.constant 2 : i32
    %dma_start3A_408 = arith.constant 0 : i32
    %dma_start3A_409 = tpu.memref_slice %arg2[%dma_start3A_407, %add3A_406, %dma_start3A_408] : memref<4x2048x1024xf32, #tpu.memory_space<hbm>> -> memref<1x16x1024xf32, #tpu.memory_space<hbm>>
    %dma_start3A_410 = tpu.memref_squeeze %dma_start3A_409 : memref<1x16x1024xf32, #tpu.memory_space<hbm>> -> memref<16x1024xf32, #tpu.memory_space<hbm>>
    %dma_start3A_411 = arith.constant 0 : i32
    %dma_start3A_412 = tpu.memref_slice %arg2[%dma_start3A_407, %add3A_406, %dma_start3A_411] : memref<4x2048x1024xf32, #tpu.memory_space<hbm>> -> memref<1x16x1024xf32, #tpu.memory_space<hbm>>
    %dma_start3A_413 = tpu.memref_squeeze %dma_start3A_412 : memref<1x16x1024xf32, #tpu.memory_space<hbm>> -> memref<16x1024xf32, #tpu.memory_space<hbm>>
    tpu.enqueue_dma source(%dma_start3A_413 : memref<16x1024xf32, #tpu.memory_space<hbm>>) target(%arg7 : memref<16x1024xf32, #tpu.memory_space<vmem>>) target_semaphore(%arg10 : memref<!tpu.dma_semaphore, #tpu.memory_space<semaphore_mem>>)
    %dma_wait3A_414 = arith.constant 2 : i32
    %dma_wait3A_415 = arith.constant 0 : i32
    %dma_wait3A_416 = tpu.memref_slice %arg2[%dma_wait3A_414, %add3A_371, %dma_wait3A_415] : memref<4x2048x1024xf32, #tpu.memory_space<hbm>> -> memref<1x16x1024xf32, #tpu.memory_space<hbm>>
    %dma_wait3A_417 = tpu.memref_squeeze %dma_wait3A_416 : memref<1x16x1024xf32, #tpu.memory_space<hbm>> -> memref<16x1024xf32, #tpu.memory_space<hbm>>
    %dma_wait3A_418 = arith.constant 0 : i32
    %dma_wait3A_419 = tpu.memref_slice %arg2[%dma_wait3A_414, %add3A_371, %dma_wait3A_418] : memref<4x2048x1024xf32, #tpu.memory_space<hbm>> -> memref<1x16x1024xf32, #tpu.memory_space<hbm>>
    %dma_wait3A_420 = tpu.memref_squeeze %dma_wait3A_419 : memref<1x16x1024xf32, #tpu.memory_space<hbm>> -> memref<16x1024xf32, #tpu.memory_space<hbm>>
    tpu.wait_dma2 semaphore(%arg9 : memref<!tpu.dma_semaphore, #tpu.memory_space<semaphore_mem>>) src(%dma_wait3A_420 : memref<16x1024xf32, #tpu.memory_space<hbm>>) dst(%arg6 : memref<16x1024xf32, #tpu.memory_space<vmem>>)
    %parallel_loop3A_421 = arith.constant 0 : i32
    %parallel_loop3A_422 = arith.constant 16384 : i32
    %parallel_loop3A_423 = arith.constant 16 : i32
    scf.for %parallel_loop3A_648 = %parallel_loop3A_421 to %parallel_loop3A_422 step %parallel_loop3A_423  : i32 {
      %parallel_loop3A_649 = arith.constant 1024 : i32
      %parallel_loop3A_650 = arith.divsi %parallel_loop3A_648, %parallel_loop3A_649 : i32
      %parallel_loop3A_651 = arith.constant 0 : i32
      %parallel_loop3A_652 = arith.cmpi sgt, %parallel_loop3A_648, %parallel_loop3A_651 : i32
      %parallel_loop3A_653 = arith.extui %parallel_loop3A_652 : i1 to i32
      %parallel_loop3A_654 = arith.constant 0 : i32
      %parallel_loop3A_655 = arith.cmpi slt, %parallel_loop3A_648, %parallel_loop3A_654 : i32
      %parallel_loop3A_656 = arith.extui %parallel_loop3A_655 : i1 to i32
      %parallel_loop3A_657 = arith.subi %parallel_loop3A_653, %parallel_loop3A_656 : i32
      %parallel_loop3A_658 = arith.constant 0 : i32
      %parallel_loop3A_659 = arith.cmpi sgt, %parallel_loop3A_649, %parallel_loop3A_658 : i32
      %parallel_loop3A_660 = arith.extui %parallel_loop3A_659 : i1 to i32
      %parallel_loop3A_661 = arith.constant 0 : i32
      %parallel_loop3A_662 = arith.cmpi slt, %parallel_loop3A_649, %parallel_loop3A_661 : i32
      %parallel_loop3A_663 = arith.extui %parallel_loop3A_662 : i1 to i32
      %parallel_loop3A_664 = arith.subi %parallel_loop3A_660, %parallel_loop3A_663 : i32
      %parallel_loop3A_665 = arith.cmpi ne, %parallel_loop3A_657, %parallel_loop3A_664 : i32
      %parallel_loop3A_666 = arith.remsi %parallel_loop3A_648, %parallel_loop3A_649 : i32
      %parallel_loop3A_667 = arith.constant 0 : i32
      %parallel_loop3A_668 = arith.cmpi ne, %parallel_loop3A_666, %parallel_loop3A_667 : i32
      %parallel_loop3A_669 = arith.andi %parallel_loop3A_665, %parallel_loop3A_668 : i1
      %parallel_loop3A_670 = arith.constant 1 : i32
      %parallel_loop3A_671 = arith.subi %parallel_loop3A_650, %parallel_loop3A_670 : i32
      %parallel_loop3A_672 = arith.select %parallel_loop3A_669, %parallel_loop3A_671, %parallel_loop3A_650 : i32
      %parallel_loop3A_673 = arith.constant 1024 : i32
      %parallel_loop3A_674 = arith.muli %parallel_loop3A_672, %parallel_loop3A_673 : i32
      %parallel_loop3A_675 = arith.subi %parallel_loop3A_648, %parallel_loop3A_674 : i32
      %parallel_loop3A_676 = arith.constant 16 : i32
      %parallel_loop3A_677 = arith.addi %parallel_loop3A_676, %parallel_loop3A_672 : i32
      %parallel_loop3A_678 = arith.index_cast %parallel_loop3A_677 : i32 to index
      %parallel_loop3A_679 = arith.index_cast %parallel_loop3A_675 : i32 to index
      %parallel_loop3A_680 = tpu.vector_load %arg5[%parallel_loop3A_678, %parallel_loop3A_679] {strides = array<i32>} : memref<64x1024xf32, #tpu.memory_space<vmem>>, vector<1x16xf32>,
      %parallel_loop3A_681 = vector.shape_cast %parallel_loop3A_680 : vector<1x16xf32> to vector<16xf32>
      %parallel_loop3A_682 = arith.index_cast %parallel_loop3A_672 : i32 to index
      %parallel_loop3A_683 = arith.index_cast %parallel_loop3A_675 : i32 to index
      %parallel_loop3A_684 = tpu.vector_load %arg6[%parallel_loop3A_682, %parallel_loop3A_683] {strides = array<i32>} : memref<16x1024xf32, #tpu.memory_space<vmem>>, vector<1x16xf32>,
      %parallel_loop3A_685 = vector.shape_cast %parallel_loop3A_684 : vector<1x16xf32> to vector<16xf32>
      %parallel_loop3A_686 = vector.shape_cast %parallel_loop3A_681 : vector<16xf32> to vector<1x16xf32>
      tpu.vector_store %arg6[%parallel_loop3A_682, %parallel_loop3A_683], %parallel_loop3A_686 {add = true, strides = array<i32>} : memref<16x1024xf32, #tpu.memory_space<vmem>>, vector<1x16xf32>,
    } {sc.loop_unroll_factor = 8 : i64, sc.parallel_access}
    %add3A_424 = arith.constant 16 : i32
    %add3A_425 = arith.addi %mul3A_2, %add3A_424 : i32
    %dma_start3A_426 = arith.constant 2 : i32
    %dma_start3A_427 = arith.constant 0 : i32
    %dma_start3A_428 = tpu.memref_slice %arg4[%dma_start3A_426, %add3A_425, %dma_start3A_427] : memref<4x2048x1024xf32, #tpu.memory_space<hbm>> -> memref<1x16x1024xf32, #tpu.memory_space<hbm>>
    %dma_start3A_429 = tpu.memref_squeeze %dma_start3A_428 : memref<1x16x1024xf32, #tpu.memory_space<hbm>> -> memref<16x1024xf32, #tpu.memory_space<hbm>>
    %dma_start3A_430 = arith.constant 0 : i32
    %dma_start3A_431 = tpu.memref_slice %arg4[%dma_start3A_426, %add3A_425, %dma_start3A_430] : memref<4x2048x1024xf32, #tpu.memory_space<hbm>> -> memref<1x16x1024xf32, #tpu.memory_space<hbm>>
    %dma_start3A_432 = tpu.memref_squeeze %dma_start3A_431 : memref<1x16x1024xf32, #tpu.memory_space<hbm>> -> memref<16x1024xf32, #tpu.memory_space<hbm>>
    tpu.enqueue_dma source(%arg6 : memref<16x1024xf32, #tpu.memory_space<vmem>>) target(%dma_start3A_432 : memref<16x1024xf32, #tpu.memory_space<hbm>>) target_semaphore(%arg12 : memref<!tpu.dma_semaphore, #tpu.memory_space<semaphore_mem>>)
    %dma_wait3A_433 = arith.constant 2 : i32
    %dma_wait3A_434 = arith.constant 0 : i32
    %dma_wait3A_435 = tpu.memref_slice %arg4[%dma_wait3A_433, %add3A_390, %dma_wait3A_434] : memref<4x2048x1024xf32, #tpu.memory_space<hbm>> -> memref<1x16x1024xf32, #tpu.memory_space<hbm>>
    %dma_wait3A_436 = tpu.memref_squeeze %dma_wait3A_435 : memref<1x16x1024xf32, #tpu.memory_space<hbm>> -> memref<16x1024xf32, #tpu.memory_space<hbm>>
    %dma_wait3A_437 = arith.constant 0 : i32
    %dma_wait3A_438 = tpu.memref_slice %arg4[%dma_wait3A_433, %add3A_390, %dma_wait3A_437] : memref<4x2048x1024xf32, #tpu.memory_space<hbm>> -> memref<1x16x1024xf32, #tpu.memory_space<hbm>>
    %dma_wait3A_439 = tpu.memref_squeeze %dma_wait3A_438 : memref<1x16x1024xf32, #tpu.memory_space<hbm>> -> memref<16x1024xf32, #tpu.memory_space<hbm>>
    tpu.wait_dma2 semaphore(%arg14 : memref<!tpu.dma_semaphore, #tpu.memory_space<semaphore_mem>>) src(%arg8 : memref<16x1024xf32, #tpu.memory_space<vmem>>) dst(%dma_wait3A_439 : memref<16x1024xf32, #tpu.memory_space<hbm>>)
    %add3A_440 = arith.constant 48 : i32
    %add3A_441 = arith.addi %mul3A_2, %add3A_440 : i32
    %dma_start3A_442 = arith.constant 2 : i32
    %dma_start3A_443 = arith.constant 0 : i32
    %dma_start3A_444 = tpu.memref_slice %arg2[%dma_start3A_442, %add3A_441, %dma_start3A_443] : memref<4x2048x1024xf32, #tpu.memory_space<hbm>> -> memref<1x16x1024xf32, #tpu.memory_space<hbm>>
    %dma_start3A_445 = tpu.memref_squeeze %dma_start3A_444 : memref<1x16x1024xf32, #tpu.memory_space<hbm>> -> memref<16x1024xf32, #tpu.memory_space<hbm>>
    %dma_start3A_446 = arith.constant 0 : i32
    %dma_start3A_447 = tpu.memref_slice %arg2[%dma_start3A_442, %add3A_441, %dma_start3A_446] : memref<4x2048x1024xf32, #tpu.memory_space<hbm>> -> memref<1x16x1024xf32, #tpu.memory_space<hbm>>
    %dma_start3A_448 = tpu.memref_squeeze %dma_start3A_447 : memref<1x16x1024xf32, #tpu.memory_space<hbm>> -> memref<16x1024xf32, #tpu.memory_space<hbm>>
    tpu.enqueue_dma source(%dma_start3A_448 : memref<16x1024xf32, #tpu.memory_space<hbm>>) target(%arg8 : memref<16x1024xf32, #tpu.memory_space<vmem>>) target_semaphore(%arg11 : memref<!tpu.dma_semaphore, #tpu.memory_space<semaphore_mem>>)
    %dma_wait3A_449 = arith.constant 2 : i32
    %dma_wait3A_450 = arith.constant 0 : i32
    %dma_wait3A_451 = tpu.memref_slice %arg2[%dma_wait3A_449, %add3A_406, %dma_wait3A_450] : memref<4x2048x1024xf32, #tpu.memory_space<hbm>> -> memref<1x16x1024xf32, #tpu.memory_space<hbm>>
    %dma_wait3A_452 = tpu.memref_squeeze %dma_wait3A_451 : memref<1x16x1024xf32, #tpu.memory_space<hbm>> -> memref<16x1024xf32, #tpu.memory_space<hbm>>
    %dma_wait3A_453 = arith.constant 0 : i32
    %dma_wait3A_454 = tpu.memref_slice %arg2[%dma_wait3A_449, %add3A_406, %dma_wait3A_453] : memref<4x2048x1024xf32, #tpu.memory_space<hbm>> -> memref<1x16x1024xf32, #tpu.memory_space<hbm>>
    %dma_wait3A_455 = tpu.memref_squeeze %dma_wait3A_454 : memref<1x16x1024xf32, #tpu.memory_space<hbm>> -> memref<16x1024xf32, #tpu.memory_space<hbm>>
    tpu.wait_dma2 semaphore(%arg10 : memref<!tpu.dma_semaphore, #tpu.memory_space<semaphore_mem>>) src(%dma_wait3A_455 : memref<16x1024xf32, #tpu.memory_space<hbm>>) dst(%arg7 : memref<16x1024xf32, #tpu.memory_space<vmem>>)
    %parallel_loop3A_456 = arith.constant 0 : i32
    %parallel_loop3A_457 = arith.constant 16384 : i32
    %parallel_loop3A_458 = arith.constant 16 : i32
    scf.for %parallel_loop3A_648 = %parallel_loop3A_456 to %parallel_loop3A_457 step %parallel_loop3A_458  : i32 {
      %parallel_loop3A_649 = arith.constant 1024 : i32
      %parallel_loop3A_650 = arith.divsi %parallel_loop3A_648, %parallel_loop3A_649 : i32
      %parallel_loop3A_651 = arith.constant 0 : i32
      %parallel_loop3A_652 = arith.cmpi sgt, %parallel_loop3A_648, %parallel_loop3A_651 : i32
      %parallel_loop3A_653 = arith.extui %parallel_loop3A_652 : i1 to i32
      %parallel_loop3A_654 = arith.constant 0 : i32
      %parallel_loop3A_655 = arith.cmpi slt, %parallel_loop3A_648, %parallel_loop3A_654 : i32
      %parallel_loop3A_656 = arith.extui %parallel_loop3A_655 : i1 to i32
      %parallel_loop3A_657 = arith.subi %parallel_loop3A_653, %parallel_loop3A_656 : i32
      %parallel_loop3A_658 = arith.constant 0 : i32
      %parallel_loop3A_659 = arith.cmpi sgt, %parallel_loop3A_649, %parallel_loop3A_658 : i32
      %parallel_loop3A_660 = arith.extui %parallel_loop3A_659 : i1 to i32
      %parallel_loop3A_661 = arith.constant 0 : i32
      %parallel_loop3A_662 = arith.cmpi slt, %parallel_loop3A_649, %parallel_loop3A_661 : i32
      %parallel_loop3A_663 = arith.extui %parallel_loop3A_662 : i1 to i32
      %parallel_loop3A_664 = arith.subi %parallel_loop3A_660, %parallel_loop3A_663 : i32
      %parallel_loop3A_665 = arith.cmpi ne, %parallel_loop3A_657, %parallel_loop3A_664 : i32
      %parallel_loop3A_666 = arith.remsi %parallel_loop3A_648, %parallel_loop3A_649 : i32
      %parallel_loop3A_667 = arith.constant 0 : i32
      %parallel_loop3A_668 = arith.cmpi ne, %parallel_loop3A_666, %parallel_loop3A_667 : i32
      %parallel_loop3A_669 = arith.andi %parallel_loop3A_665, %parallel_loop3A_668 : i1
      %parallel_loop3A_670 = arith.constant 1 : i32
      %parallel_loop3A_671 = arith.subi %parallel_loop3A_650, %parallel_loop3A_670 : i32
      %parallel_loop3A_672 = arith.select %parallel_loop3A_669, %parallel_loop3A_671, %parallel_loop3A_650 : i32
      %parallel_loop3A_673 = arith.constant 1024 : i32
      %parallel_loop3A_674 = arith.muli %parallel_loop3A_672, %parallel_loop3A_673 : i32
      %parallel_loop3A_675 = arith.subi %parallel_loop3A_648, %parallel_loop3A_674 : i32
      %parallel_loop3A_676 = arith.constant 32 : i32
      %parallel_loop3A_677 = arith.addi %parallel_loop3A_676, %parallel_loop3A_672 : i32
      %parallel_loop3A_678 = arith.index_cast %parallel_loop3A_677 : i32 to index
      %parallel_loop3A_679 = arith.index_cast %parallel_loop3A_675 : i32 to index
      %parallel_loop3A_680 = tpu.vector_load %arg5[%parallel_loop3A_678, %parallel_loop3A_679] {strides = array<i32>} : memref<64x1024xf32, #tpu.memory_space<vmem>>, vector<1x16xf32>,
      %parallel_loop3A_681 = vector.shape_cast %parallel_loop3A_680 : vector<1x16xf32> to vector<16xf32>
      %parallel_loop3A_682 = arith.index_cast %parallel_loop3A_672 : i32 to index
      %parallel_loop3A_683 = arith.index_cast %parallel_loop3A_675 : i32 to index
      %parallel_loop3A_684 = tpu.vector_load %arg7[%parallel_loop3A_682, %parallel_loop3A_683] {strides = array<i32>} : memref<16x1024xf32, #tpu.memory_space<vmem>>, vector<1x16xf32>,
      %parallel_loop3A_685 = vector.shape_cast %parallel_loop3A_684 : vector<1x16xf32> to vector<16xf32>
      %parallel_loop3A_686 = vector.shape_cast %parallel_loop3A_681 : vector<16xf32> to vector<1x16xf32>
      tpu.vector_store %arg7[%parallel_loop3A_682, %parallel_loop3A_683], %parallel_loop3A_686 {add = true, strides = array<i32>} : memref<16x1024xf32, #tpu.memory_space<vmem>>, vector<1x16xf32>,
    } {sc.loop_unroll_factor = 8 : i64, sc.parallel_access}
    %add3A_459 = arith.constant 32 : i32
    %add3A_460 = arith.addi %mul3A_2, %add3A_459 : i32
    %dma_start3A_461 = arith.constant 2 : i32
    %dma_start3A_462 = arith.constant 0 : i32
    %dma_start3A_463 = tpu.memref_slice %arg4[%dma_start3A_461, %add3A_460, %dma_start3A_462] : memref<4x2048x1024xf32, #tpu.memory_space<hbm>> -> memref<1x16x1024xf32, #tpu.memory_space<hbm>>
    %dma_start3A_464 = tpu.memref_squeeze %dma_start3A_463 : memref<1x16x1024xf32, #tpu.memory_space<hbm>> -> memref<16x1024xf32, #tpu.memory_space<hbm>>
    %dma_start3A_465 = arith.constant 0 : i32
    %dma_start3A_466 = tpu.memref_slice %arg4[%dma_start3A_461, %add3A_460, %dma_start3A_465] : memref<4x2048x1024xf32, #tpu.memory_space<hbm>> -> memref<1x16x1024xf32, #tpu.memory_space<hbm>>
    %dma_start3A_467 = tpu.memref_squeeze %dma_start3A_466 : memref<1x16x1024xf32, #tpu.memory_space<hbm>> -> memref<16x1024xf32, #tpu.memory_space<hbm>>
    tpu.enqueue_dma source(%arg7 : memref<16x1024xf32, #tpu.memory_space<vmem>>) target(%dma_start3A_467 : memref<16x1024xf32, #tpu.memory_space<hbm>>) target_semaphore(%arg13 : memref<!tpu.dma_semaphore, #tpu.memory_space<semaphore_mem>>)
    %dma_wait3A_468 = arith.constant 2 : i32
    %dma_wait3A_469 = arith.constant 0 : i32
    %dma_wait3A_470 = tpu.memref_slice %arg4[%dma_wait3A_468, %add3A_425, %dma_wait3A_469] : memref<4x2048x1024xf32, #tpu.memory_space<hbm>> -> memref<1x16x1024xf32, #tpu.memory_space<hbm>>
    %dma_wait3A_471 = tpu.memref_squeeze %dma_wait3A_470 : memref<1x16x1024xf32, #tpu.memory_space<hbm>> -> memref<16x1024xf32, #tpu.memory_space<hbm>>
    %dma_wait3A_472 = arith.constant 0 : i32
    %dma_wait3A_473 = tpu.memref_slice %arg4[%dma_wait3A_468, %add3A_425, %dma_wait3A_472] : memref<4x2048x1024xf32, #tpu.memory_space<hbm>> -> memref<1x16x1024xf32, #tpu.memory_space<hbm>>
    %dma_wait3A_474 = tpu.memref_squeeze %dma_wait3A_473 : memref<1x16x1024xf32, #tpu.memory_space<hbm>> -> memref<16x1024xf32, #tpu.memory_space<hbm>>
    tpu.wait_dma2 semaphore(%arg12 : memref<!tpu.dma_semaphore, #tpu.memory_space<semaphore_mem>>) src(%arg6 : memref<16x1024xf32, #tpu.memory_space<vmem>>) dst(%dma_wait3A_474 : memref<16x1024xf32, #tpu.memory_space<hbm>>)
    %add3A_475 = arith.constant 0 : i32
    %add3A_476 = arith.addi %mul3A_2, %add3A_475 : i32
    %dma_start3A_477 = arith.constant 3 : i32
    %dma_start3A_478 = arith.constant 0 : i32
    %dma_start3A_479 = tpu.memref_slice %arg2[%dma_start3A_477, %add3A_476, %dma_start3A_478] : memref<4x2048x1024xf32, #tpu.memory_space<hbm>> -> memref<1x16x1024xf32, #tpu.memory_space<hbm>>
    %dma_start3A_480 = tpu.memref_squeeze %dma_start3A_479 : memref<1x16x1024xf32, #tpu.memory_space<hbm>> -> memref<16x1024xf32, #tpu.memory_space<hbm>>
    %dma_start3A_481 = arith.constant 0 : i32
    %dma_start3A_482 = tpu.memref_slice %arg2[%dma_start3A_477, %add3A_476, %dma_start3A_481] : memref<4x2048x1024xf32, #tpu.memory_space<hbm>> -> memref<1x16x1024xf32, #tpu.memory_space<hbm>>
    %dma_start3A_483 = tpu.memref_squeeze %dma_start3A_482 : memref<1x16x1024xf32, #tpu.memory_space<hbm>> -> memref<16x1024xf32, #tpu.memory_space<hbm>>
    tpu.enqueue_dma source(%dma_start3A_483 : memref<16x1024xf32, #tpu.memory_space<hbm>>) target(%arg6 : memref<16x1024xf32, #tpu.memory_space<vmem>>) target_semaphore(%arg9 : memref<!tpu.dma_semaphore, #tpu.memory_space<semaphore_mem>>)
    %dma_wait3A_484 = arith.constant 2 : i32
    %dma_wait3A_485 = arith.constant 0 : i32
    %dma_wait3A_486 = tpu.memref_slice %arg2[%dma_wait3A_484, %add3A_441, %dma_wait3A_485] : memref<4x2048x1024xf32, #tpu.memory_space<hbm>> -> memref<1x16x1024xf32, #tpu.memory_space<hbm>>
    %dma_wait3A_487 = tpu.memref_squeeze %dma_wait3A_486 : memref<1x16x1024xf32, #tpu.memory_space<hbm>> -> memref<16x1024xf32, #tpu.memory_space<hbm>>
    %dma_wait3A_488 = arith.constant 0 : i32
    %dma_wait3A_489 = tpu.memref_slice %arg2[%dma_wait3A_484, %add3A_441, %dma_wait3A_488] : memref<4x2048x1024xf32, #tpu.memory_space<hbm>> -> memref<1x16x1024xf32, #tpu.memory_space<hbm>>
    %dma_wait3A_490 = tpu.memref_squeeze %dma_wait3A_489 : memref<1x16x1024xf32, #tpu.memory_space<hbm>> -> memref<16x1024xf32, #tpu.memory_space<hbm>>
    tpu.wait_dma2 semaphore(%arg11 : memref<!tpu.dma_semaphore, #tpu.memory_space<semaphore_mem>>) src(%dma_wait3A_490 : memref<16x1024xf32, #tpu.memory_space<hbm>>) dst(%arg8 : memref<16x1024xf32, #tpu.memory_space<vmem>>)
    %parallel_loop3A_491 = arith.constant 0 : i32
    %parallel_loop3A_492 = arith.constant 16384 : i32
    %parallel_loop3A_493 = arith.constant 16 : i32
    scf.for %parallel_loop3A_648 = %parallel_loop3A_491 to %parallel_loop3A_492 step %parallel_loop3A_493  : i32 {
      %parallel_loop3A_649 = arith.constant 1024 : i32
      %parallel_loop3A_650 = arith.divsi %parallel_loop3A_648, %parallel_loop3A_649 : i32
      %parallel_loop3A_651 = arith.constant 0 : i32
      %parallel_loop3A_652 = arith.cmpi sgt, %parallel_loop3A_648, %parallel_loop3A_651 : i32
      %parallel_loop3A_653 = arith.extui %parallel_loop3A_652 : i1 to i32
      %parallel_loop3A_654 = arith.constant 0 : i32
      %parallel_loop3A_655 = arith.cmpi slt, %parallel_loop3A_648, %parallel_loop3A_654 : i32
      %parallel_loop3A_656 = arith.extui %parallel_loop3A_655 : i1 to i32
      %parallel_loop3A_657 = arith.subi %parallel_loop3A_653, %parallel_loop3A_656 : i32
      %parallel_loop3A_658 = arith.constant 0 : i32
      %parallel_loop3A_659 = arith.cmpi sgt, %parallel_loop3A_649, %parallel_loop3A_658 : i32
      %parallel_loop3A_660 = arith.extui %parallel_loop3A_659 : i1 to i32
      %parallel_loop3A_661 = arith.constant 0 : i32
      %parallel_loop3A_662 = arith.cmpi slt, %parallel_loop3A_649, %parallel_loop3A_661 : i32
      %parallel_loop3A_663 = arith.extui %parallel_loop3A_662 : i1 to i32
      %parallel_loop3A_664 = arith.subi %parallel_loop3A_660, %parallel_loop3A_663 : i32
      %parallel_loop3A_665 = arith.cmpi ne, %parallel_loop3A_657, %parallel_loop3A_664 : i32
      %parallel_loop3A_666 = arith.remsi %parallel_loop3A_648, %parallel_loop3A_649 : i32
      %parallel_loop3A_667 = arith.constant 0 : i32
      %parallel_loop3A_668 = arith.cmpi ne, %parallel_loop3A_666, %parallel_loop3A_667 : i32
      %parallel_loop3A_669 = arith.andi %parallel_loop3A_665, %parallel_loop3A_668 : i1
      %parallel_loop3A_670 = arith.constant 1 : i32
      %parallel_loop3A_671 = arith.subi %parallel_loop3A_650, %parallel_loop3A_670 : i32
      %parallel_loop3A_672 = arith.select %parallel_loop3A_669, %parallel_loop3A_671, %parallel_loop3A_650 : i32
      %parallel_loop3A_673 = arith.constant 1024 : i32
      %parallel_loop3A_674 = arith.muli %parallel_loop3A_672, %parallel_loop3A_673 : i32
      %parallel_loop3A_675 = arith.subi %parallel_loop3A_648, %parallel_loop3A_674 : i32
      %parallel_loop3A_676 = arith.constant 48 : i32
      %parallel_loop3A_677 = arith.addi %parallel_loop3A_676, %parallel_loop3A_672 : i32
      %parallel_loop3A_678 = arith.index_cast %parallel_loop3A_677 : i32 to index
      %parallel_loop3A_679 = arith.index_cast %parallel_loop3A_675 : i32 to index
      %parallel_loop3A_680 = tpu.vector_load %arg5[%parallel_loop3A_678, %parallel_loop3A_679] {strides = array<i32>} : memref<64x1024xf32, #tpu.memory_space<vmem>>, vector<1x16xf32>,
      %parallel_loop3A_681 = vector.shape_cast %parallel_loop3A_680 : vector<1x16xf32> to vector<16xf32>
      %parallel_loop3A_682 = arith.index_cast %parallel_loop3A_672 : i32 to index
      %parallel_loop3A_683 = arith.index_cast %parallel_loop3A_675 : i32 to index
      %parallel_loop3A_684 = tpu.vector_load %arg8[%parallel_loop3A_682, %parallel_loop3A_683] {strides = array<i32>} : memref<16x1024xf32, #tpu.memory_space<vmem>>, vector<1x16xf32>,
      %parallel_loop3A_685 = vector.shape_cast %parallel_loop3A_684 : vector<1x16xf32> to vector<16xf32>
      %parallel_loop3A_686 = vector.shape_cast %parallel_loop3A_681 : vector<16xf32> to vector<1x16xf32>
      tpu.vector_store %arg8[%parallel_loop3A_682, %parallel_loop3A_683], %parallel_loop3A_686 {add = true, strides = array<i32>} : memref<16x1024xf32, #tpu.memory_space<vmem>>, vector<1x16xf32>,
    } {sc.loop_unroll_factor = 8 : i64, sc.parallel_access}
    %add3A_494 = arith.constant 48 : i32
    %add3A_495 = arith.addi %mul3A_2, %add3A_494 : i32
    %dma_start3A_496 = arith.constant 2 : i32
    %dma_start3A_497 = arith.constant 0 : i32
    %dma_start3A_498 = tpu.memref_slice %arg4[%dma_start3A_496, %add3A_495, %dma_start3A_497] : memref<4x2048x1024xf32, #tpu.memory_space<hbm>> -> memref<1x16x1024xf32, #tpu.memory_space<hbm>>
    %dma_start3A_499 = tpu.memref_squeeze %dma_start3A_498 : memref<1x16x1024xf32, #tpu.memory_space<hbm>> -> memref<16x1024xf32, #tpu.memory_space<hbm>>
    %dma_start3A_500 = arith.constant 0 : i32
    %dma_start3A_501 = tpu.memref_slice %arg4[%dma_start3A_496, %add3A_495, %dma_start3A_500] : memref<4x2048x1024xf32, #tpu.memory_space<hbm>> -> memref<1x16x1024xf32, #tpu.memory_space<hbm>>
    %dma_start3A_502 = tpu.memref_squeeze %dma_start3A_501 : memref<1x16x1024xf32, #tpu.memory_space<hbm>> -> memref<16x1024xf32, #tpu.memory_space<hbm>>
    tpu.enqueue_dma source(%arg8 : memref<16x1024xf32, #tpu.memory_space<vmem>>) target(%dma_start3A_502 : memref<16x1024xf32, #tpu.memory_space<hbm>>) target_semaphore(%arg14 : memref<!tpu.dma_semaphore, #tpu.memory_space<semaphore_mem>>)
    %dma_wait3A_503 = arith.constant 2 : i32
    %dma_wait3A_504 = arith.constant 0 : i32
    %dma_wait3A_505 = tpu.memref_slice %arg4[%dma_wait3A_503, %add3A_460, %dma_wait3A_504] : memref<4x2048x1024xf32, #tpu.memory_space<hbm>> -> memref<1x16x1024xf32, #tpu.memory_space<hbm>>
    %dma_wait3A_506 = tpu.memref_squeeze %dma_wait3A_505 : memref<1x16x1024xf32, #tpu.memory_space<hbm>> -> memref<16x1024xf32, #tpu.memory_space<hbm>>
    %dma_wait3A_507 = arith.constant 0 : i32
    %dma_wait3A_508 = tpu.memref_slice %arg4[%dma_wait3A_503, %add3A_460, %dma_wait3A_507] : memref<4x2048x1024xf32, #tpu.memory_space<hbm>> -> memref<1x16x1024xf32, #tpu.memory_space<hbm>>
    %dma_wait3A_509 = tpu.memref_squeeze %dma_wait3A_508 : memref<1x16x1024xf32, #tpu.memory_space<hbm>> -> memref<16x1024xf32, #tpu.memory_space<hbm>>
    tpu.wait_dma2 semaphore(%arg13 : memref<!tpu.dma_semaphore, #tpu.memory_space<semaphore_mem>>) src(%arg7 : memref<16x1024xf32, #tpu.memory_space<vmem>>) dst(%dma_wait3A_509 : memref<16x1024xf32, #tpu.memory_space<hbm>>)
    %add3A_510 = arith.constant 16 : i32
    %add3A_511 = arith.addi %mul3A_2, %add3A_510 : i32
    %dma_start3A_512 = arith.constant 3 : i32
    %dma_start3A_513 = arith.constant 0 : i32
    %dma_start3A_514 = tpu.memref_slice %arg2[%dma_start3A_512, %add3A_511, %dma_start3A_513] : memref<4x2048x1024xf32, #tpu.memory_space<hbm>> -> memref<1x16x1024xf32, #tpu.memory_space<hbm>>
    %dma_start3A_515 = tpu.memref_squeeze %dma_start3A_514 : memref<1x16x1024xf32, #tpu.memory_space<hbm>> -> memref<16x1024xf32, #tpu.memory_space<hbm>>
    %dma_start3A_516 = arith.constant 0 : i32
    %dma_start3A_517 = tpu.memref_slice %arg2[%dma_start3A_512, %add3A_511, %dma_start3A_516] : memref<4x2048x1024xf32, #tpu.memory_space<hbm>> -> memref<1x16x1024xf32, #tpu.memory_space<hbm>>
    %dma_start3A_518 = tpu.memref_squeeze %dma_start3A_517 : memref<1x16x1024xf32, #tpu.memory_space<hbm>> -> memref<16x1024xf32, #tpu.memory_space<hbm>>
    tpu.enqueue_dma source(%dma_start3A_518 : memref<16x1024xf32, #tpu.memory_space<hbm>>) target(%arg7 : memref<16x1024xf32, #tpu.memory_space<vmem>>) target_semaphore(%arg10 : memref<!tpu.dma_semaphore, #tpu.memory_space<semaphore_mem>>)
    %dma_wait3A_519 = arith.constant 3 : i32
    %dma_wait3A_520 = arith.constant 0 : i32
    %dma_wait3A_521 = tpu.memref_slice %arg2[%dma_wait3A_519, %add3A_476, %dma_wait3A_520] : memref<4x2048x1024xf32, #tpu.memory_space<hbm>> -> memref<1x16x1024xf32, #tpu.memory_space<hbm>>
    %dma_wait3A_522 = tpu.memref_squeeze %dma_wait3A_521 : memref<1x16x1024xf32, #tpu.memory_space<hbm>> -> memref<16x1024xf32, #tpu.memory_space<hbm>>
    %dma_wait3A_523 = arith.constant 0 : i32
    %dma_wait3A_524 = tpu.memref_slice %arg2[%dma_wait3A_519, %add3A_476, %dma_wait3A_523] : memref<4x2048x1024xf32, #tpu.memory_space<hbm>> -> memref<1x16x1024xf32, #tpu.memory_space<hbm>>
    %dma_wait3A_525 = tpu.memref_squeeze %dma_wait3A_524 : memref<1x16x1024xf32, #tpu.memory_space<hbm>> -> memref<16x1024xf32, #tpu.memory_space<hbm>>
    tpu.wait_dma2 semaphore(%arg9 : memref<!tpu.dma_semaphore, #tpu.memory_space<semaphore_mem>>) src(%dma_wait3A_525 : memref<16x1024xf32, #tpu.memory_space<hbm>>) dst(%arg6 : memref<16x1024xf32, #tpu.memory_space<vmem>>)
    %parallel_loop3A_526 = arith.constant 0 : i32
    %parallel_loop3A_527 = arith.constant 16384 : i32
    %parallel_loop3A_528 = arith.constant 16 : i32
    scf.for %parallel_loop3A_648 = %parallel_loop3A_526 to %parallel_loop3A_527 step %parallel_loop3A_528  : i32 {
      %parallel_loop3A_649 = arith.constant 1024 : i32
      %parallel_loop3A_650 = arith.divsi %parallel_loop3A_648, %parallel_loop3A_649 : i32
      %parallel_loop3A_651 = arith.constant 0 : i32
      %parallel_loop3A_652 = arith.cmpi sgt, %parallel_loop3A_648, %parallel_loop3A_651 : i32
      %parallel_loop3A_653 = arith.extui %parallel_loop3A_652 : i1 to i32
      %parallel_loop3A_654 = arith.constant 0 : i32
      %parallel_loop3A_655 = arith.cmpi slt, %parallel_loop3A_648, %parallel_loop3A_654 : i32
      %parallel_loop3A_656 = arith.extui %parallel_loop3A_655 : i1 to i32
      %parallel_loop3A_657 = arith.subi %parallel_loop3A_653, %parallel_loop3A_656 : i32
      %parallel_loop3A_658 = arith.constant 0 : i32
      %parallel_loop3A_659 = arith.cmpi sgt, %parallel_loop3A_649, %parallel_loop3A_658 : i32
      %parallel_loop3A_660 = arith.extui %parallel_loop3A_659 : i1 to i32
      %parallel_loop3A_661 = arith.constant 0 : i32
      %parallel_loop3A_662 = arith.cmpi slt, %parallel_loop3A_649, %parallel_loop3A_661 : i32
      %parallel_loop3A_663 = arith.extui %parallel_loop3A_662 : i1 to i32
      %parallel_loop3A_664 = arith.subi %parallel_loop3A_660, %parallel_loop3A_663 : i32
      %parallel_loop3A_665 = arith.cmpi ne, %parallel_loop3A_657, %parallel_loop3A_664 : i32
      %parallel_loop3A_666 = arith.remsi %parallel_loop3A_648, %parallel_loop3A_649 : i32
      %parallel_loop3A_667 = arith.constant 0 : i32
      %parallel_loop3A_668 = arith.cmpi ne, %parallel_loop3A_666, %parallel_loop3A_667 : i32
      %parallel_loop3A_669 = arith.andi %parallel_loop3A_665, %parallel_loop3A_668 : i1
      %parallel_loop3A_670 = arith.constant 1 : i32
      %parallel_loop3A_671 = arith.subi %parallel_loop3A_650, %parallel_loop3A_670 : i32
      %parallel_loop3A_672 = arith.select %parallel_loop3A_669, %parallel_loop3A_671, %parallel_loop3A_650 : i32
      %parallel_loop3A_673 = arith.constant 1024 : i32
      %parallel_loop3A_674 = arith.muli %parallel_loop3A_672, %parallel_loop3A_673 : i32
      %parallel_loop3A_675 = arith.subi %parallel_loop3A_648, %parallel_loop3A_674 : i32
      %parallel_loop3A_676 = arith.constant 0 : i32
      %parallel_loop3A_677 = arith.addi %parallel_loop3A_676, %parallel_loop3A_672 : i32
      %parallel_loop3A_678 = arith.index_cast %parallel_loop3A_677 : i32 to index
      %parallel_loop3A_679 = arith.index_cast %parallel_loop3A_675 : i32 to index
      %parallel_loop3A_680 = tpu.vector_load %arg5[%parallel_loop3A_678, %parallel_loop3A_679] {strides = array<i32>} : memref<64x1024xf32, #tpu.memory_space<vmem>>, vector<1x16xf32>,
      %parallel_loop3A_681 = vector.shape_cast %parallel_loop3A_680 : vector<1x16xf32> to vector<16xf32>
      %parallel_loop3A_682 = arith.index_cast %parallel_loop3A_672 : i32 to index
      %parallel_loop3A_683 = arith.index_cast %parallel_loop3A_675 : i32 to index
      %parallel_loop3A_684 = tpu.vector_load %arg6[%parallel_loop3A_682, %parallel_loop3A_683] {strides = array<i32>} : memref<16x1024xf32, #tpu.memory_space<vmem>>, vector<1x16xf32>,
      %parallel_loop3A_685 = vector.shape_cast %parallel_loop3A_684 : vector<1x16xf32> to vector<16xf32>
      %parallel_loop3A_686 = vector.shape_cast %parallel_loop3A_681 : vector<16xf32> to vector<1x16xf32>
      tpu.vector_store %arg6[%parallel_loop3A_682, %parallel_loop3A_683], %parallel_loop3A_686 {add = true, strides = array<i32>} : memref<16x1024xf32, #tpu.memory_space<vmem>>, vector<1x16xf32>,
    } {sc.loop_unroll_factor = 8 : i64, sc.parallel_access}
    %add3A_529 = arith.constant 0 : i32
    %add3A_530 = arith.addi %mul3A_2, %add3A_529 : i32
    %dma_start3A_531 = arith.constant 3 : i32
    %dma_start3A_532 = arith.constant 0 : i32
    %dma_start3A_533 = tpu.memref_slice %arg4[%dma_start3A_531, %add3A_530, %dma_start3A_532] : memref<4x2048x1024xf32, #tpu.memory_space<hbm>> -> memref<1x16x1024xf32, #tpu.memory_space<hbm>>
    %dma_start3A_534 = tpu.memref_squeeze %dma_start3A_533 : memref<1x16x1024xf32, #tpu.memory_space<hbm>> -> memref<16x1024xf32, #tpu.memory_space<hbm>>
    %dma_start3A_535 = arith.constant 0 : i32
    %dma_start3A_536 = tpu.memref_slice %arg4[%dma_start3A_531, %add3A_530, %dma_start3A_535] : memref<4x2048x1024xf32, #tpu.memory_space<hbm>> -> memref<1x16x1024xf32, #tpu.memory_space<hbm>>
    %dma_start3A_537 = tpu.memref_squeeze %dma_start3A_536 : memref<1x16x1024xf32, #tpu.memory_space<hbm>> -> memref<16x1024xf32, #tpu.memory_space<hbm>>
    tpu.enqueue_dma source(%arg6 : memref<16x1024xf32, #tpu.memory_space<vmem>>) target(%dma_start3A_537 : memref<16x1024xf32, #tpu.memory_space<hbm>>) target_semaphore(%arg12 : memref<!tpu.dma_semaphore, #tpu.memory_space<semaphore_mem>>)
    %dma_wait3A_538 = arith.constant 2 : i32
    %dma_wait3A_539 = arith.constant 0 : i32
    %dma_wait3A_540 = tpu.memref_slice %arg4[%dma_wait3A_538, %add3A_495, %dma_wait3A_539] : memref<4x2048x1024xf32, #tpu.memory_space<hbm>> -> memref<1x16x1024xf32, #tpu.memory_space<hbm>>
    %dma_wait3A_541 = tpu.memref_squeeze %dma_wait3A_540 : memref<1x16x1024xf32, #tpu.memory_space<hbm>> -> memref<16x1024xf32, #tpu.memory_space<hbm>>
    %dma_wait3A_542 = arith.constant 0 : i32
    %dma_wait3A_543 = tpu.memref_slice %arg4[%dma_wait3A_538, %add3A_495, %dma_wait3A_542] : memref<4x2048x1024xf32, #tpu.memory_space<hbm>> -> memref<1x16x1024xf32, #tpu.memory_space<hbm>>
    %dma_wait3A_544 = tpu.memref_squeeze %dma_wait3A_543 : memref<1x16x1024xf32, #tpu.memory_space<hbm>> -> memref<16x1024xf32, #tpu.memory_space<hbm>>
    tpu.wait_dma2 semaphore(%arg14 : memref<!tpu.dma_semaphore, #tpu.memory_space<semaphore_mem>>) src(%arg8 : memref<16x1024xf32, #tpu.memory_space<vmem>>) dst(%dma_wait3A_544 : memref<16x1024xf32, #tpu.memory_space<hbm>>)
    %add3A_545 = arith.constant 32 : i32
    %add3A_546 = arith.addi %mul3A_2, %add3A_545 : i32
    %dma_start3A_547 = arith.constant 3 : i32
    %dma_start3A_548 = arith.constant 0 : i32
    %dma_start3A_549 = tpu.memref_slice %arg2[%dma_start3A_547, %add3A_546, %dma_start3A_548] : memref<4x2048x1024xf32, #tpu.memory_space<hbm>> -> memref<1x16x1024xf32, #tpu.memory_space<hbm>>
    %dma_start3A_550 = tpu.memref_squeeze %dma_start3A_549 : memref<1x16x1024xf32, #tpu.memory_space<hbm>> -> memref<16x1024xf32, #tpu.memory_space<hbm>>
    %dma_start3A_551 = arith.constant 0 : i32
    %dma_start3A_552 = tpu.memref_slice %arg2[%dma_start3A_547, %add3A_546, %dma_start3A_551] : memref<4x2048x1024xf32, #tpu.memory_space<hbm>> -> memref<1x16x1024xf32, #tpu.memory_space<hbm>>
    %dma_start3A_553 = tpu.memref_squeeze %dma_start3A_552 : memref<1x16x1024xf32, #tpu.memory_space<hbm>> -> memref<16x1024xf32, #tpu.memory_space<hbm>>
    tpu.enqueue_dma source(%dma_start3A_553 : memref<16x1024xf32, #tpu.memory_space<hbm>>) target(%arg8 : memref<16x1024xf32, #tpu.memory_space<vmem>>) target_semaphore(%arg11 : memref<!tpu.dma_semaphore, #tpu.memory_space<semaphore_mem>>)
    %dma_wait3A_554 = arith.constant 3 : i32
    %dma_wait3A_555 = arith.constant 0 : i32
    %dma_wait3A_556 = tpu.memref_slice %arg2[%dma_wait3A_554, %add3A_511, %dma_wait3A_555] : memref<4x2048x1024xf32, #tpu.memory_space<hbm>> -> memref<1x16x1024xf32, #tpu.memory_space<hbm>>
    %dma_wait3A_557 = tpu.memref_squeeze %dma_wait3A_556 : memref<1x16x1024xf32, #tpu.memory_space<hbm>> -> memref<16x1024xf32, #tpu.memory_space<hbm>>
    %dma_wait3A_558 = arith.constant 0 : i32
    %dma_wait3A_559 = tpu.memref_slice %arg2[%dma_wait3A_554, %add3A_511, %dma_wait3A_558] : memref<4x2048x1024xf32, #tpu.memory_space<hbm>> -> memref<1x16x1024xf32, #tpu.memory_space<hbm>>
    %dma_wait3A_560 = tpu.memref_squeeze %dma_wait3A_559 : memref<1x16x1024xf32, #tpu.memory_space<hbm>> -> memref<16x1024xf32, #tpu.memory_space<hbm>>
    tpu.wait_dma2 semaphore(%arg10 : memref<!tpu.dma_semaphore, #tpu.memory_space<semaphore_mem>>) src(%dma_wait3A_560 : memref<16x1024xf32, #tpu.memory_space<hbm>>) dst(%arg7 : memref<16x1024xf32, #tpu.memory_space<vmem>>)
    %parallel_loop3A_561 = arith.constant 0 : i32
    %parallel_loop3A_562 = arith.constant 16384 : i32
    %parallel_loop3A_563 = arith.constant 16 : i32
    scf.for %parallel_loop3A_648 = %parallel_loop3A_561 to %parallel_loop3A_562 step %parallel_loop3A_563  : i32 {
      %parallel_loop3A_649 = arith.constant 1024 : i32
      %parallel_loop3A_650 = arith.divsi %parallel_loop3A_648, %parallel_loop3A_649 : i32
      %parallel_loop3A_651 = arith.constant 0 : i32
      %parallel_loop3A_652 = arith.cmpi sgt, %parallel_loop3A_648, %parallel_loop3A_651 : i32
      %parallel_loop3A_653 = arith.extui %parallel_loop3A_652 : i1 to i32
      %parallel_loop3A_654 = arith.constant 0 : i32
      %parallel_loop3A_655 = arith.cmpi slt, %parallel_loop3A_648, %parallel_loop3A_654 : i32
      %parallel_loop3A_656 = arith.extui %parallel_loop3A_655 : i1 to i32
      %parallel_loop3A_657 = arith.subi %parallel_loop3A_653, %parallel_loop3A_656 : i32
      %parallel_loop3A_658 = arith.constant 0 : i32
      %parallel_loop3A_659 = arith.cmpi sgt, %parallel_loop3A_649, %parallel_loop3A_658 : i32
      %parallel_loop3A_660 = arith.extui %parallel_loop3A_659 : i1 to i32
      %parallel_loop3A_661 = arith.constant 0 : i32
      %parallel_loop3A_662 = arith.cmpi slt, %parallel_loop3A_649, %parallel_loop3A_661 : i32
      %parallel_loop3A_663 = arith.extui %parallel_loop3A_662 : i1 to i32
      %parallel_loop3A_664 = arith.subi %parallel_loop3A_660, %parallel_loop3A_663 : i32
      %parallel_loop3A_665 = arith.cmpi ne, %parallel_loop3A_657, %parallel_loop3A_664 : i32
      %parallel_loop3A_666 = arith.remsi %parallel_loop3A_648, %parallel_loop3A_649 : i32
      %parallel_loop3A_667 = arith.constant 0 : i32
      %parallel_loop3A_668 = arith.cmpi ne, %parallel_loop3A_666, %parallel_loop3A_667 : i32
      %parallel_loop3A_669 = arith.andi %parallel_loop3A_665, %parallel_loop3A_668 : i1
      %parallel_loop3A_670 = arith.constant 1 : i32
      %parallel_loop3A_671 = arith.subi %parallel_loop3A_650, %parallel_loop3A_670 : i32
      %parallel_loop3A_672 = arith.select %parallel_loop3A_669, %parallel_loop3A_671, %parallel_loop3A_650 : i32
      %parallel_loop3A_673 = arith.constant 1024 : i32
      %parallel_loop3A_674 = arith.muli %parallel_loop3A_672, %parallel_loop3A_673 : i32
      %parallel_loop3A_675 = arith.subi %parallel_loop3A_648, %parallel_loop3A_674 : i32
      %parallel_loop3A_676 = arith.constant 16 : i32
      %parallel_loop3A_677 = arith.addi %parallel_loop3A_676, %parallel_loop3A_672 : i32
      %parallel_loop3A_678 = arith.index_cast %parallel_loop3A_677 : i32 to index
      %parallel_loop3A_679 = arith.index_cast %parallel_loop3A_675 : i32 to index
      %parallel_loop3A_680 = tpu.vector_load %arg5[%parallel_loop3A_678, %parallel_loop3A_679] {strides = array<i32>} : memref<64x1024xf32, #tpu.memory_space<vmem>>, vector<1x16xf32>,
      %parallel_loop3A_681 = vector.shape_cast %parallel_loop3A_680 : vector<1x16xf32> to vector<16xf32>
      %parallel_loop3A_682 = arith.index_cast %parallel_loop3A_672 : i32 to index
      %parallel_loop3A_683 = arith.index_cast %parallel_loop3A_675 : i32 to index
      %parallel_loop3A_684 = tpu.vector_load %arg7[%parallel_loop3A_682, %parallel_loop3A_683] {strides = array<i32>} : memref<16x1024xf32, #tpu.memory_space<vmem>>, vector<1x16xf32>,
      %parallel_loop3A_685 = vector.shape_cast %parallel_loop3A_684 : vector<1x16xf32> to vector<16xf32>
      %parallel_loop3A_686 = vector.shape_cast %parallel_loop3A_681 : vector<16xf32> to vector<1x16xf32>
      tpu.vector_store %arg7[%parallel_loop3A_682, %parallel_loop3A_683], %parallel_loop3A_686 {add = true, strides = array<i32>} : memref<16x1024xf32, #tpu.memory_space<vmem>>, vector<1x16xf32>,
    } {sc.loop_unroll_factor = 8 : i64, sc.parallel_access}
    %add3A_564 = arith.constant 16 : i32
    %add3A_565 = arith.addi %mul3A_2, %add3A_564 : i32
    %dma_start3A_566 = arith.constant 3 : i32
    %dma_start3A_567 = arith.constant 0 : i32
    %dma_start3A_568 = tpu.memref_slice %arg4[%dma_start3A_566, %add3A_565, %dma_start3A_567] : memref<4x2048x1024xf32, #tpu.memory_space<hbm>> -> memref<1x16x1024xf32, #tpu.memory_space<hbm>>
    %dma_start3A_569 = tpu.memref_squeeze %dma_start3A_568 : memref<1x16x1024xf32, #tpu.memory_space<hbm>> -> memref<16x1024xf32, #tpu.memory_space<hbm>>
    %dma_start3A_570 = arith.constant 0 : i32
    %dma_start3A_571 = tpu.memref_slice %arg4[%dma_start3A_566, %add3A_565, %dma_start3A_570] : memref<4x2048x1024xf32, #tpu.memory_space<hbm>> -> memref<1x16x1024xf32, #tpu.memory_space<hbm>>
    %dma_start3A_572 = tpu.memref_squeeze %dma_start3A_571 : memref<1x16x1024xf32, #tpu.memory_space<hbm>> -> memref<16x1024xf32, #tpu.memory_space<hbm>>
    tpu.enqueue_dma source(%arg7 : memref<16x1024xf32, #tpu.memory_space<vmem>>) target(%dma_start3A_572 : memref<16x1024xf32, #tpu.memory_space<hbm>>) target_semaphore(%arg13 : memref<!tpu.dma_semaphore, #tpu.memory_space<semaphore_mem>>)
    %dma_wait3A_573 = arith.constant 3 : i32
    %dma_wait3A_574 = arith.constant 0 : i32
    %dma_wait3A_575 = tpu.memref_slice %arg4[%dma_wait3A_573, %add3A_530, %dma_wait3A_574] : memref<4x2048x1024xf32, #tpu.memory_space<hbm>> -> memref<1x16x1024xf32, #tpu.memory_space<hbm>>
    %dma_wait3A_576 = tpu.memref_squeeze %dma_wait3A_575 : memref<1x16x1024xf32, #tpu.memory_space<hbm>> -> memref<16x1024xf32, #tpu.memory_space<hbm>>
    %dma_wait3A_577 = arith.constant 0 : i32
    %dma_wait3A_578 = tpu.memref_slice %arg4[%dma_wait3A_573, %add3A_530, %dma_wait3A_577] : memref<4x2048x1024xf32, #tpu.memory_space<hbm>> -> memref<1x16x1024xf32, #tpu.memory_space<hbm>>
    %dma_wait3A_579 = tpu.memref_squeeze %dma_wait3A_578 : memref<1x16x1024xf32, #tpu.memory_space<hbm>> -> memref<16x1024xf32, #tpu.memory_space<hbm>>
    tpu.wait_dma2 semaphore(%arg12 : memref<!tpu.dma_semaphore, #tpu.memory_space<semaphore_mem>>) src(%arg6 : memref<16x1024xf32, #tpu.memory_space<vmem>>) dst(%dma_wait3A_579 : memref<16x1024xf32, #tpu.memory_space<hbm>>)
    %add3A_580 = arith.constant 48 : i32
    %add3A_581 = arith.addi %mul3A_2, %add3A_580 : i32
    %dma_start3A_582 = arith.constant 3 : i32
    %dma_start3A_583 = arith.constant 0 : i32
    %dma_start3A_584 = tpu.memref_slice %arg2[%dma_start3A_582, %add3A_581, %dma_start3A_583] : memref<4x2048x1024xf32, #tpu.memory_space<hbm>> -> memref<1x16x1024xf32, #tpu.memory_space<hbm>>
    %dma_start3A_585 = tpu.memref_squeeze %dma_start3A_584 : memref<1x16x1024xf32, #tpu.memory_space<hbm>> -> memref<16x1024xf32, #tpu.memory_space<hbm>>
    %dma_start3A_586 = arith.constant 0 : i32
    %dma_start3A_587 = tpu.memref_slice %arg2[%dma_start3A_582, %add3A_581, %dma_start3A_586] : memref<4x2048x1024xf32, #tpu.memory_space<hbm>> -> memref<1x16x1024xf32, #tpu.memory_space<hbm>>
    %dma_start3A_588 = tpu.memref_squeeze %dma_start3A_587 : memref<1x16x1024xf32, #tpu.memory_space<hbm>> -> memref<16x1024xf32, #tpu.memory_space<hbm>>
    tpu.enqueue_dma source(%dma_start3A_588 : memref<16x1024xf32, #tpu.memory_space<hbm>>) target(%arg6 : memref<16x1024xf32, #tpu.memory_space<vmem>>) target_semaphore(%arg9 : memref<!tpu.dma_semaphore, #tpu.memory_space<semaphore_mem>>)
    %dma_wait3A_589 = arith.constant 3 : i32
    %dma_wait3A_590 = arith.constant 0 : i32
    %dma_wait3A_591 = tpu.memref_slice %arg2[%dma_wait3A_589, %add3A_546, %dma_wait3A_590] : memref<4x2048x1024xf32, #tpu.memory_space<hbm>> -> memref<1x16x1024xf32, #tpu.memory_space<hbm>>
    %dma_wait3A_592 = tpu.memref_squeeze %dma_wait3A_591 : memref<1x16x1024xf32, #tpu.memory_space<hbm>> -> memref<16x1024xf32, #tpu.memory_space<hbm>>
    %dma_wait3A_593 = arith.constant 0 : i32
    %dma_wait3A_594 = tpu.memref_slice %arg2[%dma_wait3A_589, %add3A_546, %dma_wait3A_593] : memref<4x2048x1024xf32, #tpu.memory_space<hbm>> -> memref<1x16x1024xf32, #tpu.memory_space<hbm>>
    %dma_wait3A_595 = tpu.memref_squeeze %dma_wait3A_594 : memref<1x16x1024xf32, #tpu.memory_space<hbm>> -> memref<16x1024xf32, #tpu.memory_space<hbm>>
    tpu.wait_dma2 semaphore(%arg11 : memref<!tpu.dma_semaphore, #tpu.memory_space<semaphore_mem>>) src(%dma_wait3A_595 : memref<16x1024xf32, #tpu.memory_space<hbm>>) dst(%arg8 : memref<16x1024xf32, #tpu.memory_space<vmem>>)
    %parallel_loop3A_596 = arith.constant 0 : i32
    %parallel_loop3A_597 = arith.constant 16384 : i32
    %parallel_loop3A_598 = arith.constant 16 : i32
    scf.for %parallel_loop3A_648 = %parallel_loop3A_596 to %parallel_loop3A_597 step %parallel_loop3A_598  : i32 {
      %parallel_loop3A_649 = arith.constant 1024 : i32
      %parallel_loop3A_650 = arith.divsi %parallel_loop3A_648, %parallel_loop3A_649 : i32
      %parallel_loop3A_651 = arith.constant 0 : i32
      %parallel_loop3A_652 = arith.cmpi sgt, %parallel_loop3A_648, %parallel_loop3A_651 : i32
      %parallel_loop3A_653 = arith.extui %parallel_loop3A_652 : i1 to i32
      %parallel_loop3A_654 = arith.constant 0 : i32
      %parallel_loop3A_655 = arith.cmpi slt, %parallel_loop3A_648, %parallel_loop3A_654 : i32
      %parallel_loop3A_656 = arith.extui %parallel_loop3A_655 : i1 to i32
      %parallel_loop3A_657 = arith.subi %parallel_loop3A_653, %parallel_loop3A_656 : i32
      %parallel_loop3A_658 = arith.constant 0 : i32
      %parallel_loop3A_659 = arith.cmpi sgt, %parallel_loop3A_649, %parallel_loop3A_658 : i32
      %parallel_loop3A_660 = arith.extui %parallel_loop3A_659 : i1 to i32
      %parallel_loop3A_661 = arith.constant 0 : i32
      %parallel_loop3A_662 = arith.cmpi slt, %parallel_loop3A_649, %parallel_loop3A_661 : i32
      %parallel_loop3A_663 = arith.extui %parallel_loop3A_662 : i1 to i32
      %parallel_loop3A_664 = arith.subi %parallel_loop3A_660, %parallel_loop3A_663 : i32
      %parallel_loop3A_665 = arith.cmpi ne, %parallel_loop3A_657, %parallel_loop3A_664 : i32
      %parallel_loop3A_666 = arith.remsi %parallel_loop3A_648, %parallel_loop3A_649 : i32
      %parallel_loop3A_667 = arith.constant 0 : i32
      %parallel_loop3A_668 = arith.cmpi ne, %parallel_loop3A_666, %parallel_loop3A_667 : i32
      %parallel_loop3A_669 = arith.andi %parallel_loop3A_665, %parallel_loop3A_668 : i1
      %parallel_loop3A_670 = arith.constant 1 : i32
      %parallel_loop3A_671 = arith.subi %parallel_loop3A_650, %parallel_loop3A_670 : i32
      %parallel_loop3A_672 = arith.select %parallel_loop3A_669, %parallel_loop3A_671, %parallel_loop3A_650 : i32
      %parallel_loop3A_673 = arith.constant 1024 : i32
      %parallel_loop3A_674 = arith.muli %parallel_loop3A_672, %parallel_loop3A_673 : i32
      %parallel_loop3A_675 = arith.subi %parallel_loop3A_648, %parallel_loop3A_674 : i32
      %parallel_loop3A_676 = arith.constant 32 : i32
      %parallel_loop3A_677 = arith.addi %parallel_loop3A_676, %parallel_loop3A_672 : i32
      %parallel_loop3A_678 = arith.index_cast %parallel_loop3A_677 : i32 to index
      %parallel_loop3A_679 = arith.index_cast %parallel_loop3A_675 : i32 to index
      %parallel_loop3A_680 = tpu.vector_load %arg5[%parallel_loop3A_678, %parallel_loop3A_679] {strides = array<i32>} : memref<64x1024xf32, #tpu.memory_space<vmem>>, vector<1x16xf32>,
      %parallel_loop3A_681 = vector.shape_cast %parallel_loop3A_680 : vector<1x16xf32> to vector<16xf32>
      %parallel_loop3A_682 = arith.index_cast %parallel_loop3A_672 : i32 to index
      %parallel_loop3A_683 = arith.index_cast %parallel_loop3A_675 : i32 to index
      %parallel_loop3A_684 = tpu.vector_load %arg8[%parallel_loop3A_682, %parallel_loop3A_683] {strides = array<i32>} : memref<16x1024xf32, #tpu.memory_space<vmem>>, vector<1x16xf32>,
      %parallel_loop3A_685 = vector.shape_cast %parallel_loop3A_684 : vector<1x16xf32> to vector<16xf32>
      %parallel_loop3A_686 = vector.shape_cast %parallel_loop3A_681 : vector<16xf32> to vector<1x16xf32>
      tpu.vector_store %arg8[%parallel_loop3A_682, %parallel_loop3A_683], %parallel_loop3A_686 {add = true, strides = array<i32>} : memref<16x1024xf32, #tpu.memory_space<vmem>>, vector<1x16xf32>,
    } {sc.loop_unroll_factor = 8 : i64, sc.parallel_access}
    %add3A_599 = arith.constant 32 : i32
    %add3A_600 = arith.addi %mul3A_2, %add3A_599 : i32
    %dma_start3A_601 = arith.constant 3 : i32
    %dma_start3A_602 = arith.constant 0 : i32
    %dma_start3A_603 = tpu.memref_slice %arg4[%dma_start3A_601, %add3A_600, %dma_start3A_602] : memref<4x2048x1024xf32, #tpu.memory_space<hbm>> -> memref<1x16x1024xf32, #tpu.memory_space<hbm>>
    %dma_start3A_604 = tpu.memref_squeeze %dma_start3A_603 : memref<1x16x1024xf32, #tpu.memory_space<hbm>> -> memref<16x1024xf32, #tpu.memory_space<hbm>>
    %dma_start3A_605 = arith.constant 0 : i32
    %dma_start3A_606 = tpu.memref_slice %arg4[%dma_start3A_601, %add3A_600, %dma_start3A_605] : memref<4x2048x1024xf32, #tpu.memory_space<hbm>> -> memref<1x16x1024xf32, #tpu.memory_space<hbm>>
    %dma_start3A_607 = tpu.memref_squeeze %dma_start3A_606 : memref<1x16x1024xf32, #tpu.memory_space<hbm>> -> memref<16x1024xf32, #tpu.memory_space<hbm>>
    tpu.enqueue_dma source(%arg8 : memref<16x1024xf32, #tpu.memory_space<vmem>>) target(%dma_start3A_607 : memref<16x1024xf32, #tpu.memory_space<hbm>>) target_semaphore(%arg14 : memref<!tpu.dma_semaphore, #tpu.memory_space<semaphore_mem>>)
    %dma_wait3A_608 = arith.constant 3 : i32
    %dma_wait3A_609 = arith.constant 0 : i32
    %dma_wait3A_610 = tpu.memref_slice %arg2[%dma_wait3A_608, %add3A_581, %dma_wait3A_609] : memref<4x2048x1024xf32, #tpu.memory_space<hbm>> -> memref<1x16x1024xf32, #tpu.memory_space<hbm>>
    %dma_wait3A_611 = tpu.memref_squeeze %dma_wait3A_610 : memref<1x16x1024xf32, #tpu.memory_space<hbm>> -> memref<16x1024xf32, #tpu.memory_space<hbm>>
    %dma_wait3A_612 = arith.constant 0 : i32
    %dma_wait3A_613 = tpu.memref_slice %arg2[%dma_wait3A_608, %add3A_581, %dma_wait3A_612] : memref<4x2048x1024xf32, #tpu.memory_space<hbm>> -> memref<1x16x1024xf32, #tpu.memory_space<hbm>>
    %dma_wait3A_614 = tpu.memref_squeeze %dma_wait3A_613 : memref<1x16x1024xf32, #tpu.memory_space<hbm>> -> memref<16x1024xf32, #tpu.memory_space<hbm>>
    tpu.wait_dma2 semaphore(%arg9 : memref<!tpu.dma_semaphore, #tpu.memory_space<semaphore_mem>>) src(%dma_wait3A_614 : memref<16x1024xf32, #tpu.memory_space<hbm>>) dst(%arg6 : memref<16x1024xf32, #tpu.memory_space<vmem>>)
    %parallel_loop3A_615 = arith.constant 0 : i32
    %parallel_loop3A_616 = arith.constant 16384 : i32
    %parallel_loop3A_617 = arith.constant 16 : i32
    scf.for %parallel_loop3A_648 = %parallel_loop3A_615 to %parallel_loop3A_616 step %parallel_loop3A_617  : i32 {
      %parallel_loop3A_649 = arith.constant 1024 : i32
      %parallel_loop3A_650 = arith.divsi %parallel_loop3A_648, %parallel_loop3A_649 : i32
      %parallel_loop3A_651 = arith.constant 0 : i32
      %parallel_loop3A_652 = arith.cmpi sgt, %parallel_loop3A_648, %parallel_loop3A_651 : i32
      %parallel_loop3A_653 = arith.extui %parallel_loop3A_652 : i1 to i32
      %parallel_loop3A_654 = arith.constant 0 : i32
      %parallel_loop3A_655 = arith.cmpi slt, %parallel_loop3A_648, %parallel_loop3A_654 : i32
      %parallel_loop3A_656 = arith.extui %parallel_loop3A_655 : i1 to i32
      %parallel_loop3A_657 = arith.subi %parallel_loop3A_653, %parallel_loop3A_656 : i32
      %parallel_loop3A_658 = arith.constant 0 : i32
      %parallel_loop3A_659 = arith.cmpi sgt, %parallel_loop3A_649, %parallel_loop3A_658 : i32
      %parallel_loop3A_660 = arith.extui %parallel_loop3A_659 : i1 to i32
      %parallel_loop3A_661 = arith.constant 0 : i32
      %parallel_loop3A_662 = arith.cmpi slt, %parallel_loop3A_649, %parallel_loop3A_661 : i32
      %parallel_loop3A_663 = arith.extui %parallel_loop3A_662 : i1 to i32
      %parallel_loop3A_664 = arith.subi %parallel_loop3A_660, %parallel_loop3A_663 : i32
      %parallel_loop3A_665 = arith.cmpi ne, %parallel_loop3A_657, %parallel_loop3A_664 : i32
      %parallel_loop3A_666 = arith.remsi %parallel_loop3A_648, %parallel_loop3A_649 : i32
      %parallel_loop3A_667 = arith.constant 0 : i32
      %parallel_loop3A_668 = arith.cmpi ne, %parallel_loop3A_666, %parallel_loop3A_667 : i32
      %parallel_loop3A_669 = arith.andi %parallel_loop3A_665, %parallel_loop3A_668 : i1
      %parallel_loop3A_670 = arith.constant 1 : i32
      %parallel_loop3A_671 = arith.subi %parallel_loop3A_650, %parallel_loop3A_670 : i32
      %parallel_loop3A_672 = arith.select %parallel_loop3A_669, %parallel_loop3A_671, %parallel_loop3A_650 : i32
      %parallel_loop3A_673 = arith.constant 1024 : i32
      %parallel_loop3A_674 = arith.muli %parallel_loop3A_672, %parallel_loop3A_673 : i32
      %parallel_loop3A_675 = arith.subi %parallel_loop3A_648, %parallel_loop3A_674 : i32
      %parallel_loop3A_676 = arith.constant 48 : i32
      %parallel_loop3A_677 = arith.addi %parallel_loop3A_676, %parallel_loop3A_672 : i32
      %parallel_loop3A_678 = arith.index_cast %parallel_loop3A_677 : i32 to index
      %parallel_loop3A_679 = arith.index_cast %parallel_loop3A_675 : i32 to index
      %parallel_loop3A_680 = tpu.vector_load %arg5[%parallel_loop3A_678, %parallel_loop3A_679] {strides = array<i32>} : memref<64x1024xf32, #tpu.memory_space<vmem>>, vector<1x16xf32>,
      %parallel_loop3A_681 = vector.shape_cast %parallel_loop3A_680 : vector<1x16xf32> to vector<16xf32>
      %parallel_loop3A_682 = arith.index_cast %parallel_loop3A_672 : i32 to index
      %parallel_loop3A_683 = arith.index_cast %parallel_loop3A_675 : i32 to index
      %parallel_loop3A_684 = tpu.vector_load %arg6[%parallel_loop3A_682, %parallel_loop3A_683] {strides = array<i32>} : memref<16x1024xf32, #tpu.memory_space<vmem>>, vector<1x16xf32>,
      %parallel_loop3A_685 = vector.shape_cast %parallel_loop3A_684 : vector<1x16xf32> to vector<16xf32>
      %parallel_loop3A_686 = vector.shape_cast %parallel_loop3A_681 : vector<16xf32> to vector<1x16xf32>
      tpu.vector_store %arg6[%parallel_loop3A_682, %parallel_loop3A_683], %parallel_loop3A_686 {add = true, strides = array<i32>} : memref<16x1024xf32, #tpu.memory_space<vmem>>, vector<1x16xf32>,
    } {sc.loop_unroll_factor = 8 : i64, sc.parallel_access}
    %add3A_618 = arith.constant 48 : i32
    %add3A_619 = arith.addi %mul3A_2, %add3A_618 : i32
    %dma_start3A_620 = arith.constant 3 : i32
    %dma_start3A_621 = arith.constant 0 : i32
    %dma_start3A_622 = tpu.memref_slice %arg4[%dma_start3A_620, %add3A_619, %dma_start3A_621] : memref<4x2048x1024xf32, #tpu.memory_space<hbm>> -> memref<1x16x1024xf32, #tpu.memory_space<hbm>>
    %dma_start3A_623 = tpu.memref_squeeze %dma_start3A_622 : memref<1x16x1024xf32, #tpu.memory_space<hbm>> -> memref<16x1024xf32, #tpu.memory_space<hbm>>
    %dma_start3A_624 = arith.constant 0 : i32
    %dma_start3A_625 = tpu.memref_slice %arg4[%dma_start3A_620, %add3A_619, %dma_start3A_624] : memref<4x2048x1024xf32, #tpu.memory_space<hbm>> -> memref<1x16x1024xf32, #tpu.memory_space<hbm>>
    %dma_start3A_626 = tpu.memref_squeeze %dma_start3A_625 : memref<1x16x1024xf32, #tpu.memory_space<hbm>> -> memref<16x1024xf32, #tpu.memory_space<hbm>>
    tpu.enqueue_dma source(%arg6 : memref<16x1024xf32, #tpu.memory_space<vmem>>) target(%dma_start3A_626 : memref<16x1024xf32, #tpu.memory_space<hbm>>) target_semaphore(%arg12 : memref<!tpu.dma_semaphore, #tpu.memory_space<semaphore_mem>>)
    %dma_wait3A_627 = arith.constant 3 : i32
    %dma_wait3A_628 = arith.constant 0 : i32
    %dma_wait3A_629 = tpu.memref_slice %arg4[%dma_wait3A_627, %add3A_565, %dma_wait3A_628] : memref<4x2048x1024xf32, #tpu.memory_space<hbm>> -> memref<1x16x1024xf32, #tpu.memory_space<hbm>>
    %dma_wait3A_630 = tpu.memref_squeeze %dma_wait3A_629 : memref<1x16x1024xf32, #tpu.memory_space<hbm>> -> memref<16x1024xf32, #tpu.memory_space<hbm>>
    %dma_wait3A_631 = arith.constant 0 : i32
    %dma_wait3A_632 = tpu.memref_slice %arg4[%dma_wait3A_627, %add3A_565, %dma_wait3A_631] : memref<4x2048x1024xf32, #tpu.memory_space<hbm>> -> memref<1x16x1024xf32, #tpu.memory_space<hbm>>
    %dma_wait3A_633 = tpu.memref_squeeze %dma_wait3A_632 : memref<1x16x1024xf32, #tpu.memory_space<hbm>> -> memref<16x1024xf32, #tpu.memory_space<hbm>>
    tpu.wait_dma2 semaphore(%arg13 : memref<!tpu.dma_semaphore, #tpu.memory_space<semaphore_mem>>) src(%arg7 : memref<16x1024xf32, #tpu.memory_space<vmem>>) dst(%dma_wait3A_633 : memref<16x1024xf32, #tpu.memory_space<hbm>>)
    %dma_wait3A_634 = arith.constant 3 : i32
    %dma_wait3A_635 = arith.constant 0 : i32
    %dma_wait3A_636 = tpu.memref_slice %arg4[%dma_wait3A_634, %add3A_600, %dma_wait3A_635] : memref<4x2048x1024xf32, #tpu.memory_space<hbm>> -> memref<1x16x1024xf32, #tpu.memory_space<hbm>>
    %dma_wait3A_637 = tpu.memref_squeeze %dma_wait3A_636 : memref<1x16x1024xf32, #tpu.memory_space<hbm>> -> memref<16x1024xf32, #tpu.memory_space<hbm>>
    %dma_wait3A_638 = arith.constant 0 : i32
    %dma_wait3A_639 = tpu.memref_slice %arg4[%dma_wait3A_634, %add3A_600, %dma_wait3A_638] : memref<4x2048x1024xf32, #tpu.memory_space<hbm>> -> memref<1x16x1024xf32, #tpu.memory_space<hbm>>
    %dma_wait3A_640 = tpu.memref_squeeze %dma_wait3A_639 : memref<1x16x1024xf32, #tpu.memory_space<hbm>> -> memref<16x1024xf32, #tpu.memory_space<hbm>>
    tpu.wait_dma2 semaphore(%arg14 : memref<!tpu.dma_semaphore, #tpu.memory_space<semaphore_mem>>) src(%arg8 : memref<16x1024xf32, #tpu.memory_space<vmem>>) dst(%dma_wait3A_640 : memref<16x1024xf32, #tpu.memory_space<hbm>>)
    %dma_wait3A_641 = arith.constant 3 : i32
    %dma_wait3A_642 = arith.constant 0 : i32
    %dma_wait3A_643 = tpu.memref_slice %arg4[%dma_wait3A_641, %add3A_619, %dma_wait3A_642] : memref<4x2048x1024xf32, #tpu.memory_space<hbm>> -> memref<1x16x1024xf32, #tpu.memory_space<hbm>>
    %dma_wait3A_644 = tpu.memref_squeeze %dma_wait3A_643 : memref<1x16x1024xf32, #tpu.memory_space<hbm>> -> memref<16x1024xf32, #tpu.memory_space<hbm>>
    %dma_wait3A_645 = arith.constant 0 : i32
    %dma_wait3A_646 = tpu.memref_slice %arg4[%dma_wait3A_641, %add3A_619, %dma_wait3A_645] : memref<4x2048x1024xf32, #tpu.memory_space<hbm>> -> memref<1x16x1024xf32, #tpu.memory_space<hbm>>
    %dma_wait3A_647 = tpu.memref_squeeze %dma_wait3A_646 : memref<1x16x1024xf32, #tpu.memory_space<hbm>> -> memref<16x1024xf32, #tpu.memory_space<hbm>>
    tpu.wait_dma2 semaphore(%arg12 : memref<!tpu.dma_semaphore, #tpu.memory_space<semaphore_mem>>) src(%arg6 : memref<16x1024xf32, #tpu.memory_space<vmem>>) dst(%dma_wait3A_647 : memref<16x1024xf32, #tpu.memory_space<hbm>>)
    return
  }
}

</mosaic_0001>

<sc_bundles>
// kernel: kernel.3.cloned.1.call-start
scs
__scs_entry_jumppad:
0x0: {  	(pc) =	sbr.rel $0x88, $3  }
0x1: {  	(tag) =	ssettag $0x0;
	lr =	simm.s32 $0x1  }
0x2: {  	[smem:$0x3F9F] =	sst lr;
	_ =	strace $0xD0000000  }
0x3: {  	_ = 	snop  }
0x4: {  	_ = 	snop  }
0x5: {  	_ = 	snop  }
0x6: {  	_ = 	snop  }
0x7: {  	_ = 	snop  }
__scs_overlays_trampoline_lowered:
0x8: {  	[smem:$0x3FAE] =	sst s0  }
0x9: {  	[smem:$0x3FAF] =	sst s1  }
0xa: {  	[smem:$0x3FB0] =	sst s2  }
0xb: {  	[smem:$0x3FB1] =	sst s3  }
0xc: {  	[smem:$0x3FB2] =	sst s4  }
0xd: {  	[smem:$0x3FB3] =	sst s5  }
0xe: {  	[smem:$0x3FB4] =	sst s6  }
0xf: {  	[smem:$0x3FB5] =	sst s7  }
0x10: {  	[smem:$0x3FB6] =	sst s8  }
0x11: {  	[smem:$0x3FB7] =	sst s9;
	s0 =	simm.s32 @!p0 $0x0  }
0x12: {  	s1 =	sld [smem:$0x3F9D];
	s0 =	simm.s32 @p0 $0x1  }
0x13: {  	[smem:$0x3FB8] =	sst s0;
	s0 =	simm.s32 @!p1 $0x0  }
0x14: {  	s2 =	sld [smem:$0x3F9C];
	s0 =	simm.s32 @p1 $0x1  }
0x15: {  	[smem:$0x3FB9] =	sst s0;
	s0 =	simm.s32 @!p2 $0x0  }
0x16: {  	s3 =	sld [smem:$0x3FDB];
	s0 =	simm.s32 @p2 $0x1  }
0x17: {  	s4 =	simm.s32 $0x1BF5;
	[smem:$0x3FBB] =	sst s0  }
0x18: {  	s0 =	sld [smem:$0x3F9E];
	_ =	swait.ge [sflag:s4], $0x0  }
0x19: {  	s7 =	sld [smem:$0x3F9F]  }
0x1a: {  	s8 =	sadd.s32 $0xFFFFE003, lr  }
0x1b: {  	s9 =	sadd.s32 $0xFFFFFEF7, lr;
	s5 =	simm.s32 $0xFFFFFFFF;
	p2 =	slt.u32 s8, $0xFFFFF086  }
0x1c: {  	p1 =	slt.u32 s9, $0xF7A;
	s5 =	simm.s32 @!p2 $0x0  }
0x1d: {  	s5 =	simm.s32 @p1 $0x1;
	p0 =	seq.s32 s7, s2  }
0x1e: {  	s7 =	smul.u32 @!p0 $0xF7A, s2;
	p2 =	seq.s32 @!p0 s5, $0x0  }
0x1f: {  	s9 =	smul.u32 $0xF7A, s1;
	s8 =	simm.s32 @!p0 $0x1BF5;
	p2 =	por !p2, p0  }
0x20: {  	[sflag:s8] =	ssyncset.s32 @!p0 $0xFFFFF086;
	s6 =	sadd.s32 @!p0 s3, s7;
	s7 =	simm.s32 @!p0 $0x108  }
0x21: {  	s3 =	sadd.s32 s3, s9;
	s6 =	sadd.s32 @!p0 $0x88, s6;
	s7 =	simm.s32 @p2 $0x1082  }
0x22: {  	[simem:s7], [sflag:s8] =	dma.local @!p0 [hbm:s6], $0xF7A  }
0x23: {  	s9 =	sor.u32 $0xD0000000, s2;
	s6 =	simm.s32 $0x108;
	_ =	swait.ge @!p0 [sflag:s8], $0x0  }
0x24: {  	s3 =	sadd.s32 $0x88, s3;
	s6 =	simm.s32 @!p1 $0x1082;
	[sflag:s4] =	ssyncset.s32 $0xFFFFF086  }
0x25: {  	[simem:s6], [sflag:s4] =	dma.local [hbm:s3], $0xF7A  }
0x26: {  	[smem:$0x3F9F] =	sst s1;
	(tag) =	ssettag s2;
	_ =	strace s9  }
0x27: {  	s1 =	sld [smem:$0x3FAF]  }
0x28: {  	s2 =	sld [smem:$0x3FB0]  }
0x29: {  	s4 =	sld [smem:$0x3FB2]  }
0x2a: {  	p0 =	seq.s32 s5, $0x0;
	s5 =	sld [smem:$0x3FB3]  }
0x2b: {  	s6 =	sld [smem:$0x3FB4]  }
0x2c: {  	s7 =	sld [smem:$0x3FB5]  }
0x2d: {  	s3 =	simm.s32 $0x108;
	s8 =	sld [smem:$0x3FB6]  }
0x2e: {  	s3 =	simm.s32 @!p0 $0x1082;
	s9 =	sld [smem:$0x3FB7]  }
0x2f: {  	lr =	sadd.s32 s0, s3;
	s0 =	sld [smem:$0x3FAE]  }
0x30: {  	s3 =	sld [smem:$0x3FB1]  }
0x31: {  	[smem:$0x3FBA] =	sst s10  }
0x32: {  	s10 =	sld [smem:$0x3FB8];
	_ =	sdelay $0x3  }
0x33: {  	p0 =	seq.s32 s10, $0x1;
	s10 =	sld [smem:$0x3FBA];
	_ =	sdelay $0x3  }
0x34: {  	[smem:$0x3FBA] =	sst s10  }
0x35: {  	s10 =	sld [smem:$0x3FB9];
	_ =	sdelay $0x3  }
0x36: {  	p1 =	seq.s32 s10, $0x1;
	s10 =	sld [smem:$0x3FBA];
	_ =	sdelay $0x3  }
0x37: {  	[smem:$0x3FBA] =	sst s10  }
0x38: {  	s10 =	sld [smem:$0x3FBB]  }
0x39: {  	_ = 	snop;
	(pc) =	sbr.ind lr, $3  }
0x3a: {  	_ = 	snop  }
0x3b: {  	_ = 	snop  }
0x3c: {  	p2 =	seq.s32 s10, $0x1;
	s10 =	sld [smem:$0x3FBA]  }
0x3d: {  	_ =	shalt  }
0x3e: {  	_ =	shalt  }
0x3f: {  	_ =	shalt  }
0x40: {  	_ =	shalt  }
0x41: {  	_ =	shalt  }
0x42: {  	_ =	shalt  }
0x43: {  	_ =	shalt  }
0x44: {  	_ =	shalt  }
0x45: {  	_ =	shalt  }
0x46: {  	_ =	shalt  }
0x47: {  	_ =	shalt  }
0x48: {  	_ =	shalt  }
0x49: {  	_ =	shalt  }
0x4a: {  	_ =	shalt  }
0x4b: {  	_ =	shalt  }
0x4c: {  	_ =	shalt  }
0x4d: {  	_ =	shalt  }
0x4e: {  	_ =	shalt  }
0x4f: {  	_ =	shalt  }
0x50: {  	_ =	shalt  }
0x51: {  	_ =	shalt  }
0x52: {  	_ =	shalt  }
0x53: {  	_ =	shalt  }
0x54: {  	_ =	shalt  }
0x55: {  	_ =	shalt  }
0x56: {  	_ =	shalt  }
0x57: {  	_ =	shalt  }
0x58: {  	_ =	shalt  }
0x59: {  	_ =	shalt  }
0x5a: {  	_ =	shalt  }
0x5b: {  	_ =	shalt  }
0x5c: {  	_ =	shalt  }
0x5d: {  	_ =	shalt  }
0x5e: {  	_ =	shalt  }
0x5f: {  	_ =	shalt  }
0x60: {  	_ =	shalt  }
0x61: {  	_ =	shalt  }
0x62: {  	_ =	shalt  }
0x63: {  	_ =	shalt  }
0x64: {  	_ =	shalt  }
0x65: {  	_ =	shalt  }
0x66: {  	_ =	shalt  }
0x67: {  	_ =	shalt  }
0x68: {  	_ =	shalt  }
0x69: {  	_ =	shalt  }
0x6a: {  	_ =	shalt  }
0x6b: {  	_ =	shalt  }
0x6c: {  	_ =	shalt  }
0x6d: {  	_ =	shalt  }
0x6e: {  	_ =	shalt  }
0x6f: {  	_ =	shalt  }
0x70: {  	_ =	shalt  }
0x71: {  	_ =	shalt  }
0x72: {  	_ =	shalt  }
0x73: {  	_ =	shalt  }
0x74: {  	_ =	shalt  }
0x75: {  	_ =	shalt  }
0x76: {  	_ =	shalt  }
0x77: {  	_ =	shalt  }
0x78: {  	_ =	shalt  }
0x79: {  	_ =	shalt  }
0x7a: {  	_ =	shalt  }
0x7b: {  	_ =	shalt  }
0x7c: {  	_ =	shalt  }
0x7d: {  	_ =	shalt  }
0x7e: {  	_ =	shalt  }
0x7f: {  	_ =	shalt  }
0x80: {  	_ =	shalt  }
0x81: {  	_ =	shalt  }
0x82: {  	_ =	shalt  }
0x83: {  	_ =	shalt  }
0x84: {  	_ =	shalt  }
0x85: {  	_ =	shalt  }
0x86: {  	_ =	shalt  }
0x87: {  	_ =	shalt  }
.Lfunc_end0:
.L_simem_size_0:
called_computation_lowered:
.L_overlay_start_0:
0x88: {  	s2 =	sld [smem:$0x3FD9]  }
0x89: {  	s3 =	sld [smem:$0x3FFE];
	_ =	sdelay $0x1  }
0x8a: {  	s1 =	srdreg.scid  }
0x8b: {  	s0 =	sand.u32 $0x1, s1  }
0x8c: {  	s18 =	sshll.u32 s0, $0xA;
	s2 =	sadd.s32 s3, s2  }
0x8d: {  	s2 =	sadd.s32 s2, s18  }
0x8e: {  	[smem:$0x3FC6] =	sst s2  }
0x8f: {  	_ = 	snop  }
0x90: {  	s2 =	sld [smem:$0x3FC9]  }
0x91: {  	s19 =	sld [smem:$0x3FC8]  }
0x92: {  	s4 =	sld [smem:$0x3FD0];
	(tm) =	ssettm $0x1  }
0x93: {  	s5 =	sld [smem:$0x3FFB];
	_ =	sdelay $0x3  }
0x94: {  	_ =	strace s5  }
0x95: {  	s5 =	sld [smem:$0x3FFC];
	_ =	sdelay $0x3  }
0x96: {  	_ =	strace s5  }
0x97: {  	s5 =	sld [smem:$0x3FFD];
	_ =	sdelay $0x3  }
0x98: {  	_ =	strace s5  }
0x99: {  	_ =	strace $0x8FFFFFFF  }
0x9a: {  	s20 =	sld [smem:$0x3FDB];
	_ =	sdelay $0x1  }
0x9b: {  	s6 =	simm.s32 $_scs_section_size  }
0x9c: {  	s7 =	simm.s32 $_size__tile_overlayer_lowered;
	s8 =	simm.s32 $_tile_overlayer_lowered  }
0x9d: {  	s23 =	simm.s32 $0x1BFF;
	s22 =	sshll.u32 s8, $0x1;
	s5 =	sadd.s32 s6, s20  }
0x9e: {  	s9 =	simm.s32 $0x0;
	s21 =	sshll.u32 s7, $0x1;
	s7 =	sadd.s32 s22, s5  }
0x9f: {  	[timem:s9], [sflag:s23] =	dma.local [hbm:s7], s21  }
0xa0: {  	_ =	swait.ge [sflag:s23], s21  }
0xa1: {  	s6 =	ssub.s32 $0x0, s21;
	[sflag:s23] =	ssyncset.done $0x0  }
0xa2: {  	[sflag:s23] =	ssyncadd.s32 s6;
	_ =	sdelay $0x1  }
0xa3: {  	s24 =	simm.s32 $0x1B8B  }
0xa4: {  	_ =	swait.ge [sflag:s24], $0x1  }
0xa5: {  	[sflag:s24] =	ssyncset.done $0x0  }
0xa6: {  	s25 =	simm.s32 $0x1B8E;
	[sflag:s24] =	ssyncadd.s32 $0xFFFFFFFF  }
0xa7: {  	s26 =	simm.s32 $execute0_lowered;
	[smem:$0x3FD2] =	sst s25  }
0xa8: {  	s6 =	sshll.u32 s26, $0x1;
	_ =	strace $0x80000046;
	[dreg:$0x1] =	wrdreg $0xFFFFFFFF  }
0xa9: {  	s28 =	simm.s32 $_size_execute0_lowered;
	s5 =	sadd.s32 s5, s6;
	[dreg:$0x0] =	wrdreg $0x0  }
0xaa: {  	s6 =	sshll.u32 s28, $0x1;
	[dreg:$0x2] =	wrdreg s5  }
0xab: {  	[dreg:$0x3] =	wrdreg s6  }
0xac: {  	[dreg:$0x4] =	wrdreg $0xC0  }
0xad: {  	_ =	task [dreg:s9], $0x5FFFF  }
0xae: {  	[dreg:$0x1] =	wrdreg $0xFFFFFFFF  }
0xaf: {  	[dreg:$0x0] =	wrdreg $0x60  }
0xb0: {  	[dreg:$0x2] =	wrdreg s2  }
0xb1: {  	[dreg:$0x3] =	wrdreg s19  }
0xb2: {  	[dreg:$0x4] =	wrdreg s4  }
0xb3: {  	[dreg:$0x5] =	wrdreg $0x9  }
0xb4: {  	_ =	task.clear_ibuf [dreg:s9], $0x6FFFF;
	_ =	strace $0x90000046  }
0xb5: {  	s29 =	simm.s32 $0x9;
	_ =	strace $0x80000048  }
0xb6: {  	_ =	swait.ge [sflag:s29], $0x1  }
0xb7: {  	[sflag:s29] =	ssyncadd.s32 $0xFFFFFFFF  }
0xb8: {  	_ =	strace $0x90000048  }
0xb9: {  	_ =	sfence  }
0xba: {  	s30 =	sld [smem:$0x0];
	_ =	sdelay $0x2  }
0xbb: {  	s31 =	sshll.u32 s1, $0xD;
	s1 =	sshrl.u32 s1, $0x2  }
0xbc: {  	s3 =	sand.u32 $0x4000, s31;
	s1 =	sadd.s32 s1, s30  }
0xbd: {  	s0 =	sor.u32 s3, s0;
	s1 =	sshll.u32 s1, $0x11  }
0xbe: {  	s0 =	sor.u32 s1, s0  }
0xbf: {  	s0 =	sadd.s32 $0x8F2B, s0  }
0xc0: {  	[sflag:s0] =	ssyncadd.remote.s32 $0x1  }
0xc1: {  	_ =	sfence.sel $0xFFFF  }
0xc2: {  	[dreg:$0x0] =	wrdreg $0xFFFFFFFF;
	(pc) =	sbr.abs _section_cstart, $3  }
0xc3: {  	[dreg:$0x1] =	wrdreg $0xFFFFFFFF  }
0xc4: {  	_ =	task.clear_ibuf [dreg:s9], $0x2FFFF;
	_ =	strace $0x9FFFFFFF  }
0xc5: {  	(tm) =	ssettm $0x7FFFFFFF  }
tec
execute0_lowered:
.L_overlay_start_1:
0x0: {  	(tag) =	ssettag $0x1  }
0x1: {  	s5 =	rddreg [dreg:$0x0];
	s2 =	srdreg.scid  }
0x2: {  	s0 =	rddreg [dreg:$0x1];
	s4 =	stileid.u32;
	s2 =	sand.u32 $0x1, s2  }
0x3: {  	s4 =	sshll.u32 s4, $0xE;
	s3 =	ssub.s32 $0x2, s2;
	s2 =	sshll.u32 s2, $0xD  }
0x4: {  	s7 =	rddreg [dreg:$0x2];
	s1 =	simm.s32 $0x0;
	s4 =	sor.u32 s2, s4  }
0x5: {  	[smem:$0x7FF] =	sst s1;
	s2 =	sadd.s32 s0, s4;
	s21 =	sor.u32 $0x800, s4  }
0x6: {  	s23 =	sor.u32 $0x1000, s4;
	[dreg:$0x4] =	wrdreg s2;
	s22 =	sadd.s32 s0, s21  }
0x7: {  	s24 =	sor.u32 $0x1800, s4;
	s9 =	sadd.s32 s0, s23;
	[dreg:$0x5] =	wrdreg s22  }
0x8: {  	s6 =	sshrl.u32 s3, $0x1;
	s0 =	sadd.s32 s0, s24;
	[dreg:$0x6] =	wrdreg s9  }
0x9: {  	s8 =	ssub.s32 s3, s6;
	s25 =	sadd.s32 s5, s21;
	[dreg:$0x7] =	wrdreg s0  }
0xa: {  	s29 =	sor.u32 $0x40000, s4;
	s26 =	sadd.s32 s5, s23;
	[dreg:$0x8] =	wrdreg s25  }
0xb: {  	s10 =	sor.u32 $0x41000, s4;
	s28 =	sadd.s32 s7, s21;
	[dreg:$0x9] =	wrdreg s26  }
0xc: {  	s14 =	sor.u32 $0x41800, s4;
	s30 =	sadd.s32 s5, s24;
	[dreg:$0xa] =	wrdreg s28  }
0xd: {  	s15 =	sor.u32 $0x80000, s4;
	s31 =	sadd.s32 s7, s23;
	[dreg:$0xb] =	wrdreg s30  }
0xe: {  	s19 =	sor.u32 $0x80800, s4;
	s3 =	sadd.s32 s5, s29;
	[dreg:$0xc] =	wrdreg s31  }
0xf: {  	s6 =	sadd.s32 s7, s24;
	s12 =	sadd.s32 s5, s10;
	[dreg:$0xd] =	wrdreg s3  }
0x10: {  	s16 =	sadd.s32 s5, s14;
	s17 =	sadd.s32 s5, s15;
	[dreg:$0xe] =	wrdreg s6  }
0x11: {  	s18 =	sadd.s32 s7, s15;
	s20 =	sadd.s32 s5, s19;
	[dreg:$0x11] =	wrdreg s12  }
0x12: {  	s21 =	sor.u32 $0x81000, s4;
	s23 =	sor.u32 $0x81800, s4;
	[dreg:$0x13] =	wrdreg s16  }
0x13: {  	s2 =	sadd.s32 s5, s4;
	s8 =	smax.u32 s8, $0x1;
	[dreg:$0x15] =	wrdreg s17  }
0x14: {  	s15 =	simm.s32 $0x2;
	s9 =	sor.u32 $0x40800, s4;
	[dreg:$0x17] =	wrdreg s18  }
0x15: {  	s0 =	sadd.s32 s7, s29;
	s3 =	sadd.s32 s7, s10;
	[dreg:$0x18] =	wrdreg s20  }
0x16: {  	s22 =	sadd.s32 s5, s21;
	s24 =	sadd.s32 s5, s23;
	s25 =	sor.u32 $0xC0000, s4  }
0x17: {  	s28 =	sor.u32 $0xC0800, s4;
	s30 =	sor.u32 $0xC1000, s4;
	s31 =	sor.u32 $0xC1800, s4  }
0x18: {  	s10 =	simm.s32 $0x14000;
	s12 =	simm.s32 $0x1;
	[dreg:$0x10] =	wrdreg s0  }
0x19: {  	s16 =	simm.s32 $0x4;
	s17 =	simm.s32 $0x9;
	[dreg:$0x14] =	wrdreg s3  }
0x1a: {  	s18 =	simm.s32 $0x3;
	s20 =	simm.s32 $0xA;
	[dreg:$0x1a] =	wrdreg s22  }
0x1b: {  	s11 =	sadd.s32 s5, s9;
	s13 =	sadd.s32 s7, s9;
	[dreg:$0x1c] =	wrdreg s24  }
0x1c: {  	s0 =	sadd.s32 s7, s14;
	s26 =	sadd.s32 s5, s25;
	[dreg:$0xf] =	wrdreg s11  }
0x1d: {  	s29 =	sadd.s32 s5, s28;
	s3 =	sadd.s32 s7, s4;
	[dreg:$0x12] =	wrdreg s13  }
0x1e: {  	s4 =	sadd.s32 s5, s30;
	s5 =	sadd.s32 s5, s31;
	[dreg:$0x16] =	wrdreg s0  }
0x1f: {  	s6 =	sadd.s32 s7, s30;
	s9 =	simm.s32 $0x10000;
	[dreg:$0x1e] =	wrdreg s26  }
0x20: {  	s14 =	simm.s32 $0x8;
	s0 =	sadd.s32 s7, s19;
	[smem:$0x7FD] =	sst s29  }
0x21: {  	s22 =	simm.s32 $0x0;
	[dreg:$0x19] =	wrdreg s0;
	s0 =	sadd.s32 s7, s21  }
0x22: {  	s11 =	simm.s32 $0x7;
	[dreg:$0x1b] =	wrdreg s0;
	s0 =	sadd.s32 s7, s23  }
0x23: {  	s13 =	simm.s32 $0x18000;
	[dreg:$0x1d] =	wrdreg s0;
	s0 =	sadd.s32 s7, s25  }
0x24: {  	s19 =	simm.s32 $0x5;
	s21 =	simm.s32 $0x6;
	[dreg:$0x1f] =	wrdreg s0  }
0x25: {  	s0 =	sadd.s32 s7, s28;
	s7 =	sadd.s32 s7, s31;
	_ =	strace $0x80000047  }
.LBB2_1:
0x26: {  	s23 =	rddreg [dreg:$0x4]  }
0x27: {  	[tilespmem:s1], [sflag:$0x7] =	stream.linear.gather [hbm4b:s23+s1], $0x4000, $0x38;
	[tilespmem:$0x1C000] =	vst v63  }
0x28: {  	s29 =	rddreg [dreg:$0x5];
	s24 =	simm.s32 $0x4000  }
0x29: {  	[tilespmem:s24], [sflag:$0x8] =	stream.linear.gather [hbm4b:s29+s1], $0x4000, $0x38;
	[tilespmem:$0x1C000] =	vst v63  }
0x2a: {  	s30 =	rddreg [dreg:$0x6];
	s31 =	simm.s32 $0x8000  }
0x2b: {  	[tilespmem:s31], [sflag:$0x9] =	stream.linear.gather [hbm4b:s30+s1], $0x4000, $0x38;
	[tilespmem:$0x1C000] =	vst v63  }
0x2c: {  	s25 =	rddreg [dreg:$0x7];
	s26 =	simm.s32 $0xC000  }
0x2d: {  	[tilespmem:s26], [sflag:$0xA] =	stream.linear.gather [hbm4b:s25+s1], $0x4000, $0x38;
	[tilespmem:$0x1C000] =	vst v63  }
0x2e: {  	_ = 	snop  }
0x2f: {  	[tilespmem:s9], [sflag:$0x1] =	stream.linear.gather [hbm4b:s2+s1], $0x4000, $0x38;
	[tilespmem:$0x1C000] =	vst v63  }
0x30: {  	s28 =	rddreg [dreg:$0x8]  }
0x31: {  	[tilespmem:s10], [sflag:$0x2] =	stream.linear.gather [hbm4b:s28+s1], $0x4000, $0x38;
	[tilespmem:$0x1C000] =	vst v63  }
0x32: {  	_ =	swait.ge [sflag:s11], $0x4000  }
0x33: {  	s29 =	sand.u32 $0xFFFFE000, s1;
	[sflag:s11] =	ssyncset.done $0x0  }
0x34: {  	s23 =	sadd.s32 $0x0, s29;
	s30 =	simm.s32 $0x0;
	[sflag:s11] =	ssyncadd.s32 $0xFFFFC000  }
0x35: {  	s24 =	sand.u32 $0x380, s30;
	s25 =	simm.s32 $0x0;
	_ =	swait.ge [sflag:s12], $0x4000  }
0x36: {  	s23 =	sadd.s32 s24, s23;
	s31 =	sand.u32 $0xFFFFE000, s25;
	[sflag:s12] =	ssyncset.done $0x0  }
0x37: {  	s23 =	ssub.s32 s23, s31;
	[sflag:s12] =	ssyncadd.s32 $0xFFFFC000  }
0x38: {  	v0 =	vld [tilespmem:s23+$0x70]  }
0x39: {  	v5 =	vld [tilespmem:s23+$0x0]  }
0x3a: {  	v6 =	vld [tilespmem:s23+$0x10]  }
0x3b: {  	v4 =	vld [tilespmem:s23+$0x20]  }
0x3c: {  	v2 =	vld [tilespmem:s23+$0x30]  }
0x3d: {  	v3 =	vld [tilespmem:s23+$0x40]  }
0x3e: {  	v1 =	vld [tilespmem:s23+$0x60]  }
0x3f: {  	[tilespmem:s23+$0x10070] =	vst.add.f32.msk $0xffff, v0  }
0x40: {  	v0 =	vld [tilespmem:s23+$0x50]  }
0x41: {  	[tilespmem:s23+$0x10000] =	vst.add.f32.msk $0xffff, v5  }
0x42: {  	s24 =	simm.s32 $0x0;
	s26 =	simm.s32 $0x0;
	s25 =	simm.s32 $0x80;
	[tilespmem:s23+$0x10010] =	vst.add.f32.msk $0xffff, v6  }
.LBB2_2:
0x43: {  	s28 =	sshll.u32 s25, $0x3;
	[tilespmem:s23+$0x10020] =	vst.add.f32.msk $0xffff, v4;
	s26 =	sadd.s32 $0x400, s26  }
0x44: {  	s29 =	sand.u32 $0xFFFFE000, s25;
	s30 =	sshrl.u32 s25, $0x3;
	s24 =	sadd.s32 $0x80, s24;
	[tilespmem:s23+$0x10030] =	vst.add.f32.msk $0xffff, v2  }
0x45: {  	s29 =	sadd.s32 s29, s26;
	s30 =	sand.u32 $0x380, s30;
	p0 =	slt.u32 s24, $0x3F80;
	[tilespmem:s23+$0x10040] =	vst.add.f32.msk $0xffff, v3  }
0x46: {  	s28 =	sand.u32 $0xFFFFE000, s28;
	s29 =	sadd.s32 s30, s29;
	[tilespmem:s23+$0x10050] =	vst.add.f32.msk $0xffff, v0  }
0x47: {  	[tilespmem:s23+$0x10060] =	vst.add.f32.msk $0xffff, v1;
	s23 =	ssub.s32 s29, s28  }
0x48: {  	v0 =	vld [tilespmem:s23+$0x70]  }
0x49: {  	v5 =	vld [tilespmem:s23+$0x0]  }
0x4a: {  	v6 =	vld [tilespmem:s23+$0x10]  }
0x4b: {  	v4 =	vld [tilespmem:s23+$0x20]  }
0x4c: {  	v2 =	vld [tilespmem:s23+$0x30]  }
0x4d: {  	[tilespmem:s23+$0x10070] =	vst.add.f32.msk $0xffff, v0  }
.Ltmp0:
0x4e: {  	v3 =	vld [tilespmem:s23+$0x40];
	(pc) =	sbr.rel @p0 .LBB2_2-.Ltmp0, $4  }
0x4f: {  	v0 =	vld [tilespmem:s23+$0x50]  }
0x50: {  	v1 =	vld [tilespmem:s23+$0x60]  }
0x51: {  	[tilespmem:s23+$0x10000] =	vst.add.f32.msk $0xffff, v5  }
0x52: {  	s25 =	sadd.s32 $0x80, s25;
	[tilespmem:s23+$0x10010] =	vst.add.f32.msk $0xffff, v6  }
0x53: {  	[tilespmem:s23+$0x10020] =	vst.add.f32.msk $0xffff, v4  }
0x54: {  	[tilespmem:s23+$0x10030] =	vst.add.f32.msk $0xffff, v2  }
0x55: {  	[tilespmem:s23+$0x10040] =	vst.add.f32.msk $0xffff, v3  }
0x56: {  	[tilespmem:s23+$0x10050] =	vst.add.f32.msk $0xffff, v0  }
0x57: {  	s26 =	simm.s32 $0x0;
	[tilespmem:s23+$0x10060] =	vst.add.f32.msk $0xffff, v1  }
0x58: {  	[hbm4b:s3+s26] =	stream.linear.scatter [tilespmem:s9], [sflag:$0x4], $0x4000, $0x38;
	[tilespmem:$0x1C000] =	vst v63  }
0x59: {  	s24 =	rddreg [dreg:$0x9]  }
0x5a: {  	[tilespmem:s13], [sflag:$0x3] =	stream.linear.gather [hbm4b:s24+s26], $0x4000, $0x38;
	[tilespmem:$0x1C000] =	vst v63  }
0x5b: {  	s29 =	simm.s32 $0x0;
	s30 =	simm.s32 $0x0;
	_ =	swait.ge [sflag:s14], $0x4000  }
0x5c: {  	s23 =	sand.u32 $0xFFFF8000, s29;
	s24 =	sand.u32 $0xFFFF8000, s30;
	[sflag:s14] =	ssyncset.done $0x0  }
0x5d: {  	s23 =	ssub.s32 s23, s24;
	[sflag:s14] =	ssyncadd.s32 $0xFFFFC000  }
0x5e: {  	s31 =	simm.s32 $0x0;
	s23 =	sshra.s32 s23, $0x2;
	_ =	swait.ge [sflag:s15], $0x4000  }
0x5f: {  	s24 =	sand.u32 $0x380, s31;
	s25 =	sadd.s32 $0x4040, s23;
	[sflag:s15] =	ssyncset.done $0x0  }
0x60: {  	s25 =	sadd.s32 s24, s25;
	[sflag:s15] =	ssyncadd.s32 $0xFFFFC000  }
0x61: {  	v0 =	vld [tilespmem:s25+$0x30]  }
0x62: {  	v6 =	vld [tilespmem:s25+$0xFFFFFFC0]  }
0x63: {  	v2 =	vld [tilespmem:s25+$0xFFFFFFD0]  }
0x64: {  	v3 =	vld [tilespmem:s25+$0xFFFFFFE0]  }
0x65: {  	v4 =	vld [tilespmem:s25+$0xFFFFFFF0]  }
0x66: {  	s23 =	sadd.s32 $0x14000, s23;
	v5 =	vld [tilespmem:s25+$0x0]  }
0x67: {  	s24 =	sadd.s32 s24, s23;
	v1 =	vld [tilespmem:s25+$0x20]  }
0x68: {  	[tilespmem:s24+$0x70] =	vst.add.f32.msk $0xffff, v0  }
0x69: {  	s28 =	simm.s32 $0x80;
	v0 =	vld [tilespmem:s25+$0x10]  }
0x6a: {  	s26 =	simm.s32 $0x0;
	s23 =	simm.s32 $0x14000;
	s25 =	simm.s32 $0x4040;
	[tilespmem:s24+$0x0] =	vst.add.f32.msk $0xffff, v6  }
.LBB2_4:
0x6b: {  	s29 =	sshll.u32 s28, $0x2;
	s30 =	sshll.u32 s28, $0x5;
	s26 =	sadd.s32 $0x80, s26;
	[tilespmem:s24+$0x10] =	vst.add.f32.msk $0xffff, v2  }
0x6c: {  	s29 =	sand.u32 $0xFFFF8000, s29;
	s30 =	sand.u32 $0xFFFF8000, s30;
	p0 =	slt.u32 s26, $0x3F80;
	[tilespmem:s24+$0x20] =	vst.add.f32.msk $0xffff, v3  }
0x6d: {  	s29 =	ssub.s32 s29, s30;
	[tilespmem:s24+$0x30] =	vst.add.f32.msk $0xffff, v4  }
0x6e: {  	s25 =	sadd.s32 $0x400, s25;
	s30 =	sshrl.u32 s28, $0x3;
	s29 =	sshra.s32 s29, $0x2;
	[tilespmem:s24+$0x40] =	vst.add.f32.msk $0xffff, v5  }
0x6f: {  	s30 =	sand.u32 $0x380, s30;
	s31 =	sadd.s32 s29, s25;
	[tilespmem:s24+$0x50] =	vst.add.f32.msk $0xffff, v0  }
0x70: {  	s31 =	sadd.s32 s30, s31;
	[tilespmem:s24+$0x60] =	vst.add.f32.msk $0xffff, v1  }
0x71: {  	v0 =	vld [tilespmem:s31+$0x30]  }
0x72: {  	v6 =	vld [tilespmem:s31+$0xFFFFFFC0]  }
0x73: {  	s23 =	sadd.s32 $0x400, s23;
	v2 =	vld [tilespmem:s31+$0xFFFFFFD0]  }
0x74: {  	s24 =	sadd.s32 s29, s23;
	v3 =	vld [tilespmem:s31+$0xFFFFFFE0]  }
0x75: {  	s24 =	sadd.s32 s30, s24;
	v4 =	vld [tilespmem:s31+$0xFFFFFFF0]  }
.Ltmp1:
0x76: {  	[tilespmem:s24+$0x70] =	vst.add.f32.msk $0xffff, v0;
	(pc) =	sbr.rel @p0 .LBB2_4-.Ltmp1, $4  }
0x77: {  	v5 =	vld [tilespmem:s31+$0x0]  }
0x78: {  	v0 =	vld [tilespmem:s31+$0x10]  }
0x79: {  	v1 =	vld [tilespmem:s31+$0x20]  }
0x7a: {  	s28 =	sadd.s32 $0x80, s28;
	[tilespmem:s24+$0x0] =	vst.add.f32.msk $0xffff, v6  }
0x7b: {  	[tilespmem:s24+$0x10] =	vst.add.f32.msk $0xffff, v2  }
0x7c: {  	[tilespmem:s24+$0x20] =	vst.add.f32.msk $0xffff, v3  }
0x7d: {  	[tilespmem:s24+$0x30] =	vst.add.f32.msk $0xffff, v4  }
0x7e: {  	[tilespmem:s24+$0x40] =	vst.add.f32.msk $0xffff, v5  }
0x7f: {  	[tilespmem:s24+$0x50] =	vst.add.f32.msk $0xffff, v0  }
0x80: {  	[tilespmem:s24+$0x60] =	vst.add.f32.msk $0xffff, v1  }
0x81: {  	s23 =	simm.s32 $0x0;
	s24 =	rddreg [dreg:$0xa]  }
0x82: {  	[hbm4b:s24+s23] =	stream.linear.scatter [tilespmem:s10], [sflag:$0x5], $0x4000, $0x38;
	[tilespmem:$0x1C000] =	vst v63  }
0x83: {  	_ =	swait.ge [sflag:s16], $0x4000  }
0x84: {  	[sflag:s16] =	ssyncset.done $0x0  }
0x85: {  	s26 =	rddreg [dreg:$0xb];
	[sflag:s16] =	ssyncadd.s32 $0xFFFFC000  }
0x86: {  	[tilespmem:s9], [sflag:$0x1] =	stream.linear.gather [hbm4b:s26+s23], $0x4000, $0x38;
	[tilespmem:$0x1C000] =	vst v63  }
0x87: {  	s29 =	simm.s32 $0x0;
	s30 =	simm.s32 $0x0;
	_ =	swait.ge [sflag:s17], $0x4000  }
0x88: {  	s24 =	sand.u32 $0xFFFF8000, s30;
	s23 =	sand.u32 $0xFFFF8000, s29;
	[sflag:s17] =	ssyncset.done $0x0  }
0x89: {  	s23 =	ssub.s32 s23, s24;
	[sflag:s17] =	ssyncadd.s32 $0xFFFFC000  }
0x8a: {  	s31 =	simm.s32 $0x0;
	s23 =	sshra.s32 s23, $0x2;
	_ =	swait.ge [sflag:s18], $0x4000  }
0x8b: {  	s24 =	sand.u32 $0x380, s31;
	s25 =	sadd.s32 $0x8040, s23;
	[sflag:s18] =	ssyncset.done $0x0  }
0x8c: {  	s25 =	sadd.s32 s24, s25;
	[sflag:s18] =	ssyncadd.s32 $0xFFFFC000  }
0x8d: {  	v0 =	vld [tilespmem:s25+$0x30]  }
0x8e: {  	v6 =	vld [tilespmem:s25+$0xFFFFFFC0]  }
0x8f: {  	v2 =	vld [tilespmem:s25+$0xFFFFFFD0]  }
0x90: {  	v3 =	vld [tilespmem:s25+$0xFFFFFFE0]  }
0x91: {  	v4 =	vld [tilespmem:s25+$0xFFFFFFF0]  }
0x92: {  	s23 =	sadd.s32 $0x18000, s23;
	v5 =	vld [tilespmem:s25+$0x0]  }
0x93: {  	s24 =	sadd.s32 s24, s23;
	v1 =	vld [tilespmem:s25+$0x20]  }
0x94: {  	[tilespmem:s24+$0x70] =	vst.add.f32.msk $0xffff, v0  }
0x95: {  	s28 =	simm.s32 $0x80;
	v0 =	vld [tilespmem:s25+$0x10]  }
0x96: {  	s26 =	simm.s32 $0x0;
	s23 =	simm.s32 $0x18000;
	s25 =	simm.s32 $0x8040;
	[tilespmem:s24+$0x0] =	vst.add.f32.msk $0xffff, v6  }
.LBB2_6:
0x97: {  	s29 =	sshll.u32 s28, $0x2;
	s30 =	sshll.u32 s28, $0x5;
	s26 =	sadd.s32 $0x80, s26;
	[tilespmem:s24+$0x10] =	vst.add.f32.msk $0xffff, v2  }
0x98: {  	s29 =	sand.u32 $0xFFFF8000, s29;
	s30 =	sand.u32 $0xFFFF8000, s30;
	p0 =	slt.u32 s26, $0x3F80;
	[tilespmem:s24+$0x20] =	vst.add.f32.msk $0xffff, v3  }
0x99: {  	s29 =	ssub.s32 s29, s30;
	[tilespmem:s24+$0x30] =	vst.add.f32.msk $0xffff, v4  }
0x9a: {  	s25 =	sadd.s32 $0x400, s25;
	s30 =	sshrl.u32 s28, $0x3;
	s29 =	sshra.s32 s29, $0x2;
	[tilespmem:s24+$0x40] =	vst.add.f32.msk $0xffff, v5  }
0x9b: {  	s30 =	sand.u32 $0x380, s30;
	s31 =	sadd.s32 s29, s25;
	[tilespmem:s24+$0x50] =	vst.add.f32.msk $0xffff, v0  }
0x9c: {  	s31 =	sadd.s32 s30, s31;
	[tilespmem:s24+$0x60] =	vst.add.f32.msk $0xffff, v1  }
0x9d: {  	v0 =	vld [tilespmem:s31+$0x30]  }
0x9e: {  	v6 =	vld [tilespmem:s31+$0xFFFFFFC0]  }
0x9f: {  	s23 =	sadd.s32 $0x400, s23;
	v2 =	vld [tilespmem:s31+$0xFFFFFFD0]  }
0xa0: {  	s24 =	sadd.s32 s29, s23;
	v3 =	vld [tilespmem:s31+$0xFFFFFFE0]  }
0xa1: {  	s24 =	sadd.s32 s30, s24;
	v4 =	vld [tilespmem:s31+$0xFFFFFFF0]  }
.Ltmp2:
0xa2: {  	[tilespmem:s24+$0x70] =	vst.add.f32.msk $0xffff, v0;
	(pc) =	sbr.rel @p0 .LBB2_6-.Ltmp2, $4  }
0xa3: {  	v5 =	vld [tilespmem:s31+$0x0]  }
0xa4: {  	v0 =	vld [tilespmem:s31+$0x10]  }
0xa5: {  	v1 =	vld [tilespmem:s31+$0x20]  }
0xa6: {  	s28 =	sadd.s32 $0x80, s28;
	[tilespmem:s24+$0x0] =	vst.add.f32.msk $0xffff, v6  }
0xa7: {  	[tilespmem:s24+$0x10] =	vst.add.f32.msk $0xffff, v2  }
0xa8: {  	[tilespmem:s24+$0x20] =	vst.add.f32.msk $0xffff, v3  }
0xa9: {  	[tilespmem:s24+$0x30] =	vst.add.f32.msk $0xffff, v4  }
0xaa: {  	[tilespmem:s24+$0x40] =	vst.add.f32.msk $0xffff, v5  }
0xab: {  	[tilespmem:s24+$0x50] =	vst.add.f32.msk $0xffff, v0  }
0xac: {  	[tilespmem:s24+$0x60] =	vst.add.f32.msk $0xffff, v1  }
0xad: {  	s23 =	simm.s32 $0x0;
	s24 =	rddreg [dreg:$0xc]  }
0xae: {  	[hbm4b:s24+s23] =	stream.linear.scatter [tilespmem:s13], [sflag:$0x6], $0x4000, $0x38;
	[tilespmem:$0x1C000] =	vst v63  }
0xaf: {  	_ =	swait.ge [sflag:s19], $0x4000  }
0xb0: {  	[sflag:s19] =	ssyncset.done $0x0  }
0xb1: {  	s26 =	rddreg [dreg:$0xd];
	[sflag:s19] =	ssyncadd.s32 $0xFFFFC000  }
0xb2: {  	[tilespmem:s10], [sflag:$0x2] =	stream.linear.gather [hbm4b:s26+s23], $0x4000, $0x38;
	[tilespmem:$0x1C000] =	vst v63  }
0xb3: {  	s29 =	simm.s32 $0x0;
	s30 =	simm.s32 $0x0;
	_ =	swait.ge [sflag:s20], $0x4000  }
0xb4: {  	s24 =	sand.u32 $0xFFFF8000, s30;
	s23 =	sand.u32 $0xFFFF8000, s29;
	[sflag:s20] =	ssyncset.done $0x0  }
0xb5: {  	s23 =	ssub.s32 s23, s24;
	[sflag:s20] =	ssyncadd.s32 $0xFFFFC000  }
0xb6: {  	s31 =	simm.s32 $0x0;
	s23 =	sshra.s32 s23, $0x2;
	_ =	swait.ge [sflag:s12], $0x4000  }
0xb7: {  	s24 =	sand.u32 $0x380, s31;
	s25 =	sadd.s32 $0xC040, s23;
	[sflag:s12] =	ssyncset.done $0x0  }
0xb8: {  	s25 =	sadd.s32 s24, s25;
	[sflag:s12] =	ssyncadd.s32 $0xFFFFC000  }
0xb9: {  	v0 =	vld [tilespmem:s25+$0x30]  }
0xba: {  	v6 =	vld [tilespmem:s25+$0xFFFFFFC0]  }
0xbb: {  	v2 =	vld [tilespmem:s25+$0xFFFFFFD0]  }
0xbc: {  	v3 =	vld [tilespmem:s25+$0xFFFFFFE0]  }
0xbd: {  	v4 =	vld [tilespmem:s25+$0xFFFFFFF0]  }
0xbe: {  	s23 =	sadd.s32 $0x10000, s23;
	v5 =	vld [tilespmem:s25+$0x0]  }
0xbf: {  	s24 =	sadd.s32 s24, s23;
	v1 =	vld [tilespmem:s25+$0x20]  }
0xc0: {  	[tilespmem:s24+$0x70] =	vst.add.f32.msk $0xffff, v0  }
0xc1: {  	s28 =	simm.s32 $0x80;
	v0 =	vld [tilespmem:s25+$0x10]  }
0xc2: {  	s26 =	simm.s32 $0x0;
	s23 =	simm.s32 $0x10000;
	s25 =	simm.s32 $0xC040;
	[tilespmem:s24+$0x0] =	vst.add.f32.msk $0xffff, v6  }
.LBB2_8:
0xc3: {  	s29 =	sshll.u32 s28, $0x2;
	s30 =	sshll.u32 s28, $0x5;
	s26 =	sadd.s32 $0x80, s26;
	[tilespmem:s24+$0x10] =	vst.add.f32.msk $0xffff, v2  }
0xc4: {  	s29 =	sand.u32 $0xFFFF8000, s29;
	s30 =	sand.u32 $0xFFFF8000, s30;
	p0 =	slt.u32 s26, $0x3F80;
	[tilespmem:s24+$0x20] =	vst.add.f32.msk $0xffff, v3  }
0xc5: {  	s29 =	ssub.s32 s29, s30;
	[tilespmem:s24+$0x30] =	vst.add.f32.msk $0xffff, v4  }
0xc6: {  	s25 =	sadd.s32 $0x400, s25;
	s30 =	sshrl.u32 s28, $0x3;
	s29 =	sshra.s32 s29, $0x2;
	[tilespmem:s24+$0x40] =	vst.add.f32.msk $0xffff, v5  }
0xc7: {  	s30 =	sand.u32 $0x380, s30;
	s31 =	sadd.s32 s29, s25;
	[tilespmem:s24+$0x50] =	vst.add.f32.msk $0xffff, v0  }
0xc8: {  	s31 =	sadd.s32 s30, s31;
	[tilespmem:s24+$0x60] =	vst.add.f32.msk $0xffff, v1  }
0xc9: {  	v0 =	vld [tilespmem:s31+$0x30]  }
0xca: {  	v6 =	vld [tilespmem:s31+$0xFFFFFFC0]  }
0xcb: {  	s23 =	sadd.s32 $0x400, s23;
	v2 =	vld [tilespmem:s31+$0xFFFFFFD0]  }
0xcc: {  	s24 =	sadd.s32 s29, s23;
	v3 =	vld [tilespmem:s31+$0xFFFFFFE0]  }
0xcd: {  	s24 =	sadd.s32 s30, s24;
	v4 =	vld [tilespmem:s31+$0xFFFFFFF0]  }
.Ltmp3:
0xce: {  	[tilespmem:s24+$0x70] =	vst.add.f32.msk $0xffff, v0;
	(pc) =	sbr.rel @p0 .LBB2_8-.Ltmp3, $4  }
0xcf: {  	v5 =	vld [tilespmem:s31+$0x0]  }
0xd0: {  	v0 =	vld [tilespmem:s31+$0x10]  }
0xd1: {  	v1 =	vld [tilespmem:s31+$0x20]  }
0xd2: {  	s28 =	sadd.s32 $0x80, s28;
	[tilespmem:s24+$0x0] =	vst.add.f32.msk $0xffff, v6  }
0xd3: {  	[tilespmem:s24+$0x10] =	vst.add.f32.msk $0xffff, v2  }
0xd4: {  	[tilespmem:s24+$0x20] =	vst.add.f32.msk $0xffff, v3  }
0xd5: {  	[tilespmem:s24+$0x30] =	vst.add.f32.msk $0xffff, v4  }
0xd6: {  	[tilespmem:s24+$0x40] =	vst.add.f32.msk $0xffff, v5  }
0xd7: {  	[tilespmem:s24+$0x50] =	vst.add.f32.msk $0xffff, v0  }
0xd8: {  	[tilespmem:s24+$0x60] =	vst.add.f32.msk $0xffff, v1  }
0xd9: {  	s23 =	simm.s32 $0x0;
	s24 =	rddreg [dreg:$0xe]  }
0xda: {  	[hbm4b:s24+s23] =	stream.linear.scatter [tilespmem:s9], [sflag:$0x4], $0x4000, $0x38;
	[tilespmem:$0x1C000] =	vst v63  }
0xdb: {  	_ =	swait.ge [sflag:s21], $0x4000  }
0xdc: {  	s25 =	simm.s32 $0x0;
	s26 =	simm.s32 $0x0;
	[sflag:s21] =	ssyncset.done $0x0  }
0xdd: {  	s30 =	sand.u32 $0xFFFFE000, s23;
	s29 =	rddreg [dreg:$0xf];
	[sflag:s21] =	ssyncadd.s32 $0xFFFFC000  }
0xde: {  	[tilespmem:s13], [sflag:$0x3] =	stream.linear.gather [hbm4b:s29+s23], $0x4000, $0x38;
	[tilespmem:$0x1C000] =	vst v63  }
0xdf: {  	s25 =	sand.u32 $0x380, s25;
	s24 =	sadd.s32 $0x0, s30;
	_ =	swait.ge [sflag:s15], $0x4000  }
0xe0: {  	s31 =	sand.u32 $0xFFFFE000, s26;
	s24 =	sadd.s32 s25, s24;
	[sflag:s15] =	ssyncset.done $0x0  }
0xe1: {  	s24 =	ssub.s32 s24, s31;
	[sflag:s15] =	ssyncadd.s32 $0xFFFFC000  }
0xe2: {  	v0 =	vld [tilespmem:s24+$0x70]  }
0xe3: {  	v5 =	vld [tilespmem:s24+$0x0]  }
0xe4: {  	v6 =	vld [tilespmem:s24+$0x10]  }
0xe5: {  	v4 =	vld [tilespmem:s24+$0x20]  }
0xe6: {  	v2 =	vld [tilespmem:s24+$0x30]  }
0xe7: {  	v3 =	vld [tilespmem:s24+$0x40]  }
0xe8: {  	v1 =	vld [tilespmem:s24+$0x60]  }
0xe9: {  	[tilespmem:s24+$0x14070] =	vst.add.f32.msk $0xffff, v0  }
0xea: {  	v0 =	vld [tilespmem:s24+$0x50]  }
0xeb: {  	[tilespmem:s24+$0x14000] =	vst.add.f32.msk $0xffff, v5  }
0xec: {  	s26 =	simm.s32 $0x80;
	s25 =	simm.s32 $0x0;
	[tilespmem:s24+$0x14010] =	vst.add.f32.msk $0xffff, v6  }
.LBB2_10:
0xed: {  	s28 =	sshll.u32 s26, $0x3;
	[tilespmem:s24+$0x14020] =	vst.add.f32.msk $0xffff, v4;
	s23 =	sadd.s32 $0x400, s23  }
0xee: {  	s29 =	sand.u32 $0xFFFFE000, s26;
	s30 =	sshrl.u32 s26, $0x3;
	s25 =	sadd.s32 $0x80, s25;
	[tilespmem:s24+$0x14030] =	vst.add.f32.msk $0xffff, v2  }
0xef: {  	s29 =	sadd.s32 s29, s23;
	s30 =	sand.u32 $0x380, s30;
	p0 =	slt.u32 s25, $0x3F80;
	[tilespmem:s24+$0x14040] =	vst.add.f32.msk $0xffff, v3  }
0xf0: {  	s28 =	sand.u32 $0xFFFFE000, s28;
	s29 =	sadd.s32 s30, s29;
	[tilespmem:s24+$0x14050] =	vst.add.f32.msk $0xffff, v0  }
0xf1: {  	[tilespmem:s24+$0x14060] =	vst.add.f32.msk $0xffff, v1;
	s24 =	ssub.s32 s29, s28  }
0xf2: {  	v0 =	vld [tilespmem:s24+$0x70]  }
0xf3: {  	v5 =	vld [tilespmem:s24+$0x0]  }
0xf4: {  	v6 =	vld [tilespmem:s24+$0x10]  }
0xf5: {  	v4 =	vld [tilespmem:s24+$0x20]  }
0xf6: {  	v2 =	vld [tilespmem:s24+$0x30]  }
0xf7: {  	[tilespmem:s24+$0x14070] =	vst.add.f32.msk $0xffff, v0  }
.Ltmp4:
0xf8: {  	v3 =	vld [tilespmem:s24+$0x40];
	(pc) =	sbr.rel @p0 .LBB2_10-.Ltmp4, $4  }
0xf9: {  	v0 =	vld [tilespmem:s24+$0x50]  }
0xfa: {  	v1 =	vld [tilespmem:s24+$0x60]  }
0xfb: {  	[tilespmem:s24+$0x14000] =	vst.add.f32.msk $0xffff, v5  }
0xfc: {  	s26 =	sadd.s32 $0x80, s26;
	[tilespmem:s24+$0x14010] =	vst.add.f32.msk $0xffff, v6  }
0xfd: {  	[tilespmem:s24+$0x14020] =	vst.add.f32.msk $0xffff, v4  }
0xfe: {  	[tilespmem:s24+$0x14030] =	vst.add.f32.msk $0xffff, v2  }
0xff: {  	[tilespmem:s24+$0x14040] =	vst.add.f32.msk $0xffff, v3  }
0x100: {  	[tilespmem:s24+$0x14050] =	vst.add.f32.msk $0xffff, v0  }
0x101: {  	[tilespmem:s24+$0x14060] =	vst.add.f32.msk $0xffff, v1  }
0x102: {  	s23 =	simm.s32 $0x0;
	s24 =	rddreg [dreg:$0x10]  }
0x103: {  	[hbm4b:s24+s23] =	stream.linear.scatter [tilespmem:s10], [sflag:$0x5], $0x4000, $0x38;
	[tilespmem:$0x1C000] =	vst v63  }
0x104: {  	_ =	swait.ge [sflag:s16], $0x4000  }
0x105: {  	s29 =	simm.s32 $0x0;
	[sflag:s16] =	ssyncset.done $0x0  }
0x106: {  	s30 =	simm.s32 $0x0;
	s26 =	rddreg [dreg:$0x11];
	[sflag:s16] =	ssyncadd.s32 $0xFFFFC000  }
0x107: {  	[tilespmem:s9], [sflag:$0x1] =	stream.linear.gather [hbm4b:s26+s23], $0x4000, $0x38;
	[tilespmem:$0x1C000] =	vst v63  }
0x108: {  	s24 =	sand.u32 $0xFFFF8000, s30;
	s23 =	sand.u32 $0xFFFF8000, s29  }
0x109: {  	s23 =	ssub.s32 s23, s24  }
0x10a: {  	s31 =	simm.s32 $0x0;
	_ =	swait.ge [sflag:s18], $0x4000;
	s23 =	sshra.s32 s23, $0x2  }
0x10b: {  	s24 =	sand.u32 $0x380, s31;
	[sflag:s18] =	ssyncset.done $0x0;
	s25 =	sadd.s32 $0x4040, s23  }
0x10c: {  	[sflag:s18] =	ssyncadd.s32 $0xFFFFC000;
	s25 =	sadd.s32 s24, s25  }
0x10d: {  	v0 =	vld [tilespmem:s25+$0x30]  }
0x10e: {  	v6 =	vld [tilespmem:s25+$0xFFFFFFC0]  }
0x10f: {  	v2 =	vld [tilespmem:s25+$0xFFFFFFD0]  }
0x110: {  	v3 =	vld [tilespmem:s25+$0xFFFFFFE0]  }
0x111: {  	v4 =	vld [tilespmem:s25+$0xFFFFFFF0]  }
0x112: {  	s23 =	sadd.s32 $0x18000, s23;
	v5 =	vld [tilespmem:s25+$0x0]  }
0x113: {  	s24 =	sadd.s32 s24, s23;
	v1 =	vld [tilespmem:s25+$0x20]  }
0x114: {  	[tilespmem:s24+$0x70] =	vst.add.f32.msk $0xffff, v0  }
0x115: {  	s28 =	simm.s32 $0x80;
	v0 =	vld [tilespmem:s25+$0x10]  }
0x116: {  	s26 =	simm.s32 $0x0;
	s23 =	simm.s32 $0x18000;
	s25 =	simm.s32 $0x4040;
	[tilespmem:s24+$0x0] =	vst.add.f32.msk $0xffff, v6  }
.LBB2_12:
0x117: {  	s29 =	sshll.u32 s28, $0x2;
	s30 =	sshll.u32 s28, $0x5;
	s26 =	sadd.s32 $0x80, s26;
	[tilespmem:s24+$0x10] =	vst.add.f32.msk $0xffff, v2  }
0x118: {  	s29 =	sand.u32 $0xFFFF8000, s29;
	s30 =	sand.u32 $0xFFFF8000, s30;
	p0 =	slt.u32 s26, $0x3F80;
	[tilespmem:s24+$0x20] =	vst.add.f32.msk $0xffff, v3  }
0x119: {  	s29 =	ssub.s32 s29, s30;
	[tilespmem:s24+$0x30] =	vst.add.f32.msk $0xffff, v4  }
0x11a: {  	s25 =	sadd.s32 $0x400, s25;
	s30 =	sshrl.u32 s28, $0x3;
	s29 =	sshra.s32 s29, $0x2;
	[tilespmem:s24+$0x40] =	vst.add.f32.msk $0xffff, v5  }
0x11b: {  	s30 =	sand.u32 $0x380, s30;
	s31 =	sadd.s32 s29, s25;
	[tilespmem:s24+$0x50] =	vst.add.f32.msk $0xffff, v0  }
0x11c: {  	s31 =	sadd.s32 s30, s31;
	[tilespmem:s24+$0x60] =	vst.add.f32.msk $0xffff, v1  }
0x11d: {  	v0 =	vld [tilespmem:s31+$0x30]  }
0x11e: {  	v6 =	vld [tilespmem:s31+$0xFFFFFFC0]  }
0x11f: {  	s23 =	sadd.s32 $0x400, s23;
	v2 =	vld [tilespmem:s31+$0xFFFFFFD0]  }
0x120: {  	s24 =	sadd.s32 s29, s23;
	v3 =	vld [tilespmem:s31+$0xFFFFFFE0]  }
0x121: {  	s24 =	sadd.s32 s30, s24;
	v4 =	vld [tilespmem:s31+$0xFFFFFFF0]  }
.Ltmp5:
0x122: {  	[tilespmem:s24+$0x70] =	vst.add.f32.msk $0xffff, v0;
	(pc) =	sbr.rel @p0 .LBB2_12-.Ltmp5, $4  }
0x123: {  	v5 =	vld [tilespmem:s31+$0x0]  }
0x124: {  	v0 =	vld [tilespmem:s31+$0x10]  }
0x125: {  	v1 =	vld [tilespmem:s31+$0x20]  }
0x126: {  	s28 =	sadd.s32 $0x80, s28;
	[tilespmem:s24+$0x0] =	vst.add.f32.msk $0xffff, v6  }
0x127: {  	[tilespmem:s24+$0x10] =	vst.add.f32.msk $0xffff, v2  }
0x128: {  	[tilespmem:s24+$0x20] =	vst.add.f32.msk $0xffff, v3  }
0x129: {  	[tilespmem:s24+$0x30] =	vst.add.f32.msk $0xffff, v4  }
0x12a: {  	[tilespmem:s24+$0x40] =	vst.add.f32.msk $0xffff, v5  }
0x12b: {  	[tilespmem:s24+$0x50] =	vst.add.f32.msk $0xffff, v0  }
0x12c: {  	[tilespmem:s24+$0x60] =	vst.add.f32.msk $0xffff, v1  }
0x12d: {  	s23 =	simm.s32 $0x0;
	s24 =	rddreg [dreg:$0x12]  }
0x12e: {  	[hbm4b:s24+s23] =	stream.linear.scatter [tilespmem:s13], [sflag:$0x6], $0x4000, $0x38;
	[tilespmem:$0x1C000] =	vst v63  }
0x12f: {  	_ =	swait.ge [sflag:s19], $0x4000  }
0x130: {  	s29 =	simm.s32 $0x0;
	[sflag:s19] =	ssyncset.done $0x0  }
0x131: {  	s30 =	simm.s32 $0x0;
	s26 =	rddreg [dreg:$0x13];
	[sflag:s19] =	ssyncadd.s32 $0xFFFFC000  }
0x132: {  	[tilespmem:s10], [sflag:$0x2] =	stream.linear.gather [hbm4b:s26+s23], $0x4000, $0x38;
	[tilespmem:$0x1C000] =	vst v63  }
0x133: {  	s24 =	sand.u32 $0xFFFF8000, s30;
	s23 =	sand.u32 $0xFFFF8000, s29  }
0x134: {  	s23 =	ssub.s32 s23, s24  }
0x135: {  	s31 =	simm.s32 $0x0;
	_ =	swait.ge [sflag:s12], $0x4000;
	s23 =	sshra.s32 s23, $0x2  }
0x136: {  	s24 =	sand.u32 $0x380, s31;
	[sflag:s12] =	ssyncset.done $0x0;
	s25 =	sadd.s32 $0x8040, s23  }
0x137: {  	[sflag:s12] =	ssyncadd.s32 $0xFFFFC000;
	s25 =	sadd.s32 s24, s25  }
0x138: {  	v0 =	vld [tilespmem:s25+$0x30]  }
0x139: {  	v6 =	vld [tilespmem:s25+$0xFFFFFFC0]  }
0x13a: {  	v2 =	vld [tilespmem:s25+$0xFFFFFFD0]  }
0x13b: {  	v3 =	vld [tilespmem:s25+$0xFFFFFFE0]  }
0x13c: {  	v4 =	vld [tilespmem:s25+$0xFFFFFFF0]  }
0x13d: {  	s23 =	sadd.s32 $0x10000, s23;
	v5 =	vld [tilespmem:s25+$0x0]  }
0x13e: {  	s24 =	sadd.s32 s24, s23;
	v1 =	vld [tilespmem:s25+$0x20]  }
0x13f: {  	[tilespmem:s24+$0x70] =	vst.add.f32.msk $0xffff, v0  }
0x140: {  	s28 =	simm.s32 $0x80;
	v0 =	vld [tilespmem:s25+$0x10]  }
0x141: {  	s26 =	simm.s32 $0x0;
	s23 =	simm.s32 $0x10000;
	s25 =	simm.s32 $0x8040;
	[tilespmem:s24+$0x0] =	vst.add.f32.msk $0xffff, v6  }
.LBB2_14:
0x142: {  	s29 =	sshll.u32 s28, $0x2;
	s30 =	sshll.u32 s28, $0x5;
	s26 =	sadd.s32 $0x80, s26;
	[tilespmem:s24+$0x10] =	vst.add.f32.msk $0xffff, v2  }
0x143: {  	s29 =	sand.u32 $0xFFFF8000, s29;
	s30 =	sand.u32 $0xFFFF8000, s30;
	p0 =	slt.u32 s26, $0x3F80;
	[tilespmem:s24+$0x20] =	vst.add.f32.msk $0xffff, v3  }
0x144: {  	s29 =	ssub.s32 s29, s30;
	[tilespmem:s24+$0x30] =	vst.add.f32.msk $0xffff, v4  }
0x145: {  	s25 =	sadd.s32 $0x400, s25;
	s30 =	sshrl.u32 s28, $0x3;
	s29 =	sshra.s32 s29, $0x2;
	[tilespmem:s24+$0x40] =	vst.add.f32.msk $0xffff, v5  }
0x146: {  	s30 =	sand.u32 $0x380, s30;
	s31 =	sadd.s32 s29, s25;
	[tilespmem:s24+$0x50] =	vst.add.f32.msk $0xffff, v0  }
0x147: {  	s31 =	sadd.s32 s30, s31;
	[tilespmem:s24+$0x60] =	vst.add.f32.msk $0xffff, v1  }
0x148: {  	v0 =	vld [tilespmem:s31+$0x30]  }
0x149: {  	v6 =	vld [tilespmem:s31+$0xFFFFFFC0]  }
0x14a: {  	s23 =	sadd.s32 $0x400, s23;
	v2 =	vld [tilespmem:s31+$0xFFFFFFD0]  }
0x14b: {  	s24 =	sadd.s32 s29, s23;
	v3 =	vld [tilespmem:s31+$0xFFFFFFE0]  }
0x14c: {  	s24 =	sadd.s32 s30, s24;
	v4 =	vld [tilespmem:s31+$0xFFFFFFF0]  }
.Ltmp6:
0x14d: {  	[tilespmem:s24+$0x70] =	vst.add.f32.msk $0xffff, v0;
	(pc) =	sbr.rel @p0 .LBB2_14-.Ltmp6, $4  }
0x14e: {  	v5 =	vld [tilespmem:s31+$0x0]  }
0x14f: {  	v0 =	vld [tilespmem:s31+$0x10]  }
0x150: {  	v1 =	vld [tilespmem:s31+$0x20]  }
0x151: {  	s28 =	sadd.s32 $0x80, s28;
	[tilespmem:s24+$0x0] =	vst.add.f32.msk $0xffff, v6  }
0x152: {  	[tilespmem:s24+$0x10] =	vst.add.f32.msk $0xffff, v2  }
0x153: {  	[tilespmem:s24+$0x20] =	vst.add.f32.msk $0xffff, v3  }
0x154: {  	[tilespmem:s24+$0x30] =	vst.add.f32.msk $0xffff, v4  }
0x155: {  	[tilespmem:s24+$0x40] =	vst.add.f32.msk $0xffff, v5  }
0x156: {  	[tilespmem:s24+$0x50] =	vst.add.f32.msk $0xffff, v0  }
0x157: {  	[tilespmem:s24+$0x60] =	vst.add.f32.msk $0xffff, v1  }
0x158: {  	s23 =	simm.s32 $0x0;
	s24 =	rddreg [dreg:$0x14]  }
0x159: {  	[hbm4b:s24+s23] =	stream.linear.scatter [tilespmem:s9], [sflag:$0x4], $0x4000, $0x38;
	[tilespmem:$0x1C000] =	vst v63  }
0x15a: {  	_ =	swait.ge [sflag:s21], $0x4000  }
0x15b: {  	s29 =	simm.s32 $0x0;
	[sflag:s21] =	ssyncset.done $0x0  }
0x15c: {  	s30 =	simm.s32 $0x0;
	s26 =	rddreg [dreg:$0x15];
	[sflag:s21] =	ssyncadd.s32 $0xFFFFC000  }
0x15d: {  	[tilespmem:s13], [sflag:$0x3] =	stream.linear.gather [hbm4b:s26+s23], $0x4000, $0x38;
	[tilespmem:$0x1C000] =	vst v63  }
0x15e: {  	s24 =	sand.u32 $0xFFFF8000, s30;
	s23 =	sand.u32 $0xFFFF8000, s29  }
0x15f: {  	s23 =	ssub.s32 s23, s24  }
0x160: {  	s31 =	simm.s32 $0x0;
	_ =	swait.ge [sflag:s15], $0x4000;
	s23 =	sshra.s32 s23, $0x2  }
0x161: {  	s24 =	sand.u32 $0x380, s31;
	[sflag:s15] =	ssyncset.done $0x0;
	s25 =	sadd.s32 $0xC040, s23  }
0x162: {  	[sflag:s15] =	ssyncadd.s32 $0xFFFFC000;
	s25 =	sadd.s32 s24, s25  }
0x163: {  	v0 =	vld [tilespmem:s25+$0x30]  }
0x164: {  	v6 =	vld [tilespmem:s25+$0xFFFFFFC0]  }
0x165: {  	v2 =	vld [tilespmem:s25+$0xFFFFFFD0]  }
0x166: {  	v3 =	vld [tilespmem:s25+$0xFFFFFFE0]  }
0x167: {  	v4 =	vld [tilespmem:s25+$0xFFFFFFF0]  }
0x168: {  	s23 =	sadd.s32 $0x14000, s23;
	v5 =	vld [tilespmem:s25+$0x0]  }
0x169: {  	s24 =	sadd.s32 s24, s23;
	v1 =	vld [tilespmem:s25+$0x20]  }
0x16a: {  	[tilespmem:s24+$0x70] =	vst.add.f32.msk $0xffff, v0  }
0x16b: {  	s28 =	simm.s32 $0x80;
	v0 =	vld [tilespmem:s25+$0x10]  }
0x16c: {  	s26 =	simm.s32 $0x0;
	s23 =	simm.s32 $0x14000;
	s25 =	simm.s32 $0xC040;
	[tilespmem:s24+$0x0] =	vst.add.f32.msk $0xffff, v6  }
.LBB2_16:
0x16d: {  	s29 =	sshll.u32 s28, $0x2;
	s30 =	sshll.u32 s28, $0x5;
	s26 =	sadd.s32 $0x80, s26;
	[tilespmem:s24+$0x10] =	vst.add.f32.msk $0xffff, v2  }
0x16e: {  	s29 =	sand.u32 $0xFFFF8000, s29;
	s30 =	sand.u32 $0xFFFF8000, s30;
	p0 =	slt.u32 s26, $0x3F80;
	[tilespmem:s24+$0x20] =	vst.add.f32.msk $0xffff, v3  }
0x16f: {  	s29 =	ssub.s32 s29, s30;
	[tilespmem:s24+$0x30] =	vst.add.f32.msk $0xffff, v4  }
0x170: {  	s25 =	sadd.s32 $0x400, s25;
	s30 =	sshrl.u32 s28, $0x3;
	s29 =	sshra.s32 s29, $0x2;
	[tilespmem:s24+$0x40] =	vst.add.f32.msk $0xffff, v5  }
0x171: {  	s30 =	sand.u32 $0x380, s30;
	s31 =	sadd.s32 s29, s25;
	[tilespmem:s24+$0x50] =	vst.add.f32.msk $0xffff, v0  }
0x172: {  	s31 =	sadd.s32 s30, s31;
	[tilespmem:s24+$0x60] =	vst.add.f32.msk $0xffff, v1  }
0x173: {  	v0 =	vld [tilespmem:s31+$0x30]  }
0x174: {  	v6 =	vld [tilespmem:s31+$0xFFFFFFC0]  }
0x175: {  	s23 =	sadd.s32 $0x400, s23;
	v2 =	vld [tilespmem:s31+$0xFFFFFFD0]  }
0x176: {  	s24 =	sadd.s32 s29, s23;
	v3 =	vld [tilespmem:s31+$0xFFFFFFE0]  }
0x177: {  	s24 =	sadd.s32 s30, s24;
	v4 =	vld [tilespmem:s31+$0xFFFFFFF0]  }
.Ltmp7:
0x178: {  	[tilespmem:s24+$0x70] =	vst.add.f32.msk $0xffff, v0;
	(pc) =	sbr.rel @p0 .LBB2_16-.Ltmp7, $4  }
0x179: {  	v5 =	vld [tilespmem:s31+$0x0]  }
0x17a: {  	v0 =	vld [tilespmem:s31+$0x10]  }
0x17b: {  	v1 =	vld [tilespmem:s31+$0x20]  }
0x17c: {  	s28 =	sadd.s32 $0x80, s28;
	[tilespmem:s24+$0x0] =	vst.add.f32.msk $0xffff, v6  }
0x17d: {  	[tilespmem:s24+$0x10] =	vst.add.f32.msk $0xffff, v2  }
0x17e: {  	[tilespmem:s24+$0x20] =	vst.add.f32.msk $0xffff, v3  }
0x17f: {  	[tilespmem:s24+$0x30] =	vst.add.f32.msk $0xffff, v4  }
0x180: {  	[tilespmem:s24+$0x40] =	vst.add.f32.msk $0xffff, v5  }
0x181: {  	[tilespmem:s24+$0x50] =	vst.add.f32.msk $0xffff, v0  }
0x182: {  	[tilespmem:s24+$0x60] =	vst.add.f32.msk $0xffff, v1  }
0x183: {  	s23 =	simm.s32 $0x0;
	s24 =	rddreg [dreg:$0x16]  }
0x184: {  	[hbm4b:s24+s23] =	stream.linear.scatter [tilespmem:s10], [sflag:$0x5], $0x4000, $0x38;
	[tilespmem:$0x1C000] =	vst v63  }
0x185: {  	_ =	swait.ge [sflag:s16], $0x4000  }
0x186: {  	s25 =	simm.s32 $0x0;
	s26 =	simm.s32 $0x0;
	[sflag:s16] =	ssyncset.done $0x0  }
0x187: {  	s30 =	sand.u32 $0xFFFFE000, s23;
	s29 =	rddreg [dreg:$0x18];
	[sflag:s16] =	ssyncadd.s32 $0xFFFFC000  }
0x188: {  	[tilespmem:s9], [sflag:$0x1] =	stream.linear.gather [hbm4b:s29+s23], $0x4000, $0x38;
	[tilespmem:$0x1C000] =	vst v63  }
0x189: {  	s25 =	sand.u32 $0x380, s25;
	s24 =	sadd.s32 $0x0, s30;
	_ =	swait.ge [sflag:s18], $0x4000  }
0x18a: {  	s31 =	sand.u32 $0xFFFFE000, s26;
	s24 =	sadd.s32 s25, s24;
	[sflag:s18] =	ssyncset.done $0x0  }
0x18b: {  	s24 =	ssub.s32 s24, s31;
	[sflag:s18] =	ssyncadd.s32 $0xFFFFC000  }
0x18c: {  	v0 =	vld [tilespmem:s24+$0x70]  }
0x18d: {  	v5 =	vld [tilespmem:s24+$0x0]  }
0x18e: {  	v6 =	vld [tilespmem:s24+$0x10]  }
0x18f: {  	v4 =	vld [tilespmem:s24+$0x20]  }
0x190: {  	v2 =	vld [tilespmem:s24+$0x30]  }
0x191: {  	v3 =	vld [tilespmem:s24+$0x40]  }
0x192: {  	v1 =	vld [tilespmem:s24+$0x60]  }
0x193: {  	[tilespmem:s24+$0x18070] =	vst.add.f32.msk $0xffff, v0  }
0x194: {  	v0 =	vld [tilespmem:s24+$0x50]  }
0x195: {  	[tilespmem:s24+$0x18000] =	vst.add.f32.msk $0xffff, v5  }
0x196: {  	s26 =	simm.s32 $0x80;
	s25 =	simm.s32 $0x0;
	[tilespmem:s24+$0x18010] =	vst.add.f32.msk $0xffff, v6  }
.LBB2_18:
0x197: {  	s28 =	sshll.u32 s26, $0x3;
	[tilespmem:s24+$0x18020] =	vst.add.f32.msk $0xffff, v4;
	s23 =	sadd.s32 $0x400, s23  }
0x198: {  	s29 =	sand.u32 $0xFFFFE000, s26;
	s30 =	sshrl.u32 s26, $0x3;
	s25 =	sadd.s32 $0x80, s25;
	[tilespmem:s24+$0x18030] =	vst.add.f32.msk $0xffff, v2  }
0x199: {  	s29 =	sadd.s32 s29, s23;
	s30 =	sand.u32 $0x380, s30;
	p0 =	slt.u32 s25, $0x3F80;
	[tilespmem:s24+$0x18040] =	vst.add.f32.msk $0xffff, v3  }
0x19a: {  	s28 =	sand.u32 $0xFFFFE000, s28;
	s29 =	sadd.s32 s30, s29;
	[tilespmem:s24+$0x18050] =	vst.add.f32.msk $0xffff, v0  }
0x19b: {  	[tilespmem:s24+$0x18060] =	vst.add.f32.msk $0xffff, v1;
	s24 =	ssub.s32 s29, s28  }
0x19c: {  	v0 =	vld [tilespmem:s24+$0x70]  }
0x19d: {  	v5 =	vld [tilespmem:s24+$0x0]  }
0x19e: {  	v6 =	vld [tilespmem:s24+$0x10]  }
0x19f: {  	v4 =	vld [tilespmem:s24+$0x20]  }
0x1a0: {  	v2 =	vld [tilespmem:s24+$0x30]  }
0x1a1: {  	[tilespmem:s24+$0x18070] =	vst.add.f32.msk $0xffff, v0  }
.Ltmp8:
0x1a2: {  	v3 =	vld [tilespmem:s24+$0x40];
	(pc) =	sbr.rel @p0 .LBB2_18-.Ltmp8, $4  }
0x1a3: {  	v0 =	vld [tilespmem:s24+$0x50]  }
0x1a4: {  	v1 =	vld [tilespmem:s24+$0x60]  }
0x1a5: {  	[tilespmem:s24+$0x18000] =	vst.add.f32.msk $0xffff, v5  }
0x1a6: {  	s26 =	sadd.s32 $0x80, s26;
	[tilespmem:s24+$0x18010] =	vst.add.f32.msk $0xffff, v6  }
0x1a7: {  	[tilespmem:s24+$0x18020] =	vst.add.f32.msk $0xffff, v4  }
0x1a8: {  	[tilespmem:s24+$0x18030] =	vst.add.f32.msk $0xffff, v2  }
0x1a9: {  	[tilespmem:s24+$0x18040] =	vst.add.f32.msk $0xffff, v3  }
0x1aa: {  	[tilespmem:s24+$0x18050] =	vst.add.f32.msk $0xffff, v0  }
0x1ab: {  	[tilespmem:s24+$0x18060] =	vst.add.f32.msk $0xffff, v1  }
0x1ac: {  	s23 =	simm.s32 $0x0;
	s24 =	rddreg [dreg:$0x17]  }
0x1ad: {  	[hbm4b:s24+s23] =	stream.linear.scatter [tilespmem:s13], [sflag:$0x6], $0x4000, $0x38;
	[tilespmem:$0x1C000] =	vst v63  }
0x1ae: {  	_ =	swait.ge [sflag:s19], $0x4000  }
0x1af: {  	s29 =	simm.s32 $0x0;
	[sflag:s19] =	ssyncset.done $0x0  }
0x1b0: {  	s30 =	simm.s32 $0x0;
	s26 =	rddreg [dreg:$0x1a];
	[sflag:s19] =	ssyncadd.s32 $0xFFFFC000  }
0x1b1: {  	[tilespmem:s10], [sflag:$0x2] =	stream.linear.gather [hbm4b:s26+s23], $0x4000, $0x38;
	[tilespmem:$0x1C000] =	vst v63  }
0x1b2: {  	s24 =	sand.u32 $0xFFFF8000, s30;
	s23 =	sand.u32 $0xFFFF8000, s29  }
0x1b3: {  	s23 =	ssub.s32 s23, s24  }
0x1b4: {  	s31 =	simm.s32 $0x0;
	_ =	swait.ge [sflag:s12], $0x4000;
	s23 =	sshra.s32 s23, $0x2  }
0x1b5: {  	s24 =	sand.u32 $0x380, s31;
	[sflag:s12] =	ssyncset.done $0x0;
	s25 =	sadd.s32 $0x4040, s23  }
0x1b6: {  	[sflag:s12] =	ssyncadd.s32 $0xFFFFC000;
	s25 =	sadd.s32 s24, s25  }
0x1b7: {  	v0 =	vld [tilespmem:s25+$0x30]  }
0x1b8: {  	v6 =	vld [tilespmem:s25+$0xFFFFFFC0]  }
0x1b9: {  	v2 =	vld [tilespmem:s25+$0xFFFFFFD0]  }
0x1ba: {  	v3 =	vld [tilespmem:s25+$0xFFFFFFE0]  }
0x1bb: {  	v4 =	vld [tilespmem:s25+$0xFFFFFFF0]  }
0x1bc: {  	s23 =	sadd.s32 $0x10000, s23;
	v5 =	vld [tilespmem:s25+$0x0]  }
0x1bd: {  	s24 =	sadd.s32 s24, s23;
	v1 =	vld [tilespmem:s25+$0x20]  }
0x1be: {  	[tilespmem:s24+$0x70] =	vst.add.f32.msk $0xffff, v0  }
0x1bf: {  	s28 =	simm.s32 $0x80;
	v0 =	vld [tilespmem:s25+$0x10]  }
0x1c0: {  	s26 =	simm.s32 $0x0;
	s23 =	simm.s32 $0x10000;
	s25 =	simm.s32 $0x4040;
	[tilespmem:s24+$0x0] =	vst.add.f32.msk $0xffff, v6  }
.LBB2_20:
0x1c1: {  	s29 =	sshll.u32 s28, $0x2;
	s30 =	sshll.u32 s28, $0x5;
	s26 =	sadd.s32 $0x80, s26;
	[tilespmem:s24+$0x10] =	vst.add.f32.msk $0xffff, v2  }
0x1c2: {  	s29 =	sand.u32 $0xFFFF8000, s29;
	s30 =	sand.u32 $0xFFFF8000, s30;
	p0 =	slt.u32 s26, $0x3F80;
	[tilespmem:s24+$0x20] =	vst.add.f32.msk $0xffff, v3  }
0x1c3: {  	s29 =	ssub.s32 s29, s30;
	[tilespmem:s24+$0x30] =	vst.add.f32.msk $0xffff, v4  }
0x1c4: {  	s25 =	sadd.s32 $0x400, s25;
	s30 =	sshrl.u32 s28, $0x3;
	s29 =	sshra.s32 s29, $0x2;
	[tilespmem:s24+$0x40] =	vst.add.f32.msk $0xffff, v5  }
0x1c5: {  	s30 =	sand.u32 $0x380, s30;
	s31 =	sadd.s32 s29, s25;
	[tilespmem:s24+$0x50] =	vst.add.f32.msk $0xffff, v0  }
0x1c6: {  	s31 =	sadd.s32 s30, s31;
	[tilespmem:s24+$0x60] =	vst.add.f32.msk $0xffff, v1  }
0x1c7: {  	v0 =	vld [tilespmem:s31+$0x30]  }
0x1c8: {  	v6 =	vld [tilespmem:s31+$0xFFFFFFC0]  }
0x1c9: {  	s23 =	sadd.s32 $0x400, s23;
	v2 =	vld [tilespmem:s31+$0xFFFFFFD0]  }
0x1ca: {  	s24 =	sadd.s32 s29, s23;
	v3 =	vld [tilespmem:s31+$0xFFFFFFE0]  }
0x1cb: {  	s24 =	sadd.s32 s30, s24;
	v4 =	vld [tilespmem:s31+$0xFFFFFFF0]  }
.Ltmp9:
0x1cc: {  	[tilespmem:s24+$0x70] =	vst.add.f32.msk $0xffff, v0;
	(pc) =	sbr.rel @p0 .LBB2_20-.Ltmp9, $4  }
0x1cd: {  	v5 =	vld [tilespmem:s31+$0x0]  }
0x1ce: {  	v0 =	vld [tilespmem:s31+$0x10]  }
0x1cf: {  	v1 =	vld [tilespmem:s31+$0x20]  }
0x1d0: {  	s28 =	sadd.s32 $0x80, s28;
	[tilespmem:s24+$0x0] =	vst.add.f32.msk $0xffff, v6  }
0x1d1: {  	[tilespmem:s24+$0x10] =	vst.add.f32.msk $0xffff, v2  }
0x1d2: {  	[tilespmem:s24+$0x20] =	vst.add.f32.msk $0xffff, v3  }
0x1d3: {  	[tilespmem:s24+$0x30] =	vst.add.f32.msk $0xffff, v4  }
0x1d4: {  	[tilespmem:s24+$0x40] =	vst.add.f32.msk $0xffff, v5  }
0x1d5: {  	[tilespmem:s24+$0x50] =	vst.add.f32.msk $0xffff, v0  }
0x1d6: {  	[tilespmem:s24+$0x60] =	vst.add.f32.msk $0xffff, v1  }
0x1d7: {  	s23 =	simm.s32 $0x0;
	s24 =	rddreg [dreg:$0x19]  }
0x1d8: {  	[hbm4b:s24+s23] =	stream.linear.scatter [tilespmem:s9], [sflag:$0x4], $0x4000, $0x38;
	[tilespmem:$0x1C000] =	vst v63  }
0x1d9: {  	_ =	swait.ge [sflag:s21], $0x4000  }
0x1da: {  	s29 =	simm.s32 $0x0;
	[sflag:s21] =	ssyncset.done $0x0  }
0x1db: {  	s30 =	simm.s32 $0x0;
	s26 =	rddreg [dreg:$0x1c];
	[sflag:s21] =	ssyncadd.s32 $0xFFFFC000  }
0x1dc: {  	[tilespmem:s13], [sflag:$0x3] =	stream.linear.gather [hbm4b:s26+s23], $0x4000, $0x38;
	[tilespmem:$0x1C000] =	vst v63  }
0x1dd: {  	s24 =	sand.u32 $0xFFFF8000, s30;
	s23 =	sand.u32 $0xFFFF8000, s29  }
0x1de: {  	s23 =	ssub.s32 s23, s24  }
0x1df: {  	s31 =	simm.s32 $0x0;
	_ =	swait.ge [sflag:s15], $0x4000;
	s23 =	sshra.s32 s23, $0x2  }
0x1e0: {  	s24 =	sand.u32 $0x380, s31;
	[sflag:s15] =	ssyncset.done $0x0;
	s25 =	sadd.s32 $0x8040, s23  }
0x1e1: {  	[sflag:s15] =	ssyncadd.s32 $0xFFFFC000;
	s25 =	sadd.s32 s24, s25  }
0x1e2: {  	v0 =	vld [tilespmem:s25+$0x30]  }
0x1e3: {  	v6 =	vld [tilespmem:s25+$0xFFFFFFC0]  }
0x1e4: {  	v2 =	vld [tilespmem:s25+$0xFFFFFFD0]  }
0x1e5: {  	v3 =	vld [tilespmem:s25+$0xFFFFFFE0]  }
0x1e6: {  	v4 =	vld [tilespmem:s25+$0xFFFFFFF0]  }
0x1e7: {  	s23 =	sadd.s32 $0x14000, s23;
	v5 =	vld [tilespmem:s25+$0x0]  }
0x1e8: {  	s24 =	sadd.s32 s24, s23;
	v1 =	vld [tilespmem:s25+$0x20]  }
0x1e9: {  	[tilespmem:s24+$0x70] =	vst.add.f32.msk $0xffff, v0  }
0x1ea: {  	s28 =	simm.s32 $0x80;
	v0 =	vld [tilespmem:s25+$0x10]  }
0x1eb: {  	s26 =	simm.s32 $0x0;
	s23 =	simm.s32 $0x14000;
	s25 =	simm.s32 $0x8040;
	[tilespmem:s24+$0x0] =	vst.add.f32.msk $0xffff, v6  }
.LBB2_22:
0x1ec: {  	s29 =	sshll.u32 s28, $0x2;
	s30 =	sshll.u32 s28, $0x5;
	s26 =	sadd.s32 $0x80, s26;
	[tilespmem:s24+$0x10] =	vst.add.f32.msk $0xffff, v2  }
0x1ed: {  	s29 =	sand.u32 $0xFFFF8000, s29;
	s30 =	sand.u32 $0xFFFF8000, s30;
	p0 =	slt.u32 s26, $0x3F80;
	[tilespmem:s24+$0x20] =	vst.add.f32.msk $0xffff, v3  }
0x1ee: {  	s29 =	ssub.s32 s29, s30;
	[tilespmem:s24+$0x30] =	vst.add.f32.msk $0xffff, v4  }
0x1ef: {  	s25 =	sadd.s32 $0x400, s25;
	s30 =	sshrl.u32 s28, $0x3;
	s29 =	sshra.s32 s29, $0x2;
	[tilespmem:s24+$0x40] =	vst.add.f32.msk $0xffff, v5  }
0x1f0: {  	s30 =	sand.u32 $0x380, s30;
	s31 =	sadd.s32 s29, s25;
	[tilespmem:s24+$0x50] =	vst.add.f32.msk $0xffff, v0  }
0x1f1: {  	s31 =	sadd.s32 s30, s31;
	[tilespmem:s24+$0x60] =	vst.add.f32.msk $0xffff, v1  }
0x1f2: {  	v0 =	vld [tilespmem:s31+$0x30]  }
0x1f3: {  	v6 =	vld [tilespmem:s31+$0xFFFFFFC0]  }
0x1f4: {  	s23 =	sadd.s32 $0x400, s23;
	v2 =	vld [tilespmem:s31+$0xFFFFFFD0]  }
0x1f5: {  	s24 =	sadd.s32 s29, s23;
	v3 =	vld [tilespmem:s31+$0xFFFFFFE0]  }
0x1f6: {  	s24 =	sadd.s32 s30, s24;
	v4 =	vld [tilespmem:s31+$0xFFFFFFF0]  }
.Ltmp10:
0x1f7: {  	[tilespmem:s24+$0x70] =	vst.add.f32.msk $0xffff, v0;
	(pc) =	sbr.rel @p0 .LBB2_22-.Ltmp10, $4  }
0x1f8: {  	v5 =	vld [tilespmem:s31+$0x0]  }
0x1f9: {  	v0 =	vld [tilespmem:s31+$0x10]  }
0x1fa: {  	v1 =	vld [tilespmem:s31+$0x20]  }
0x1fb: {  	s28 =	sadd.s32 $0x80, s28;
	[tilespmem:s24+$0x0] =	vst.add.f32.msk $0xffff, v6  }
0x1fc: {  	[tilespmem:s24+$0x10] =	vst.add.f32.msk $0xffff, v2  }
0x1fd: {  	[tilespmem:s24+$0x20] =	vst.add.f32.msk $0xffff, v3  }
0x1fe: {  	[tilespmem:s24+$0x30] =	vst.add.f32.msk $0xffff, v4  }
0x1ff: {  	[tilespmem:s24+$0x40] =	vst.add.f32.msk $0xffff, v5  }
0x200: {  	[tilespmem:s24+$0x50] =	vst.add.f32.msk $0xffff, v0  }
0x201: {  	[tilespmem:s24+$0x60] =	vst.add.f32.msk $0xffff, v1  }
0x202: {  	s23 =	simm.s32 $0x0;
	s24 =	rddreg [dreg:$0x1b]  }
0x203: {  	[hbm4b:s24+s23] =	stream.linear.scatter [tilespmem:s10], [sflag:$0x5], $0x4000, $0x38;
	[tilespmem:$0x1C000] =	vst v63  }
0x204: {  	_ =	swait.ge [sflag:s16], $0x4000  }
0x205: {  	s29 =	simm.s32 $0x0;
	[sflag:s16] =	ssyncset.done $0x0  }
0x206: {  	s30 =	simm.s32 $0x0;
	s26 =	rddreg [dreg:$0x1e];
	[sflag:s16] =	ssyncadd.s32 $0xFFFFC000  }
0x207: {  	[tilespmem:s9], [sflag:$0x1] =	stream.linear.gather [hbm4b:s26+s23], $0x4000, $0x38;
	[tilespmem:$0x1C000] =	vst v63  }
0x208: {  	s24 =	sand.u32 $0xFFFF8000, s30;
	s23 =	sand.u32 $0xFFFF8000, s29  }
0x209: {  	s23 =	ssub.s32 s23, s24  }
0x20a: {  	s31 =	simm.s32 $0x0;
	_ =	swait.ge [sflag:s18], $0x4000;
	s23 =	sshra.s32 s23, $0x2  }
0x20b: {  	s24 =	sand.u32 $0x380, s31;
	[sflag:s18] =	ssyncset.done $0x0;
	s25 =	sadd.s32 $0xC040, s23  }
0x20c: {  	[sflag:s18] =	ssyncadd.s32 $0xFFFFC000;
	s25 =	sadd.s32 s24, s25  }
0x20d: {  	v0 =	vld [tilespmem:s25+$0x30]  }
0x20e: {  	v6 =	vld [tilespmem:s25+$0xFFFFFFC0]  }
0x20f: {  	v2 =	vld [tilespmem:s25+$0xFFFFFFD0]  }
0x210: {  	v3 =	vld [tilespmem:s25+$0xFFFFFFE0]  }
0x211: {  	v4 =	vld [tilespmem:s25+$0xFFFFFFF0]  }
0x212: {  	s23 =	sadd.s32 $0x18000, s23;
	v5 =	vld [tilespmem:s25+$0x0]  }
0x213: {  	s24 =	sadd.s32 s24, s23;
	v1 =	vld [tilespmem:s25+$0x20]  }
0x214: {  	[tilespmem:s24+$0x70] =	vst.add.f32.msk $0xffff, v0  }
0x215: {  	s28 =	simm.s32 $0x80;
	v0 =	vld [tilespmem:s25+$0x10]  }
0x216: {  	s26 =	simm.s32 $0x0;
	s23 =	simm.s32 $0x18000;
	s25 =	simm.s32 $0xC040;
	[tilespmem:s24+$0x0] =	vst.add.f32.msk $0xffff, v6  }
.LBB2_24:
0x217: {  	s29 =	sshll.u32 s28, $0x2;
	s30 =	sshll.u32 s28, $0x5;
	s26 =	sadd.s32 $0x80, s26;
	[tilespmem:s24+$0x10] =	vst.add.f32.msk $0xffff, v2  }
0x218: {  	s29 =	sand.u32 $0xFFFF8000, s29;
	s30 =	sand.u32 $0xFFFF8000, s30;
	p0 =	slt.u32 s26, $0x3F80;
	[tilespmem:s24+$0x20] =	vst.add.f32.msk $0xffff, v3  }
0x219: {  	s29 =	ssub.s32 s29, s30;
	[tilespmem:s24+$0x30] =	vst.add.f32.msk $0xffff, v4  }
0x21a: {  	s25 =	sadd.s32 $0x400, s25;
	s30 =	sshrl.u32 s28, $0x3;
	s29 =	sshra.s32 s29, $0x2;
	[tilespmem:s24+$0x40] =	vst.add.f32.msk $0xffff, v5  }
0x21b: {  	s30 =	sand.u32 $0x380, s30;
	s31 =	sadd.s32 s29, s25;
	[tilespmem:s24+$0x50] =	vst.add.f32.msk $0xffff, v0  }
0x21c: {  	s31 =	sadd.s32 s30, s31;
	[tilespmem:s24+$0x60] =	vst.add.f32.msk $0xffff, v1  }
0x21d: {  	v0 =	vld [tilespmem:s31+$0x30]  }
0x21e: {  	v6 =	vld [tilespmem:s31+$0xFFFFFFC0]  }
0x21f: {  	s23 =	sadd.s32 $0x400, s23;
	v2 =	vld [tilespmem:s31+$0xFFFFFFD0]  }
0x220: {  	s24 =	sadd.s32 s29, s23;
	v3 =	vld [tilespmem:s31+$0xFFFFFFE0]  }
0x221: {  	s24 =	sadd.s32 s30, s24;
	v4 =	vld [tilespmem:s31+$0xFFFFFFF0]  }
.Ltmp11:
0x222: {  	[tilespmem:s24+$0x70] =	vst.add.f32.msk $0xffff, v0;
	(pc) =	sbr.rel @p0 .LBB2_24-.Ltmp11, $4  }
0x223: {  	v5 =	vld [tilespmem:s31+$0x0]  }
0x224: {  	v0 =	vld [tilespmem:s31+$0x10]  }
0x225: {  	v1 =	vld [tilespmem:s31+$0x20]  }
0x226: {  	s28 =	sadd.s32 $0x80, s28;
	[tilespmem:s24+$0x0] =	vst.add.f32.msk $0xffff, v6  }
0x227: {  	[tilespmem:s24+$0x10] =	vst.add.f32.msk $0xffff, v2  }
0x228: {  	[tilespmem:s24+$0x20] =	vst.add.f32.msk $0xffff, v3  }
0x229: {  	[tilespmem:s24+$0x30] =	vst.add.f32.msk $0xffff, v4  }
0x22a: {  	[tilespmem:s24+$0x40] =	vst.add.f32.msk $0xffff, v5  }
0x22b: {  	[tilespmem:s24+$0x50] =	vst.add.f32.msk $0xffff, v0  }
0x22c: {  	[tilespmem:s24+$0x60] =	vst.add.f32.msk $0xffff, v1  }
0x22d: {  	s23 =	simm.s32 $0x0;
	s24 =	rddreg [dreg:$0x1d]  }
0x22e: {  	[hbm4b:s24+s23] =	stream.linear.scatter [tilespmem:s13], [sflag:$0x6], $0x4000, $0x38;
	[tilespmem:$0x1C000] =	vst v63  }
0x22f: {  	_ =	swait.ge [sflag:s19], $0x4000  }
0x230: {  	s29 =	sld [smem:$0x7FD]  }
0x231: {  	s25 =	simm.s32 $0x0;
	[sflag:s19] =	ssyncset.done $0x0  }
0x232: {  	s26 =	simm.s32 $0x0;
	s30 =	sand.u32 $0xFFFFE000, s23;
	[sflag:s19] =	ssyncadd.s32 $0xFFFFC000  }
0x233: {  	[tilespmem:s10], [sflag:$0x2] =	stream.linear.gather [hbm4b:s29+s23], $0x4000, $0x38;
	[tilespmem:$0x1C000] =	vst v63  }
0x234: {  	s25 =	sand.u32 $0x380, s25;
	s24 =	sadd.s32 $0x0, s30;
	_ =	swait.ge [sflag:s12], $0x4000  }
0x235: {  	s31 =	sand.u32 $0xFFFFE000, s26;
	s24 =	sadd.s32 s25, s24;
	[sflag:s12] =	ssyncset.done $0x0  }
0x236: {  	s24 =	ssub.s32 s24, s31;
	[sflag:s12] =	ssyncadd.s32 $0xFFFFC000  }
0x237: {  	v0 =	vld [tilespmem:s24+$0x70]  }
0x238: {  	v5 =	vld [tilespmem:s24+$0x0]  }
0x239: {  	v6 =	vld [tilespmem:s24+$0x10]  }
0x23a: {  	v4 =	vld [tilespmem:s24+$0x20]  }
0x23b: {  	v2 =	vld [tilespmem:s24+$0x30]  }
0x23c: {  	v3 =	vld [tilespmem:s24+$0x40]  }
0x23d: {  	v1 =	vld [tilespmem:s24+$0x60]  }
0x23e: {  	[tilespmem:s24+$0x10070] =	vst.add.f32.msk $0xffff, v0  }
0x23f: {  	v0 =	vld [tilespmem:s24+$0x50]  }
0x240: {  	[tilespmem:s24+$0x10000] =	vst.add.f32.msk $0xffff, v5  }
0x241: {  	s26 =	simm.s32 $0x80;
	s25 =	simm.s32 $0x0;
	[tilespmem:s24+$0x10010] =	vst.add.f32.msk $0xffff, v6  }
.LBB2_26:
0x242: {  	s28 =	sshll.u32 s26, $0x3;
	[tilespmem:s24+$0x10020] =	vst.add.f32.msk $0xffff, v4;
	s23 =	sadd.s32 $0x400, s23  }
0x243: {  	s29 =	sand.u32 $0xFFFFE000, s26;
	s30 =	sshrl.u32 s26, $0x3;
	s25 =	sadd.s32 $0x80, s25;
	[tilespmem:s24+$0x10030] =	vst.add.f32.msk $0xffff, v2  }
0x244: {  	s29 =	sadd.s32 s29, s23;
	s30 =	sand.u32 $0x380, s30;
	p0 =	slt.u32 s25, $0x3F80;
	[tilespmem:s24+$0x10040] =	vst.add.f32.msk $0xffff, v3  }
0x245: {  	s28 =	sand.u32 $0xFFFFE000, s28;
	s29 =	sadd.s32 s30, s29;
	[tilespmem:s24+$0x10050] =	vst.add.f32.msk $0xffff, v0  }
0x246: {  	[tilespmem:s24+$0x10060] =	vst.add.f32.msk $0xffff, v1;
	s24 =	ssub.s32 s29, s28  }
0x247: {  	v0 =	vld [tilespmem:s24+$0x70]  }
0x248: {  	v5 =	vld [tilespmem:s24+$0x0]  }
0x249: {  	v6 =	vld [tilespmem:s24+$0x10]  }
0x24a: {  	v4 =	vld [tilespmem:s24+$0x20]  }
0x24b: {  	v2 =	vld [tilespmem:s24+$0x30]  }
0x24c: {  	[tilespmem:s24+$0x10070] =	vst.add.f32.msk $0xffff, v0  }
.Ltmp12:
0x24d: {  	v3 =	vld [tilespmem:s24+$0x40];
	(pc) =	sbr.rel @p0 .LBB2_26-.Ltmp12, $4  }
0x24e: {  	v0 =	vld [tilespmem:s24+$0x50]  }
0x24f: {  	v1 =	vld [tilespmem:s24+$0x60]  }
0x250: {  	[tilespmem:s24+$0x10000] =	vst.add.f32.msk $0xffff, v5  }
0x251: {  	s26 =	sadd.s32 $0x80, s26;
	[tilespmem:s24+$0x10010] =	vst.add.f32.msk $0xffff, v6  }
0x252: {  	[tilespmem:s24+$0x10020] =	vst.add.f32.msk $0xffff, v4  }
0x253: {  	[tilespmem:s24+$0x10030] =	vst.add.f32.msk $0xffff, v2  }
0x254: {  	[tilespmem:s24+$0x10040] =	vst.add.f32.msk $0xffff, v3  }
0x255: {  	[tilespmem:s24+$0x10050] =	vst.add.f32.msk $0xffff, v0  }
0x256: {  	[tilespmem:s24+$0x10060] =	vst.add.f32.msk $0xffff, v1  }
0x257: {  	s23 =	simm.s32 $0x0;
	s24 =	rddreg [dreg:$0x1f]  }
0x258: {  	[hbm4b:s24+s23] =	stream.linear.scatter [tilespmem:s9], [sflag:$0x4], $0x4000, $0x38;
	[tilespmem:$0x1C000] =	vst v63  }
0x259: {  	_ =	swait.ge [sflag:s21], $0x4000  }
0x25a: {  	[sflag:s21] =	ssyncset.done $0x0  }
0x25b: {  	s29 =	simm.s32 $0x0;
	s30 =	simm.s32 $0x0;
	[sflag:s21] =	ssyncadd.s32 $0xFFFFC000  }
0x25c: {  	[tilespmem:s13], [sflag:$0x3] =	stream.linear.gather [hbm4b:s4+s23], $0x4000, $0x38;
	[tilespmem:$0x1C000] =	vst v63  }
0x25d: {  	s24 =	sand.u32 $0xFFFF8000, s30;
	s23 =	sand.u32 $0xFFFF8000, s29  }
0x25e: {  	s23 =	ssub.s32 s23, s24  }
0x25f: {  	s31 =	simm.s32 $0x0;
	_ =	swait.ge [sflag:s15], $0x4000;
	s23 =	sshra.s32 s23, $0x2  }
0x260: {  	s24 =	sand.u32 $0x380, s31;
	[sflag:s15] =	ssyncset.done $0x0;
	s25 =	sadd.s32 $0x4040, s23  }
0x261: {  	[sflag:s15] =	ssyncadd.s32 $0xFFFFC000;
	s25 =	sadd.s32 s24, s25  }
0x262: {  	v0 =	vld [tilespmem:s25+$0x30]  }
0x263: {  	v6 =	vld [tilespmem:s25+$0xFFFFFFC0]  }
0x264: {  	v2 =	vld [tilespmem:s25+$0xFFFFFFD0]  }
0x265: {  	v3 =	vld [tilespmem:s25+$0xFFFFFFE0]  }
0x266: {  	v4 =	vld [tilespmem:s25+$0xFFFFFFF0]  }
0x267: {  	s23 =	sadd.s32 $0x14000, s23;
	v5 =	vld [tilespmem:s25+$0x0]  }
0x268: {  	s24 =	sadd.s32 s24, s23;
	v1 =	vld [tilespmem:s25+$0x20]  }
0x269: {  	[tilespmem:s24+$0x70] =	vst.add.f32.msk $0xffff, v0  }
0x26a: {  	s26 =	simm.s32 $0x0;
	v0 =	vld [tilespmem:s25+$0x10]  }
0x26b: {  	s28 =	simm.s32 $0x80;
	s23 =	simm.s32 $0x14000;
	s25 =	simm.s32 $0x4040;
	[tilespmem:s24+$0x0] =	vst.add.f32.msk $0xffff, v6  }
.LBB2_28:
0x26c: {  	s29 =	sshll.u32 s28, $0x2;
	s30 =	sshll.u32 s28, $0x5;
	s26 =	sadd.s32 $0x80, s26;
	[tilespmem:s24+$0x10] =	vst.add.f32.msk $0xffff, v2  }
0x26d: {  	s29 =	sand.u32 $0xFFFF8000, s29;
	s30 =	sand.u32 $0xFFFF8000, s30;
	p0 =	slt.u32 s26, $0x3F80;
	[tilespmem:s24+$0x20] =	vst.add.f32.msk $0xffff, v3  }
0x26e: {  	s29 =	ssub.s32 s29, s30;
	[tilespmem:s24+$0x30] =	vst.add.f32.msk $0xffff, v4  }
0x26f: {  	s25 =	sadd.s32 $0x400, s25;
	s30 =	sshrl.u32 s28, $0x3;
	s29 =	sshra.s32 s29, $0x2;
	[tilespmem:s24+$0x40] =	vst.add.f32.msk $0xffff, v5  }
0x270: {  	s30 =	sand.u32 $0x380, s30;
	s31 =	sadd.s32 s29, s25;
	[tilespmem:s24+$0x50] =	vst.add.f32.msk $0xffff, v0  }
0x271: {  	s31 =	sadd.s32 s30, s31;
	[tilespmem:s24+$0x60] =	vst.add.f32.msk $0xffff, v1  }
0x272: {  	v0 =	vld [tilespmem:s31+$0x30]  }
0x273: {  	v6 =	vld [tilespmem:s31+$0xFFFFFFC0]  }
0x274: {  	s23 =	sadd.s32 $0x400, s23;
	v2 =	vld [tilespmem:s31+$0xFFFFFFD0]  }
0x275: {  	s24 =	sadd.s32 s29, s23;
	v3 =	vld [tilespmem:s31+$0xFFFFFFE0]  }
0x276: {  	s24 =	sadd.s32 s30, s24;
	v4 =	vld [tilespmem:s31+$0xFFFFFFF0]  }
.Ltmp13:
0x277: {  	[tilespmem:s24+$0x70] =	vst.add.f32.msk $0xffff, v0;
	(pc) =	sbr.rel @p0 .LBB2_28-.Ltmp13, $4  }
0x278: {  	v5 =	vld [tilespmem:s31+$0x0]  }
0x279: {  	v0 =	vld [tilespmem:s31+$0x10]  }
0x27a: {  	v1 =	vld [tilespmem:s31+$0x20]  }
0x27b: {  	s28 =	sadd.s32 $0x80, s28;
	[tilespmem:s24+$0x0] =	vst.add.f32.msk $0xffff, v6  }
0x27c: {  	[tilespmem:s24+$0x10] =	vst.add.f32.msk $0xffff, v2  }
0x27d: {  	[tilespmem:s24+$0x20] =	vst.add.f32.msk $0xffff, v3  }
0x27e: {  	[tilespmem:s24+$0x30] =	vst.add.f32.msk $0xffff, v4  }
0x27f: {  	[tilespmem:s24+$0x40] =	vst.add.f32.msk $0xffff, v5  }
0x280: {  	[tilespmem:s24+$0x50] =	vst.add.f32.msk $0xffff, v0  }
0x281: {  	s23 =	simm.s32 $0x0;
	[tilespmem:s24+$0x60] =	vst.add.f32.msk $0xffff, v1  }
0x282: {  	[hbm4b:s0+s23] =	stream.linear.scatter [tilespmem:s10], [sflag:$0x5], $0x4000, $0x38;
	[tilespmem:$0x1C000] =	vst v63  }
0x283: {  	_ =	swait.ge [sflag:s16], $0x4000  }
0x284: {  	[sflag:s16] =	ssyncset.done $0x0  }
0x285: {  	s29 =	simm.s32 $0x0;
	s30 =	simm.s32 $0x0;
	[sflag:s16] =	ssyncadd.s32 $0xFFFFC000  }
0x286: {  	[tilespmem:s9], [sflag:$0x1] =	stream.linear.gather [hbm4b:s5+s23], $0x4000, $0x38;
	[tilespmem:$0x1C000] =	vst v63  }
0x287: {  	s24 =	sand.u32 $0xFFFF8000, s30;
	s23 =	sand.u32 $0xFFFF8000, s29  }
0x288: {  	s23 =	ssub.s32 s23, s24  }
0x289: {  	s31 =	simm.s32 $0x0;
	_ =	swait.ge [sflag:s18], $0x4000;
	s23 =	sshra.s32 s23, $0x2  }
0x28a: {  	s24 =	sand.u32 $0x380, s31;
	[sflag:s18] =	ssyncset.done $0x0;
	s25 =	sadd.s32 $0x8040, s23  }
0x28b: {  	[sflag:s18] =	ssyncadd.s32 $0xFFFFC000;
	s25 =	sadd.s32 s24, s25  }
0x28c: {  	v0 =	vld [tilespmem:s25+$0x30]  }
0x28d: {  	v6 =	vld [tilespmem:s25+$0xFFFFFFC0]  }
0x28e: {  	v2 =	vld [tilespmem:s25+$0xFFFFFFD0]  }
0x28f: {  	v3 =	vld [tilespmem:s25+$0xFFFFFFE0]  }
0x290: {  	v4 =	vld [tilespmem:s25+$0xFFFFFFF0]  }
0x291: {  	s23 =	sadd.s32 $0x18000, s23;
	v5 =	vld [tilespmem:s25+$0x0]  }
0x292: {  	s24 =	sadd.s32 s24, s23;
	v1 =	vld [tilespmem:s25+$0x20]  }
0x293: {  	[tilespmem:s24+$0x70] =	vst.add.f32.msk $0xffff, v0  }
0x294: {  	s26 =	simm.s32 $0x0;
	v0 =	vld [tilespmem:s25+$0x10]  }
0x295: {  	s28 =	simm.s32 $0x80;
	s23 =	simm.s32 $0x18000;
	s25 =	simm.s32 $0x8040;
	[tilespmem:s24+$0x0] =	vst.add.f32.msk $0xffff, v6  }
.LBB2_30:
0x296: {  	s29 =	sshll.u32 s28, $0x2;
	s30 =	sshll.u32 s28, $0x5;
	s26 =	sadd.s32 $0x80, s26;
	[tilespmem:s24+$0x10] =	vst.add.f32.msk $0xffff, v2  }
0x297: {  	s29 =	sand.u32 $0xFFFF8000, s29;
	s30 =	sand.u32 $0xFFFF8000, s30;
	p0 =	slt.u32 s26, $0x3F80;
	[tilespmem:s24+$0x20] =	vst.add.f32.msk $0xffff, v3  }
0x298: {  	s29 =	ssub.s32 s29, s30;
	[tilespmem:s24+$0x30] =	vst.add.f32.msk $0xffff, v4  }
0x299: {  	s25 =	sadd.s32 $0x400, s25;
	s30 =	sshrl.u32 s28, $0x3;
	s29 =	sshra.s32 s29, $0x2;
	[tilespmem:s24+$0x40] =	vst.add.f32.msk $0xffff, v5  }
0x29a: {  	s30 =	sand.u32 $0x380, s30;
	s31 =	sadd.s32 s29, s25;
	[tilespmem:s24+$0x50] =	vst.add.f32.msk $0xffff, v0  }
0x29b: {  	s31 =	sadd.s32 s30, s31;
	[tilespmem:s24+$0x60] =	vst.add.f32.msk $0xffff, v1  }
0x29c: {  	v0 =	vld [tilespmem:s31+$0x30]  }
0x29d: {  	v6 =	vld [tilespmem:s31+$0xFFFFFFC0]  }
0x29e: {  	s23 =	sadd.s32 $0x400, s23;
	v2 =	vld [tilespmem:s31+$0xFFFFFFD0]  }
0x29f: {  	s24 =	sadd.s32 s29, s23;
	v3 =	vld [tilespmem:s31+$0xFFFFFFE0]  }
0x2a0: {  	s24 =	sadd.s32 s30, s24;
	v4 =	vld [tilespmem:s31+$0xFFFFFFF0]  }
.Ltmp14:
0x2a1: {  	[tilespmem:s24+$0x70] =	vst.add.f32.msk $0xffff, v0;
	(pc) =	sbr.rel @p0 .LBB2_30-.Ltmp14, $4  }
0x2a2: {  	v5 =	vld [tilespmem:s31+$0x0]  }
0x2a3: {  	v0 =	vld [tilespmem:s31+$0x10]  }
0x2a4: {  	v1 =	vld [tilespmem:s31+$0x20]  }
0x2a5: {  	s28 =	sadd.s32 $0x80, s28;
	[tilespmem:s24+$0x0] =	vst.add.f32.msk $0xffff, v6  }
0x2a6: {  	[tilespmem:s24+$0x10] =	vst.add.f32.msk $0xffff, v2  }
0x2a7: {  	[tilespmem:s24+$0x20] =	vst.add.f32.msk $0xffff, v3  }
0x2a8: {  	[tilespmem:s24+$0x30] =	vst.add.f32.msk $0xffff, v4  }
0x2a9: {  	[tilespmem:s24+$0x40] =	vst.add.f32.msk $0xffff, v5  }
0x2aa: {  	[tilespmem:s24+$0x50] =	vst.add.f32.msk $0xffff, v0  }
0x2ab: {  	s23 =	simm.s32 $0x0;
	s29 =	simm.s32 $0x0;
	s30 =	simm.s32 $0x0;
	[tilespmem:s24+$0x60] =	vst.add.f32.msk $0xffff, v1  }
0x2ac: {  	[hbm4b:s6+s23] =	stream.linear.scatter [tilespmem:s13], [sflag:$0x6], $0x4000, $0x38;
	[tilespmem:$0x1C000] =	vst v63  }
0x2ad: {  	s24 =	sand.u32 $0xFFFF8000, s30;
	s23 =	sand.u32 $0xFFFF8000, s29  }
0x2ae: {  	s23 =	ssub.s32 s23, s24  }
0x2af: {  	s31 =	simm.s32 $0x0;
	_ =	swait.ge [sflag:s12], $0x4000;
	s23 =	sshra.s32 s23, $0x2  }
0x2b0: {  	s24 =	sand.u32 $0x380, s31;
	[sflag:s12] =	ssyncset.done $0x0;
	s25 =	sadd.s32 $0xC040, s23  }
0x2b1: {  	[sflag:s12] =	ssyncadd.s32 $0xFFFFC000;
	s25 =	sadd.s32 s24, s25  }
0x2b2: {  	v0 =	vld [tilespmem:s25+$0x30]  }
0x2b3: {  	v6 =	vld [tilespmem:s25+$0xFFFFFFC0]  }
0x2b4: {  	v2 =	vld [tilespmem:s25+$0xFFFFFFD0]  }
0x2b5: {  	v3 =	vld [tilespmem:s25+$0xFFFFFFE0]  }
0x2b6: {  	v4 =	vld [tilespmem:s25+$0xFFFFFFF0]  }
0x2b7: {  	s23 =	sadd.s32 $0x10000, s23;
	v5 =	vld [tilespmem:s25+$0x0]  }
0x2b8: {  	s24 =	sadd.s32 s24, s23;
	v1 =	vld [tilespmem:s25+$0x20]  }
0x2b9: {  	[tilespmem:s24+$0x70] =	vst.add.f32.msk $0xffff, v0  }
0x2ba: {  	s26 =	simm.s32 $0x0;
	v0 =	vld [tilespmem:s25+$0x10]  }
0x2bb: {  	s28 =	simm.s32 $0x80;
	s23 =	simm.s32 $0x10000;
	s25 =	simm.s32 $0xC040;
	[tilespmem:s24+$0x0] =	vst.add.f32.msk $0xffff, v6  }
.LBB2_32:
0x2bc: {  	s29 =	sshll.u32 s28, $0x2;
	s30 =	sshll.u32 s28, $0x5;
	s26 =	sadd.s32 $0x80, s26;
	[tilespmem:s24+$0x10] =	vst.add.f32.msk $0xffff, v2  }
0x2bd: {  	s29 =	sand.u32 $0xFFFF8000, s29;
	s30 =	sand.u32 $0xFFFF8000, s30;
	p0 =	slt.u32 s26, $0x3F80;
	[tilespmem:s24+$0x20] =	vst.add.f32.msk $0xffff, v3  }
0x2be: {  	s29 =	ssub.s32 s29, s30;
	[tilespmem:s24+$0x30] =	vst.add.f32.msk $0xffff, v4  }
0x2bf: {  	s25 =	sadd.s32 $0x400, s25;
	s30 =	sshrl.u32 s28, $0x3;
	s29 =	sshra.s32 s29, $0x2;
	[tilespmem:s24+$0x40] =	vst.add.f32.msk $0xffff, v5  }
0x2c0: {  	s30 =	sand.u32 $0x380, s30;
	s31 =	sadd.s32 s29, s25;
	[tilespmem:s24+$0x50] =	vst.add.f32.msk $0xffff, v0  }
0x2c1: {  	s31 =	sadd.s32 s30, s31;
	[tilespmem:s24+$0x60] =	vst.add.f32.msk $0xffff, v1  }
0x2c2: {  	v0 =	vld [tilespmem:s31+$0x30]  }
0x2c3: {  	v6 =	vld [tilespmem:s31+$0xFFFFFFC0]  }
0x2c4: {  	s23 =	sadd.s32 $0x400, s23;
	v2 =	vld [tilespmem:s31+$0xFFFFFFD0]  }
0x2c5: {  	s24 =	sadd.s32 s29, s23;
	v3 =	vld [tilespmem:s31+$0xFFFFFFE0]  }
0x2c6: {  	s24 =	sadd.s32 s30, s24;
	v4 =	vld [tilespmem:s31+$0xFFFFFFF0]  }
.Ltmp15:
0x2c7: {  	[tilespmem:s24+$0x70] =	vst.add.f32.msk $0xffff, v0;
	(pc) =	sbr.rel @p0 .LBB2_32-.Ltmp15, $4  }
0x2c8: {  	v5 =	vld [tilespmem:s31+$0x0]  }
0x2c9: {  	v0 =	vld [tilespmem:s31+$0x10]  }
0x2ca: {  	v1 =	vld [tilespmem:s31+$0x20]  }
0x2cb: {  	s28 =	sadd.s32 $0x80, s28;
	[tilespmem:s24+$0x0] =	vst.add.f32.msk $0xffff, v6  }
0x2cc: {  	[tilespmem:s24+$0x10] =	vst.add.f32.msk $0xffff, v2  }
0x2cd: {  	[tilespmem:s24+$0x20] =	vst.add.f32.msk $0xffff, v3  }
0x2ce: {  	[tilespmem:s24+$0x30] =	vst.add.f32.msk $0xffff, v4  }
0x2cf: {  	[tilespmem:s24+$0x40] =	vst.add.f32.msk $0xffff, v5  }
0x2d0: {  	[tilespmem:s24+$0x50] =	vst.add.f32.msk $0xffff, v0  }
0x2d1: {  	[tilespmem:s24+$0x60] =	vst.add.f32.msk $0xffff, v1  }
0x2d2: {  	[hbm4b:s7+s1] =	stream.linear.scatter [tilespmem:s9], [sflag:$0x4], $0x4000, $0x38;
	[tilespmem:$0x1C000] =	vst v63  }
0x2d3: {  	_ =	swait.ge [sflag:s19], $0x4000  }
0x2d4: {  	[sflag:s19] =	ssyncset.done $0x0  }
0x2d5: {  	s22 =	sadd.s32 $0x1, s22;
	[sflag:s19] =	ssyncadd.s32 $0xFFFFC000  }
0x2d6: {  	p0 =	sne.s32 s22, s8;
	_ =	swait.ge [sflag:s21], $0x4000  }
.Ltmp16:
0x2d7: {  	[sflag:s21] =	ssyncset.done $0x0;
	(pc) =	sbr.rel @p0 .LBB2_1-.Ltmp16, $4  }
0x2d8: {  	[sflag:s21] =	ssyncadd.s32 $0xFFFFC000  }
0x2d9: {  	_ =	swait.ge [sflag:s16], $0x4000  }
0x2da: {  	[sflag:s16] =	ssyncset.done $0x0  }
0x2db: {  	[sflag:s16] =	ssyncadd.s32 $0xFFFFC000  }
0x2dc: {  	_ =	sfence.sel $0x180000  }
0x2dd: {  	[bflag:$0x0] =	sbarrier.arrive $0xFFFF  }
0x2de: {  	_ =	strace $0x90000047  }
0x2df: {  	s0 =	stileid.u32;
	[bflag:$0x2] =	sbarrier.arrive $0xFFFF  }
0x2e0: {  	p0 =	sne.s32 s0, $0x0;
	s0 =	rddreg [dreg:$0x3]  }
0x2e1: {  	s0 =	sadd.s32 @!p0 $0x100000, s0  }
0x2e2: {  	[sflag:s0] =	ssyncadd.tile.s32 @!p0 $0x1;
	_ =	shalt  }
.Lfunc_end2:
_tile_overlayer_lowered:
.L_overlay_start_2:
0x2e3: {  	(tag) =	ssettag $0x2  }
0x2e4: {  	s0 =	rddreg [dreg:$0x0];
	s2 =	stileid.u32  }
0x2e5: {  	s1 =	rddreg [dreg:$0x1];
	p0 =	sne.s32 s2, $0x0  }
0x2e6: {  	s3 =	rddreg [dreg:$0x2];
	[bflag:$0x3] =	sbarrier.arrive $0xFFFF;
	s2 =	simm.s32 @!p0 $0x1C0B  }
0x2e7: {  	[timem:s3], [sflag:s2] =	dma.local @!p0 [hbm:s0], s1  }
0x2e8: {  	s0 =	simm.s32 @!p0 $0xB  }
0x2e9: {  	_ =	swait.ge @!p0 [sflag:s0], s1  }
0x2ea: {  	s1 =	ssub.s32 @!p0 $0x0, s1;
	[sflag:s0] =	ssyncset.done @!p0 $0x0  }
0x2eb: {  	[sflag:s0] =	ssyncadd.s32 @!p0 s1  }
0x2ec: {  	[bflag:$0x3] =	sbarrier.arrive $0xFFFF  }
0x2ed: {  	_ =	shalt  }

</sc_bundles>
